<compile_context>
chip_gen: v7x
topology: tpu7x:2x2x1
jax: 0.10.2.dev20260603
libtpu: 0.0.44.dev20260713+nightly
codegen_flags: <defaults>
</compile_context>

<pallas_src>
import functools

import jax
import jax.numpy as jnp
from jax import lax
from jax.experimental import pallas as pl
from jax.experimental.pallas import tpu as pltpu
from jax.experimental.pallas import tpu_sc as plsc

VOCAB = 100000
DIM = 64
SEQ = 200
BATCH = 4096

NUM_CORES = 2
NUM_SUBCORES = 16
NUM_WORKERS = NUM_CORES * NUM_SUBCORES
BBLK = BATCH // NUM_WORKERS
LANES = 16
NBUF = 4
NIDX = 2 * NBUF


def _build_sc_kernel():
    mesh = plsc.VectorSubcoreMesh(core_axis_name="c", subcore_axis_name="s")

    @functools.partial(
        pl.kernel,
        mesh=mesh,
        compiler_params=pltpu.CompilerParams(use_tc_tiling_on_sc=False,
                                             needs_layout_passes=False),
        out_type=jax.ShapeDtypeStruct((SEQ * (DIM // 8), NUM_WORKERS, 8, 128),
                                      jnp.float32),
        scratch_types=[
            pltpu.VMEM((SEQ // 2, 2 * DIM), jnp.float32),
            [pltpu.VMEM((1, BBLK), jnp.int32)] * NIDX,
            [pltpu.VMEM((BBLK, DIM), jnp.float32)] * NBUF,
            [pltpu.VMEM((8, 1, 8, 129), jnp.float32)] * NBUF,
            [pltpu.SemaphoreType.DMA] * NIDX,
            [pltpu.SemaphoreType.DMA] * NBUF,
            [pltpu.SemaphoreType.DMA] * NBUF,
        ],
    )
    def k(ids_hbm, emb_hbm, pos_hbm, out_hbm, pos_vm, idxs, bufs, slabs,
          isems, gsems, wsems):
        wid = lax.axis_index("s") * NUM_CORES + lax.axis_index("c")
        pltpu.sync_copy(pos_hbm, pos_vm)

        kv = lax.iota(jnp.int32, 16)
        row_base = lax.shift_right_logical(kv, 1 + 1 + 1)
        dp_v = kv & 7
        zero_v = kv & 0

        def start_idx(jj, s):
            pltpu.async_copy(ids_hbm.at[pl.ds(jj * NUM_WORKERS + wid, 1)],
                             idxs[s], isems[s])

        def wait_idx(jj, s):
            pltpu.make_async_copy(
                ids_hbm.at[pl.ds(jj * NUM_WORKERS + wid, 1)],
                idxs[s], isems[s]).wait()

        def start_gather(s, b):
            pltpu.async_copy(emb_hbm.at[idxs[s].at[0]], bufs[b], gsems[b])

        def wait_gather(s, b):
            pltpu.make_async_copy(emb_hbm.at[idxs[s].at[0]], bufs[b],
                                  gsems[b]).wait()

        def out_slice(jj):
            return out_hbm.at[pl.ds(jj * (DIM // 8), DIM // 8),
                              pl.ds(wid, 1), :, :]

        def slab_src(b):
            return slabs[b].at[:, :, :, pl.ds(0, 128)]

        for s in range(NIDX):
            start_idx(s, s)
        for b in range(NBUF):
            wait_idx(b, b)
            start_gather(b, b)

        @pl.loop(0, SEQ, step=NIDX)
        def _(j):
            for bb in range(NIDX):
                jj = j + bb
                b = bb % NBUF
                wait_gather(bb, b)

                @pl.when(jj >= NBUF)
                def _():
                    pltpu.make_async_copy(slab_src(b), out_slice(jj - NBUF),
                                          wsems[b]).wait()

                lh = jj // 2
                lc0 = (jj % 2) * DIM
                pvec = [pos_vm.at[lh, pl.ds(lc0 + c * LANES, LANES)][...]
                        for c in range(4)]
                dt = [row_base + 2 * c for c in range(4)]

                @pl.loop(0, BBLK, step=2)
                def _(t):
                    vals = []
                    for tt in range(2):
                        for c in range(4):
                            v = bufs[b].at[t + tt,
                                           pl.ds(c * LANES, LANES)][...]
                            vals.append(v + pvec[c])
                    for tt in range(2):
                        t_v = zero_v + (t + tt)
                        for c in range(4):
                            plsc.store_scatter(slabs[b],
                                               [dt[c], zero_v, dp_v, t_v],
                                               vals[tt * 4 + c])

                pltpu.async_copy(slab_src(b), out_slice(jj), wsems[b])

                @pl.when(jj + NBUF < SEQ)
                def _():
                    s = (bb + NBUF) % NIDX
                    wait_idx(jj + NBUF, s)
                    start_gather(s, b)

                @pl.when(jj + NIDX < SEQ)
                def _():
                    start_idx(jj + NIDX, bb)

        for b in range(NBUF):
            jj = SEQ - NBUF + b
            pltpu.make_async_copy(slab_src(b), out_slice(jj),
                                  wsems[b]).wait()

    return k


_sc_kernel = _build_sc_kernel()


def kernel(token_ids, emb_table, pos_table):
    ids = token_ids.astype(jnp.int32).T.reshape(SEQ * NUM_WORKERS, BBLK)
    pos = pos_table[:SEQ].reshape(SEQ // 2, 2 * DIM)
    out = _sc_kernel(ids, emb_table, pos)
    out = out.reshape(SEQ, DIM // 8, NUM_WORKERS, 8, BBLK)
    out = out.transpose(2, 4, 0, 1, 3).reshape(BATCH, SEQ, DIM)
    return out

# --- scband reference (transcript-rebuilt; emitter-appended) ---
"""Pipeline reference for scband-gptembedder-28123445854881 (READ-ONLY COPY).

The authoritative reference and input builder live on the scoring server;
editing this copy changes nothing except your own understanding.
"""

import jax, jax.numpy as jnp
import numpy as np

VOCAB = 100000
DIM = 64
MAX_SEQ_LEN = 200
BATCH = 4096


def setup_inputs(seed: int = 0) -> dict:
    key = jax.random.key(seed)
    k1, k2, k3 = jax.random.split(key, 3)
    token_ids = jax.random.randint(k1, (BATCH, MAX_SEQ_LEN), 0, VOCAB, dtype=jnp.int64 if jax.config.jax_enable_x64 else jnp.int32)
    emb_table = jax.random.normal(k2, (VOCAB, DIM), dtype=jnp.float32) * 0.02
    pos_table = jax.random.normal(k3, (VOCAB, DIM), dtype=jnp.float32) * 0.02
    return {"token_ids": token_ids, "emb_table": emb_table, "pos_table": pos_table}


def reference(token_ids, emb_table, pos_table):
    # semantic embeddings: gather rows of the embedding table
    semantic_embeddings = jnp.take(emb_table, token_ids, axis=0)  # [B, L, D]
    # positional embeddings: first max_seq_len rows of the positional table
    positional_embeddings = jnp.take(pos_table, jnp.arange(MAX_SEQ_LEN), axis=0)  # [L, D]
    return semantic_embeddings + positional_embeddings[None, :, :]

if __name__ == "__main__":
    import jax
    _d = setup_inputs()
    print(jax.jit(kernel)(*tuple(_d.values())))

</pallas_src>

<mosaic_0001>
#map = affine_map<(d0, d1) -> (0, 0)>
#map1 = affine_map<(d0, d1) -> (0, 0, 0, 0)>
module attributes {stable_mosaic.version = 14 : i64} {
  func.func @k(%arg0: i32, %arg1: i32, %arg2: memref<6400x128xi32, #tpu.memory_space<hbm>>, %arg3: memref<100000x64xf32, #tpu.memory_space<hbm>>, %arg4: memref<100x128xf32, #tpu.memory_space<hbm>>, %arg5: memref<1600x32x8x128xf32, #tpu.memory_space<hbm>>, %arg6: memref<100x128xf32, #tpu.memory_space<vmem>>, %arg7: memref<1x128xi32, #tpu.memory_space<vmem>>, %arg8: memref<1x128xi32, #tpu.memory_space<vmem>>, %arg9: memref<1x128xi32, #tpu.memory_space<vmem>>, %arg10: memref<1x128xi32, #tpu.memory_space<vmem>>, %arg11: memref<1x128xi32, #tpu.memory_space<vmem>>, %arg12: memref<1x128xi32, #tpu.memory_space<vmem>>, %arg13: memref<1x128xi32, #tpu.memory_space<vmem>>, %arg14: memref<1x128xi32, #tpu.memory_space<vmem>>, %arg15: memref<128x64xf32, #tpu.memory_space<vmem>>, %arg16: memref<128x64xf32, #tpu.memory_space<vmem>>, %arg17: memref<128x64xf32, #tpu.memory_space<vmem>>, %arg18: memref<128x64xf32, #tpu.memory_space<vmem>>, %arg19: memref<8x1x8x129xf32, #tpu.memory_space<vmem>>, %arg20: memref<8x1x8x129xf32, #tpu.memory_space<vmem>>, %arg21: memref<8x1x8x129xf32, #tpu.memory_space<vmem>>, %arg22: memref<8x1x8x129xf32, #tpu.memory_space<vmem>>, %arg23: memref<!tpu.dma_semaphore, #tpu.memory_space<semaphore_mem>>, %arg24: memref<!tpu.dma_semaphore, #tpu.memory_space<semaphore_mem>>, %arg25: memref<!tpu.dma_semaphore, #tpu.memory_space<semaphore_mem>>, %arg26: memref<!tpu.dma_semaphore, #tpu.memory_space<semaphore_mem>>, %arg27: memref<!tpu.dma_semaphore, #tpu.memory_space<semaphore_mem>>, %arg28: memref<!tpu.dma_semaphore, #tpu.memory_space<semaphore_mem>>, %arg29: memref<!tpu.dma_semaphore, #tpu.memory_space<semaphore_mem>>, %arg30: memref<!tpu.dma_semaphore, #tpu.memory_space<semaphore_mem>>, %arg31: memref<!tpu.dma_semaphore, #tpu.memory_space<semaphore_mem>>, %arg32: memref<!tpu.dma_semaphore, #tpu.memory_space<semaphore_mem>>, %arg33: memref<!tpu.dma_semaphore, #tpu.memory_space<semaphore_mem>>, %arg34: memref<!tpu.dma_semaphore, #tpu.memory_space<semaphore_mem>>, %arg35: memref<!tpu.dma_semaphore, #tpu.memory_space<semaphore_mem>>, %arg36: memref<!tpu.dma_semaphore, #tpu.memory_space<semaphore_mem>>, %arg37: memref<!tpu.dma_semaphore, #tpu.memory_space<semaphore_mem>>, %arg38: memref<!tpu.dma_semaphore, #tpu.memory_space<semaphore_mem>>) attributes {dimension_semantics = [#tpu.dimension_semantics<core_parallel>, #tpu.dimension_semantics<subcore_parallel>], iteration_bounds = array<i64: 2, 16>, scalar_prefetch = 0 : i64, scratch_operands = 33 : i64, tpu.core_type = #tpu.core_type<sc_vector_subcore>, window_params = [{transform_indices = #map}, {transform_indices = #map}, {transform_indices = #map}, {transform_indices = #map1}]} {
    %mul3A = arith.constant 2 : i32
    %mul3A_0 = arith.muli %arg1, %mul3A : i32
    %add3A = arith.addi %mul3A_0, %arg0 : i32
    "tpu.region"() ({
      %run_scoped3A = tpu.sem_alloc : memref<!tpu.dma_semaphore, #tpu.memory_space<semaphore_mem>>
      tpu.enqueue_dma source(%arg4 : memref<100x128xf32, #tpu.memory_space<hbm>>) target(%arg6 : memref<100x128xf32, #tpu.memory_space<vmem>>) target_semaphore(%run_scoped3A : memref<!tpu.dma_semaphore, #tpu.memory_space<semaphore_mem>>)
      tpu.wait_dma2 semaphore(%run_scoped3A : memref<!tpu.dma_semaphore, #tpu.memory_space<semaphore_mem>>) src(%arg4 : memref<100x128xf32, #tpu.memory_space<hbm>>) dst(%arg6 : memref<100x128xf32, #tpu.memory_space<vmem>>)
      tpu.yield
    }) : () -> ()
    %iota3A = tpu.iota {dimensions = array<i32: 0>} : vector<16xi32>
    %shift_right_logical3A = arith.constant 3 : i32
    %shift_right_logical3A_1 = vector.broadcast %shift_right_logical3A : i32 to vector<16xi32>
    %shift_right_logical3A_2 = arith.shrui %iota3A, %shift_right_logical3A_1 : vector<16xi32>
    %and3A = arith.constant 7 : i32
    %and3A_3 = vector.broadcast %and3A : i32 to vector<16xi32>
    %and3A_4 = arith.andi %iota3A, %and3A_3 : vector<16xi32>
    %and3A_5 = arith.constant 0 : i32
    %and3A_6 = vector.broadcast %and3A_5 : i32 to vector<16xi32>
    %and3A_7 = arith.andi %iota3A, %and3A_6 : vector<16xi32>
    %add3A_8 = arith.constant 0 : i32
    %add3A_9 = arith.addi %add3A_8, %add3A : i32
    %dma_start3A = arith.constant 0 : i32
    %dma_start3A_10 = tpu.memref_slice %arg2[%add3A_9, %dma_start3A] : memref<6400x128xi32, #tpu.memory_space<hbm>> -> memref<1x128xi32, #tpu.memory_space<hbm>>
    %dma_start3A_11 = arith.constant 0 : i32
    %dma_start3A_12 = tpu.memref_slice %arg2[%add3A_9, %dma_start3A_11] : memref<6400x128xi32, #tpu.memory_space<hbm>> -> memref<1x128xi32, #tpu.memory_space<hbm>>
    tpu.enqueue_dma source(%dma_start3A_12 : memref<1x128xi32, #tpu.memory_space<hbm>>) target(%arg7 : memref<1x128xi32, #tpu.memory_space<vmem>>) target_semaphore(%arg23 : memref<!tpu.dma_semaphore, #tpu.memory_space<semaphore_mem>>)
    %add3A_13 = arith.constant 32 : i32
    %add3A_14 = arith.addi %add3A_13, %add3A : i32
    %dma_start3A_15 = arith.constant 0 : i32
    %dma_start3A_16 = tpu.memref_slice %arg2[%add3A_14, %dma_start3A_15] : memref<6400x128xi32, #tpu.memory_space<hbm>> -> memref<1x128xi32, #tpu.memory_space<hbm>>
    %dma_start3A_17 = arith.constant 0 : i32
    %dma_start3A_18 = tpu.memref_slice %arg2[%add3A_14, %dma_start3A_17] : memref<6400x128xi32, #tpu.memory_space<hbm>> -> memref<1x128xi32, #tpu.memory_space<hbm>>
    tpu.enqueue_dma source(%dma_start3A_18 : memref<1x128xi32, #tpu.memory_space<hbm>>) target(%arg8 : memref<1x128xi32, #tpu.memory_space<vmem>>) target_semaphore(%arg24 : memref<!tpu.dma_semaphore, #tpu.memory_space<semaphore_mem>>)
    %add3A_19 = arith.constant 64 : i32
    %add3A_20 = arith.addi %add3A_19, %add3A : i32
    %dma_start3A_21 = arith.constant 0 : i32
    %dma_start3A_22 = tpu.memref_slice %arg2[%add3A_20, %dma_start3A_21] : memref<6400x128xi32, #tpu.memory_space<hbm>> -> memref<1x128xi32, #tpu.memory_space<hbm>>
    %dma_start3A_23 = arith.constant 0 : i32
    %dma_start3A_24 = tpu.memref_slice %arg2[%add3A_20, %dma_start3A_23] : memref<6400x128xi32, #tpu.memory_space<hbm>> -> memref<1x128xi32, #tpu.memory_space<hbm>>
    tpu.enqueue_dma source(%dma_start3A_24 : memref<1x128xi32, #tpu.memory_space<hbm>>) target(%arg9 : memref<1x128xi32, #tpu.memory_space<vmem>>) target_semaphore(%arg25 : memref<!tpu.dma_semaphore, #tpu.memory_space<semaphore_mem>>)
    %add3A_25 = arith.constant 96 : i32
    %add3A_26 = arith.addi %add3A_25, %add3A : i32
    %dma_start3A_27 = arith.constant 0 : i32
    %dma_start3A_28 = tpu.memref_slice %arg2[%add3A_26, %dma_start3A_27] : memref<6400x128xi32, #tpu.memory_space<hbm>> -> memref<1x128xi32, #tpu.memory_space<hbm>>
    %dma_start3A_29 = arith.constant 0 : i32
    %dma_start3A_30 = tpu.memref_slice %arg2[%add3A_26, %dma_start3A_29] : memref<6400x128xi32, #tpu.memory_space<hbm>> -> memref<1x128xi32, #tpu.memory_space<hbm>>
    tpu.enqueue_dma source(%dma_start3A_30 : memref<1x128xi32, #tpu.memory_space<hbm>>) target(%arg10 : memref<1x128xi32, #tpu.memory_space<vmem>>) target_semaphore(%arg26 : memref<!tpu.dma_semaphore, #tpu.memory_space<semaphore_mem>>)
    %add3A_31 = arith.constant 128 : i32
    %add3A_32 = arith.addi %add3A_31, %add3A : i32
    %dma_start3A_33 = arith.constant 0 : i32
    %dma_start3A_34 = tpu.memref_slice %arg2[%add3A_32, %dma_start3A_33] : memref<6400x128xi32, #tpu.memory_space<hbm>> -> memref<1x128xi32, #tpu.memory_space<hbm>>
    %dma_start3A_35 = arith.constant 0 : i32
    %dma_start3A_36 = tpu.memref_slice %arg2[%add3A_32, %dma_start3A_35] : memref<6400x128xi32, #tpu.memory_space<hbm>> -> memref<1x128xi32, #tpu.memory_space<hbm>>
    tpu.enqueue_dma source(%dma_start3A_36 : memref<1x128xi32, #tpu.memory_space<hbm>>) target(%arg11 : memref<1x128xi32, #tpu.memory_space<vmem>>) target_semaphore(%arg27 : memref<!tpu.dma_semaphore, #tpu.memory_space<semaphore_mem>>)
    %add3A_37 = arith.constant 160 : i32
    %add3A_38 = arith.addi %add3A_37, %add3A : i32
    %dma_start3A_39 = arith.constant 0 : i32
    %dma_start3A_40 = tpu.memref_slice %arg2[%add3A_38, %dma_start3A_39] : memref<6400x128xi32, #tpu.memory_space<hbm>> -> memref<1x128xi32, #tpu.memory_space<hbm>>
    %dma_start3A_41 = arith.constant 0 : i32
    %dma_start3A_42 = tpu.memref_slice %arg2[%add3A_38, %dma_start3A_41] : memref<6400x128xi32, #tpu.memory_space<hbm>> -> memref<1x128xi32, #tpu.memory_space<hbm>>
    tpu.enqueue_dma source(%dma_start3A_42 : memref<1x128xi32, #tpu.memory_space<hbm>>) target(%arg12 : memref<1x128xi32, #tpu.memory_space<vmem>>) target_semaphore(%arg28 : memref<!tpu.dma_semaphore, #tpu.memory_space<semaphore_mem>>)
    %add3A_43 = arith.constant 192 : i32
    %add3A_44 = arith.addi %add3A_43, %add3A : i32
    %dma_start3A_45 = arith.constant 0 : i32
    %dma_start3A_46 = tpu.memref_slice %arg2[%add3A_44, %dma_start3A_45] : memref<6400x128xi32, #tpu.memory_space<hbm>> -> memref<1x128xi32, #tpu.memory_space<hbm>>
    %dma_start3A_47 = arith.constant 0 : i32
    %dma_start3A_48 = tpu.memref_slice %arg2[%add3A_44, %dma_start3A_47] : memref<6400x128xi32, #tpu.memory_space<hbm>> -> memref<1x128xi32, #tpu.memory_space<hbm>>
    tpu.enqueue_dma source(%dma_start3A_48 : memref<1x128xi32, #tpu.memory_space<hbm>>) target(%arg13 : memref<1x128xi32, #tpu.memory_space<vmem>>) target_semaphore(%arg29 : memref<!tpu.dma_semaphore, #tpu.memory_space<semaphore_mem>>)
    %add3A_49 = arith.constant 224 : i32
    %add3A_50 = arith.addi %add3A_49, %add3A : i32
    %dma_start3A_51 = arith.constant 0 : i32
    %dma_start3A_52 = tpu.memref_slice %arg2[%add3A_50, %dma_start3A_51] : memref<6400x128xi32, #tpu.memory_space<hbm>> -> memref<1x128xi32, #tpu.memory_space<hbm>>
    %dma_start3A_53 = arith.constant 0 : i32
    %dma_start3A_54 = tpu.memref_slice %arg2[%add3A_50, %dma_start3A_53] : memref<6400x128xi32, #tpu.memory_space<hbm>> -> memref<1x128xi32, #tpu.memory_space<hbm>>
    tpu.enqueue_dma source(%dma_start3A_54 : memref<1x128xi32, #tpu.memory_space<hbm>>) target(%arg14 : memref<1x128xi32, #tpu.memory_space<vmem>>) target_semaphore(%arg30 : memref<!tpu.dma_semaphore, #tpu.memory_space<semaphore_mem>>)
    %add3A_55 = arith.constant 0 : i32
    %add3A_56 = arith.addi %add3A_55, %add3A : i32
    %dma_wait3A = arith.constant 0 : i32
    %dma_wait3A_57 = tpu.memref_slice %arg2[%add3A_56, %dma_wait3A] : memref<6400x128xi32, #tpu.memory_space<hbm>> -> memref<1x128xi32, #tpu.memory_space<hbm>>
    %dma_wait3A_58 = arith.constant 0 : i32
    %dma_wait3A_59 = tpu.memref_slice %arg2[%add3A_56, %dma_wait3A_58] : memref<6400x128xi32, #tpu.memory_space<hbm>> -> memref<1x128xi32, #tpu.memory_space<hbm>>
    tpu.wait_dma2 semaphore(%arg23 : memref<!tpu.dma_semaphore, #tpu.memory_space<semaphore_mem>>) src(%dma_wait3A_59 : memref<1x128xi32, #tpu.memory_space<hbm>>) dst(%arg7 : memref<1x128xi32, #tpu.memory_space<vmem>>)
    %dma_start3A_60 = arith.constant 0 : i32
    %dma_start3A_61 = arith.constant 0 : i32
    %dma_start3A_62 = tpu.memref_slice %arg7[%dma_start3A_60, %dma_start3A_61] : memref<1x128xi32, #tpu.memory_space<vmem>> -> memref<1x128xi32, #tpu.memory_space<vmem>>
    %dma_start3A_63 = tpu.memref_squeeze %dma_start3A_62 : memref<1x128xi32, #tpu.memory_space<vmem>> -> memref<128xi32, #tpu.memory_space<vmem>>
    %dma_start3A_64 = arith.constant 0 : i32
    %dma_start3A_65 = arith.constant 0 : i32
    %dma_start3A_66 = tpu.memref_slice %arg3[%dma_start3A_64, %dma_start3A_65] : memref<100000x64xf32, #tpu.memory_space<hbm>> -> memref<100000x64xf32, #tpu.memory_space<hbm>>
    tpu.enqueue_indirect_dma source(%dma_start3A_66 : memref<100000x64xf32, #tpu.memory_space<hbm>>) target(%arg15 : memref<128x64xf32, #tpu.memory_space<vmem>>) offsets(%dma_start3A_63 : memref<128xi32, #tpu.memory_space<vmem>>) semaphore(%arg31 : memref<!tpu.dma_semaphore, #tpu.memory_space<semaphore_mem>>)
    %add3A_67 = arith.constant 32 : i32
    %add3A_68 = arith.addi %add3A_67, %add3A : i32
    %dma_wait3A_69 = arith.constant 0 : i32
    %dma_wait3A_70 = tpu.memref_slice %arg2[%add3A_68, %dma_wait3A_69] : memref<6400x128xi32, #tpu.memory_space<hbm>> -> memref<1x128xi32, #tpu.memory_space<hbm>>
    %dma_wait3A_71 = arith.constant 0 : i32
    %dma_wait3A_72 = tpu.memref_slice %arg2[%add3A_68, %dma_wait3A_71] : memref<6400x128xi32, #tpu.memory_space<hbm>> -> memref<1x128xi32, #tpu.memory_space<hbm>>
    tpu.wait_dma2 semaphore(%arg24 : memref<!tpu.dma_semaphore, #tpu.memory_space<semaphore_mem>>) src(%dma_wait3A_72 : memref<1x128xi32, #tpu.memory_space<hbm>>) dst(%arg8 : memref<1x128xi32, #tpu.memory_space<vmem>>)
    %dma_start3A_73 = arith.constant 0 : i32
    %dma_start3A_74 = arith.constant 0 : i32
    %dma_start3A_75 = tpu.memref_slice %arg8[%dma_start3A_73, %dma_start3A_74] : memref<1x128xi32, #tpu.memory_space<vmem>> -> memref<1x128xi32, #tpu.memory_space<vmem>>
    %dma_start3A_76 = tpu.memref_squeeze %dma_start3A_75 : memref<1x128xi32, #tpu.memory_space<vmem>> -> memref<128xi32, #tpu.memory_space<vmem>>
    %dma_start3A_77 = arith.constant 0 : i32
    %dma_start3A_78 = arith.constant 0 : i32
    %dma_start3A_79 = tpu.memref_slice %arg3[%dma_start3A_77, %dma_start3A_78] : memref<100000x64xf32, #tpu.memory_space<hbm>> -> memref<100000x64xf32, #tpu.memory_space<hbm>>
    tpu.enqueue_indirect_dma source(%dma_start3A_79 : memref<100000x64xf32, #tpu.memory_space<hbm>>) target(%arg16 : memref<128x64xf32, #tpu.memory_space<vmem>>) offsets(%dma_start3A_76 : memref<128xi32, #tpu.memory_space<vmem>>) semaphore(%arg32 : memref<!tpu.dma_semaphore, #tpu.memory_space<semaphore_mem>>)
    %add3A_80 = arith.constant 64 : i32
    %add3A_81 = arith.addi %add3A_80, %add3A : i32
    %dma_wait3A_82 = arith.constant 0 : i32
    %dma_wait3A_83 = tpu.memref_slice %arg2[%add3A_81, %dma_wait3A_82] : memref<6400x128xi32, #tpu.memory_space<hbm>> -> memref<1x128xi32, #tpu.memory_space<hbm>>
    %dma_wait3A_84 = arith.constant 0 : i32
    %dma_wait3A_85 = tpu.memref_slice %arg2[%add3A_81, %dma_wait3A_84] : memref<6400x128xi32, #tpu.memory_space<hbm>> -> memref<1x128xi32, #tpu.memory_space<hbm>>
    tpu.wait_dma2 semaphore(%arg25 : memref<!tpu.dma_semaphore, #tpu.memory_space<semaphore_mem>>) src(%dma_wait3A_85 : memref<1x128xi32, #tpu.memory_space<hbm>>) dst(%arg9 : memref<1x128xi32, #tpu.memory_space<vmem>>)
    %dma_start3A_86 = arith.constant 0 : i32
    %dma_start3A_87 = arith.constant 0 : i32
    %dma_start3A_88 = tpu.memref_slice %arg9[%dma_start3A_86, %dma_start3A_87] : memref<1x128xi32, #tpu.memory_space<vmem>> -> memref<1x128xi32, #tpu.memory_space<vmem>>
    %dma_start3A_89 = tpu.memref_squeeze %dma_start3A_88 : memref<1x128xi32, #tpu.memory_space<vmem>> -> memref<128xi32, #tpu.memory_space<vmem>>
    %dma_start3A_90 = arith.constant 0 : i32
    %dma_start3A_91 = arith.constant 0 : i32
    %dma_start3A_92 = tpu.memref_slice %arg3[%dma_start3A_90, %dma_start3A_91] : memref<100000x64xf32, #tpu.memory_space<hbm>> -> memref<100000x64xf32, #tpu.memory_space<hbm>>
    tpu.enqueue_indirect_dma source(%dma_start3A_92 : memref<100000x64xf32, #tpu.memory_space<hbm>>) target(%arg17 : memref<128x64xf32, #tpu.memory_space<vmem>>) offsets(%dma_start3A_89 : memref<128xi32, #tpu.memory_space<vmem>>) semaphore(%arg33 : memref<!tpu.dma_semaphore, #tpu.memory_space<semaphore_mem>>)
    %add3A_93 = arith.constant 96 : i32
    %add3A_94 = arith.addi %add3A_93, %add3A : i32
    %dma_wait3A_95 = arith.constant 0 : i32
    %dma_wait3A_96 = tpu.memref_slice %arg2[%add3A_94, %dma_wait3A_95] : memref<6400x128xi32, #tpu.memory_space<hbm>> -> memref<1x128xi32, #tpu.memory_space<hbm>>
    %dma_wait3A_97 = arith.constant 0 : i32
    %dma_wait3A_98 = tpu.memref_slice %arg2[%add3A_94, %dma_wait3A_97] : memref<6400x128xi32, #tpu.memory_space<hbm>> -> memref<1x128xi32, #tpu.memory_space<hbm>>
    tpu.wait_dma2 semaphore(%arg26 : memref<!tpu.dma_semaphore, #tpu.memory_space<semaphore_mem>>) src(%dma_wait3A_98 : memref<1x128xi32, #tpu.memory_space<hbm>>) dst(%arg10 : memref<1x128xi32, #tpu.memory_space<vmem>>)
    %dma_start3A_99 = arith.constant 0 : i32
    %dma_start3A_100 = arith.constant 0 : i32
    %dma_start3A_101 = tpu.memref_slice %arg10[%dma_start3A_99, %dma_start3A_100] : memref<1x128xi32, #tpu.memory_space<vmem>> -> memref<1x128xi32, #tpu.memory_space<vmem>>
    %dma_start3A_102 = tpu.memref_squeeze %dma_start3A_101 : memref<1x128xi32, #tpu.memory_space<vmem>> -> memref<128xi32, #tpu.memory_space<vmem>>
    %dma_start3A_103 = arith.constant 0 : i32
    %dma_start3A_104 = arith.constant 0 : i32
    %dma_start3A_105 = tpu.memref_slice %arg3[%dma_start3A_103, %dma_start3A_104] : memref<100000x64xf32, #tpu.memory_space<hbm>> -> memref<100000x64xf32, #tpu.memory_space<hbm>>
    tpu.enqueue_indirect_dma source(%dma_start3A_105 : memref<100000x64xf32, #tpu.memory_space<hbm>>) target(%arg18 : memref<128x64xf32, #tpu.memory_space<vmem>>) offsets(%dma_start3A_102 : memref<128xi32, #tpu.memory_space<vmem>>) semaphore(%arg34 : memref<!tpu.dma_semaphore, #tpu.memory_space<semaphore_mem>>)
    %scan3A = arith.constant 0 : i32
    %scan3A_106 = arith.constant 25 : i32
    %scan3A_107 = arith.addi %scan3A, %scan3A_106 : i32
    %scan3A_108 = arith.constant 1 : i32
    scf.for %scan3A_182 = %scan3A to %scan3A_107 step %scan3A_108  : i32 {
      %mul3A_183 = arith.constant 8 : i32
      %mul3A_184 = arith.muli %scan3A_182, %mul3A_183 : i32
      %add3A_185 = arith.constant 0 : i32
      %add3A_186 = arith.addi %add3A_185, %mul3A_184 : i32
      %add3A_187 = arith.constant 0 : i32
      %add3A_188 = arith.addi %add3A_186, %add3A_187 : i32
      %dma_wait3A_189 = arith.constant 0 : i32
      %dma_wait3A_190 = arith.constant 0 : i32
      %dma_wait3A_191 = tpu.memref_slice %arg7[%dma_wait3A_189, %dma_wait3A_190] : memref<1x128xi32, #tpu.memory_space<vmem>> -> memref<1x128xi32, #tpu.memory_space<vmem>>
      %dma_wait3A_192 = tpu.memref_squeeze %dma_wait3A_191 : memref<1x128xi32, #tpu.memory_space<vmem>> -> memref<128xi32, #tpu.memory_space<vmem>>
      %dma_wait3A_193 = arith.constant 0 : i32
      %dma_wait3A_194 = arith.constant 0 : i32
      %dma_wait3A_195 = tpu.memref_slice %arg3[%dma_wait3A_193, %dma_wait3A_194] : memref<100000x64xf32, #tpu.memory_space<hbm>> -> memref<100000x64xf32, #tpu.memory_space<hbm>>
      tpu.wait_indirect_dma semaphore(%arg31 : memref<!tpu.dma_semaphore, #tpu.memory_space<semaphore_mem>>) src(%dma_wait3A_195 : memref<100000x64xf32, #tpu.memory_space<hbm>>) dst(%arg15 : memref<128x64xf32, #tpu.memory_space<vmem>>)
      %ge3A = arith.constant 4 : i32
      %ge3A_196 = arith.cmpi sge, %add3A_188, %ge3A : i32
      %convert_element_type3A = arith.extui %ge3A_196 : i1 to i32
      %cond3A = arith.constant 0 : i32
      %cond3A_197 = arith.cmpi ne, %convert_element_type3A, %cond3A : i32
      scf.if %cond3A_197 {
        %sub3A_1174 = arith.constant 4 : i32
        %sub3A_1175 = arith.subi %add3A_188, %sub3A_1174 : i32
        %mul3A_1176 = arith.constant 8 : i32
        %mul3A_1177 = arith.muli %sub3A_1175, %mul3A_1176 : i32
        %dma_wait3A_1178 = arith.constant 0 : i32
        %dma_wait3A_1179 = arith.constant 0 : i32
        %dma_wait3A_1180 = arith.constant 0 : i32
        %dma_wait3A_1181 = arith.constant 0 : i32
        %dma_wait3A_1182 = tpu.memref_slice %arg19[%dma_wait3A_1178, %dma_wait3A_1179, %dma_wait3A_1180, %dma_wait3A_1181] : memref<8x1x8x129xf32, #tpu.memory_space<vmem>> -> memref<8x1x8x128xf32, #tpu.memory_space<vmem>>
        %dma_wait3A_1183 = arith.constant 0 : i32
        %dma_wait3A_1184 = arith.constant 0 : i32
        %dma_wait3A_1185 = tpu.memref_slice %arg5[%mul3A_1177, %add3A, %dma_wait3A_1183, %dma_wait3A_1184] : memref<1600x32x8x128xf32, #tpu.memory_space<hbm>> -> memref<8x1x8x128xf32, #tpu.memory_space<hbm>>
        %dma_wait3A_1186 = arith.constant 0 : i32
        %dma_wait3A_1187 = arith.constant 0 : i32
        %dma_wait3A_1188 = tpu.memref_slice %arg5[%mul3A_1177, %add3A, %dma_wait3A_1186, %dma_wait3A_1187] : memref<1600x32x8x128xf32, #tpu.memory_space<hbm>> -> memref<8x1x8x128xf32, #tpu.memory_space<hbm>>
        %dma_wait3A_1189 = arith.constant 0 : i32
        %dma_wait3A_1190 = arith.constant 0 : i32
        %dma_wait3A_1191 = arith.constant 0 : i32
        %dma_wait3A_1192 = arith.constant 0 : i32
        %dma_wait3A_1193 = tpu.memref_slice %arg19[%dma_wait3A_1189, %dma_wait3A_1190, %dma_wait3A_1191, %dma_wait3A_1192] : memref<8x1x8x129xf32, #tpu.memory_space<vmem>> -> memref<8x1x8x128xf32, #tpu.memory_space<vmem>>
        tpu.wait_dma2 semaphore(%arg35 : memref<!tpu.dma_semaphore, #tpu.memory_space<semaphore_mem>>) src(%dma_wait3A_1193 : memref<8x1x8x128xf32, #tpu.memory_space<vmem>>) dst(%dma_wait3A_1188 : memref<8x1x8x128xf32, #tpu.memory_space<hbm>>)
      } else {
      }
      %jit3A = arith.constant 2 : i32
      %div3A = arith.divsi %add3A_188, %jit3A : i32
      %sign3A = arith.constant 0 : i32
      %sign3A_198 = arith.cmpi sgt, %add3A_188, %sign3A : i32
      %sign3A_199 = arith.extui %sign3A_198 : i1 to i32
      %sign3A_200 = arith.constant 0 : i32
      %sign3A_201 = arith.cmpi slt, %add3A_188, %sign3A_200 : i32
      %sign3A_202 = arith.extui %sign3A_201 : i1 to i32
      %sign3A_203 = arith.subi %sign3A_199, %sign3A_202 : i32
      %sign3A_204 = arith.constant 0 : i32
      %sign3A_205 = arith.cmpi sgt, %jit3A, %sign3A_204 : i32
      %sign3A_206 = arith.extui %sign3A_205 : i1 to i32
      %sign3A_207 = arith.constant 0 : i32
      %sign3A_208 = arith.cmpi slt, %jit3A, %sign3A_207 : i32
      %sign3A_209 = arith.extui %sign3A_208 : i1 to i32
      %sign3A_210 = arith.subi %sign3A_206, %sign3A_209 : i32
      %ne3A = arith.cmpi ne, %sign3A_203, %sign3A_210 : i32
      %rem3A = arith.remsi %add3A_188, %jit3A : i32
      %ne3A_211 = arith.constant 0 : i32
      %ne3A_212 = arith.cmpi ne, %rem3A, %ne3A_211 : i32
      %and3A_213 = arith.andi %ne3A, %ne3A_212 : i1
      %sub3A = arith.constant 1 : i32
      %sub3A_214 = arith.subi %div3A, %sub3A : i32
      %select_n3A = arith.select %and3A_213, %sub3A_214, %div3A : i32
      %jit3A_215 = arith.constant 2 : i32
      %eq3A = arith.constant 0 : i32
      %eq3A_216 = arith.cmpi eq, %jit3A_215, %eq3A : i32
      %jit3A_217 = arith.constant 1 : i32
      %select_n3A_218 = arith.select %eq3A_216, %jit3A_217, %jit3A_215 : i32
      %rem3A_219 = arith.remsi %add3A_188, %select_n3A_218 : i32
      %ne3A_220 = arith.constant 0 : i32
      %ne3A_221 = arith.cmpi ne, %rem3A_219, %ne3A_220 : i32
      %lt3A = arith.constant 0 : i32
      %lt3A_222 = arith.cmpi slt, %rem3A_219, %lt3A : i32
      %lt3A_223 = arith.constant 0 : i32
      %lt3A_224 = arith.cmpi slt, %select_n3A_218, %lt3A_223 : i32
      %ne3A_225 = arith.xori %lt3A_222, %lt3A_224 : i1
      %and3A_226 = arith.andi %ne3A_225, %ne3A_221 : i1
      %add3A_227 = arith.addi %rem3A_219, %select_n3A_218 : i32
      %select_n3A_228 = arith.select %and3A_226, %add3A_227, %rem3A_219 : i32
      %mul3A_229 = arith.constant 64 : i32
      %mul3A_230 = arith.muli %select_n3A_228, %mul3A_229 : i32
      %add3A_231 = arith.constant 0 : i32
      %add3A_232 = arith.addi %mul3A_230, %add3A_231 : i32
      %get3A = arith.index_cast %select_n3A : i32 to index
      %get3A_233 = arith.index_cast %add3A_232 : i32 to index
      %get3A_234 = tpu.vector_load %arg6[%get3A, %get3A_233] {strides = array<i32>} : memref<100x128xf32, #tpu.memory_space<vmem>>, vector<16xf32>,
      %add3A_235 = arith.constant 16 : i32
      %add3A_236 = arith.addi %mul3A_230, %add3A_235 : i32
      %get3A_237 = arith.index_cast %select_n3A : i32 to index
      %get3A_238 = arith.index_cast %add3A_236 : i32 to index
      %get3A_239 = tpu.vector_load %arg6[%get3A_237, %get3A_238] {strides = array<i32>} : memref<100x128xf32, #tpu.memory_space<vmem>>, vector<16xf32>,
      %add3A_240 = arith.constant 32 : i32
      %add3A_241 = arith.addi %mul3A_230, %add3A_240 : i32
      %get3A_242 = arith.index_cast %select_n3A : i32 to index
      %get3A_243 = arith.index_cast %add3A_241 : i32 to index
      %get3A_244 = tpu.vector_load %arg6[%get3A_242, %get3A_243] {strides = array<i32>} : memref<100x128xf32, #tpu.memory_space<vmem>>, vector<16xf32>,
      %add3A_245 = arith.constant 48 : i32
      %add3A_246 = arith.addi %mul3A_230, %add3A_245 : i32
      %get3A_247 = arith.index_cast %select_n3A : i32 to index
      %get3A_248 = arith.index_cast %add3A_246 : i32 to index
      %get3A_249 = tpu.vector_load %arg6[%get3A_247, %get3A_248] {strides = array<i32>} : memref<100x128xf32, #tpu.memory_space<vmem>>, vector<16xf32>,
      %add3A_250 = arith.constant 0 : i32
      %add3A_251 = vector.broadcast %add3A_250 : i32 to vector<16xi32>
      %add3A_252 = arith.addi %shift_right_logical3A_2, %add3A_251 : vector<16xi32>
      %add3A_253 = arith.constant 2 : i32
      %add3A_254 = vector.broadcast %add3A_253 : i32 to vector<16xi32>
      %add3A_255 = arith.addi %shift_right_logical3A_2, %add3A_254 : vector<16xi32>
      %add3A_256 = arith.constant 4 : i32
      %add3A_257 = vector.broadcast %add3A_256 : i32 to vector<16xi32>
      %add3A_258 = arith.addi %shift_right_logical3A_2, %add3A_257 : vector<16xi32>
      %add3A_259 = arith.constant 6 : i32
      %add3A_260 = vector.broadcast %add3A_259 : i32 to vector<16xi32>
      %add3A_261 = arith.addi %shift_right_logical3A_2, %add3A_260 : vector<16xi32>
      %scan3A_262 = arith.constant 0 : i32
      %scan3A_263 = arith.constant 64 : i32
      %scan3A_264 = arith.addi %scan3A_262, %scan3A_263 : i32
      %scan3A_265 = arith.constant 1 : i32
      scf.for %scan3A_1174 = %scan3A_262 to %scan3A_264 step %scan3A_265  : i32 {
        %mul3A_1175 = arith.constant 2 : i32
        %mul3A_1176 = arith.muli %scan3A_1174, %mul3A_1175 : i32
        %add3A_1177 = arith.constant 0 : i32
        %add3A_1178 = arith.addi %add3A_1177, %mul3A_1176 : i32
        %add3A_1179 = arith.constant 0 : i32
        %add3A_1180 = arith.addi %add3A_1178, %add3A_1179 : i32
        %get3A_1181 = arith.index_cast %add3A_1180 : i32 to index
        %get3A_1182 = arith.constant 0 : index
        %get3A_1183 = tpu.vector_load %arg15[%get3A_1181, %get3A_1182] {strides = array<i32>} : memref<128x64xf32, #tpu.memory_space<vmem>>, vector<16xf32>,
        %add3A_1184 = arith.addf %get3A_1183, %get3A_234 : vector<16xf32>
        %add3A_1185 = arith.constant 0 : i32
        %add3A_1186 = arith.addi %add3A_1178, %add3A_1185 : i32
        %get3A_1187 = arith.index_cast %add3A_1186 : i32 to index
        %get3A_1188 = arith.constant 16 : index
        %get3A_1189 = tpu.vector_load %arg15[%get3A_1187, %get3A_1188] {strides = array<i32>} : memref<128x64xf32, #tpu.memory_space<vmem>>, vector<16xf32>,
        %add3A_1190 = arith.addf %get3A_1189, %get3A_239 : vector<16xf32>
        %add3A_1191 = arith.constant 0 : i32
        %add3A_1192 = arith.addi %add3A_1178, %add3A_1191 : i32
        %get3A_1193 = arith.index_cast %add3A_1192 : i32 to index
        %get3A_1194 = arith.constant 32 : index
        %get3A_1195 = tpu.vector_load %arg15[%get3A_1193, %get3A_1194] {strides = array<i32>} : memref<128x64xf32, #tpu.memory_space<vmem>>, vector<16xf32>,
        %add3A_1196 = arith.addf %get3A_1195, %get3A_244 : vector<16xf32>
        %add3A_1197 = arith.constant 0 : i32
        %add3A_1198 = arith.addi %add3A_1178, %add3A_1197 : i32
        %get3A_1199 = arith.index_cast %add3A_1198 : i32 to index
        %get3A_1200 = arith.constant 48 : index
        %get3A_1201 = tpu.vector_load %arg15[%get3A_1199, %get3A_1200] {strides = array<i32>} : memref<128x64xf32, #tpu.memory_space<vmem>>, vector<16xf32>,
        %add3A_1202 = arith.addf %get3A_1201, %get3A_249 : vector<16xf32>
        %add3A_1203 = arith.constant 1 : i32
        %add3A_1204 = arith.addi %add3A_1178, %add3A_1203 : i32
        %get3A_1205 = arith.index_cast %add3A_1204 : i32 to index
        %get3A_1206 = arith.constant 0 : index
        %get3A_1207 = tpu.vector_load %arg15[%get3A_1205, %get3A_1206] {strides = array<i32>} : memref<128x64xf32, #tpu.memory_space<vmem>>, vector<16xf32>,
        %add3A_1208 = arith.addf %get3A_1207, %get3A_234 : vector<16xf32>
        %add3A_1209 = arith.constant 1 : i32
        %add3A_1210 = arith.addi %add3A_1178, %add3A_1209 : i32
        %get3A_1211 = arith.index_cast %add3A_1210 : i32 to index
        %get3A_1212 = arith.constant 16 : index
        %get3A_1213 = tpu.vector_load %arg15[%get3A_1211, %get3A_1212] {strides = array<i32>} : memref<128x64xf32, #tpu.memory_space<vmem>>, vector<16xf32>,
        %add3A_1214 = arith.addf %get3A_1213, %get3A_239 : vector<16xf32>
        %add3A_1215 = arith.constant 1 : i32
        %add3A_1216 = arith.addi %add3A_1178, %add3A_1215 : i32
        %get3A_1217 = arith.index_cast %add3A_1216 : i32 to index
        %get3A_1218 = arith.constant 32 : index
        %get3A_1219 = tpu.vector_load %arg15[%get3A_1217, %get3A_1218] {strides = array<i32>} : memref<128x64xf32, #tpu.memory_space<vmem>>, vector<16xf32>,
        %add3A_1220 = arith.addf %get3A_1219, %get3A_244 : vector<16xf32>
        %add3A_1221 = arith.constant 1 : i32
        %add3A_1222 = arith.addi %add3A_1178, %add3A_1221 : i32
        %get3A_1223 = arith.index_cast %add3A_1222 : i32 to index
        %get3A_1224 = arith.constant 48 : index
        %get3A_1225 = tpu.vector_load %arg15[%get3A_1223, %get3A_1224] {strides = array<i32>} : memref<128x64xf32, #tpu.memory_space<vmem>>, vector<16xf32>,
        %add3A_1226 = arith.addf %get3A_1225, %get3A_249 : vector<16xf32>
        %add3A_1227 = arith.constant 0 : i32
        %add3A_1228 = arith.addi %add3A_1178, %add3A_1227 : i32
        %add3A_1229 = vector.broadcast %add3A_1228 : i32 to vector<16xi32>
        %add3A_1230 = arith.addi %and3A_7, %add3A_1229 : vector<16xi32>
        tpu.vector_store_idx %arg19[%add3A_252, %and3A_7, %and3A_4, %add3A_1230], %add3A_1184 : memref<8x1x8x129xf32, #tpu.memory_space<vmem>>[vector<16xi32>, vector<16xi32>, vector<16xi32>, vector<16xi32>], vector<16xf32>,
        tpu.vector_store_idx %arg19[%add3A_255, %and3A_7, %and3A_4, %add3A_1230], %add3A_1190 : memref<8x1x8x129xf32, #tpu.memory_space<vmem>>[vector<16xi32>, vector<16xi32>, vector<16xi32>, vector<16xi32>], vector<16xf32>,
        tpu.vector_store_idx %arg19[%add3A_258, %and3A_7, %and3A_4, %add3A_1230], %add3A_1196 : memref<8x1x8x129xf32, #tpu.memory_space<vmem>>[vector<16xi32>, vector<16xi32>, vector<16xi32>, vector<16xi32>], vector<16xf32>,
        tpu.vector_store_idx %arg19[%add3A_261, %and3A_7, %and3A_4, %add3A_1230], %add3A_1202 : memref<8x1x8x129xf32, #tpu.memory_space<vmem>>[vector<16xi32>, vector<16xi32>, vector<16xi32>, vector<16xi32>], vector<16xf32>,
        %add3A_1231 = arith.constant 1 : i32
        %add3A_1232 = arith.addi %add3A_1178, %add3A_1231 : i32
        %add3A_1233 = vector.broadcast %add3A_1232 : i32 to vector<16xi32>
        %add3A_1234 = arith.addi %and3A_7, %add3A_1233 : vector<16xi32>
        tpu.vector_store_idx %arg19[%add3A_252, %and3A_7, %and3A_4, %add3A_1234], %add3A_1208 : memref<8x1x8x129xf32, #tpu.memory_space<vmem>>[vector<16xi32>, vector<16xi32>, vector<16xi32>, vector<16xi32>], vector<16xf32>,
        tpu.vector_store_idx %arg19[%add3A_255, %and3A_7, %and3A_4, %add3A_1234], %add3A_1214 : memref<8x1x8x129xf32, #tpu.memory_space<vmem>>[vector<16xi32>, vector<16xi32>, vector<16xi32>, vector<16xi32>], vector<16xf32>,
        tpu.vector_store_idx %arg19[%add3A_258, %and3A_7, %and3A_4, %add3A_1234], %add3A_1220 : memref<8x1x8x129xf32, #tpu.memory_space<vmem>>[vector<16xi32>, vector<16xi32>, vector<16xi32>, vector<16xi32>], vector<16xf32>,
        tpu.vector_store_idx %arg19[%add3A_261, %and3A_7, %and3A_4, %add3A_1234], %add3A_1226 : memref<8x1x8x129xf32, #tpu.memory_space<vmem>>[vector<16xi32>, vector<16xi32>, vector<16xi32>, vector<16xi32>], vector<16xf32>,
      }
      %scan3A_266 = arith.constant 64 : i32
      %mul3A_267 = arith.constant 8 : i32
      %mul3A_268 = arith.muli %add3A_188, %mul3A_267 : i32
      %dma_start3A_269 = arith.constant 0 : i32
      %dma_start3A_270 = arith.constant 0 : i32
      %dma_start3A_271 = arith.constant 0 : i32
      %dma_start3A_272 = arith.constant 0 : i32
      %dma_start3A_273 = tpu.memref_slice %arg19[%dma_start3A_269, %dma_start3A_270, %dma_start3A_271, %dma_start3A_272] : memref<8x1x8x129xf32, #tpu.memory_space<vmem>> -> memref<8x1x8x128xf32, #tpu.memory_space<vmem>>
      %dma_start3A_274 = arith.constant 0 : i32
      %dma_start3A_275 = arith.constant 0 : i32
      %dma_start3A_276 = tpu.memref_slice %arg5[%mul3A_268, %add3A, %dma_start3A_274, %dma_start3A_275] : memref<1600x32x8x128xf32, #tpu.memory_space<hbm>> -> memref<8x1x8x128xf32, #tpu.memory_space<hbm>>
      %dma_start3A_277 = arith.constant 0 : i32
      %dma_start3A_278 = arith.constant 0 : i32
      %dma_start3A_279 = tpu.memref_slice %arg5[%mul3A_268, %add3A, %dma_start3A_277, %dma_start3A_278] : memref<1600x32x8x128xf32, #tpu.memory_space<hbm>> -> memref<8x1x8x128xf32, #tpu.memory_space<hbm>>
      %dma_start3A_280 = arith.constant 0 : i32
      %dma_start3A_281 = arith.constant 0 : i32
      %dma_start3A_282 = arith.constant 0 : i32
      %dma_start3A_283 = arith.constant 0 : i32
      %dma_start3A_284 = tpu.memref_slice %arg19[%dma_start3A_280, %dma_start3A_281, %dma_start3A_282, %dma_start3A_283] : memref<8x1x8x129xf32, #tpu.memory_space<vmem>> -> memref<8x1x8x128xf32, #tpu.memory_space<vmem>>
      tpu.enqueue_dma source(%dma_start3A_284 : memref<8x1x8x128xf32, #tpu.memory_space<vmem>>) target(%dma_start3A_279 : memref<8x1x8x128xf32, #tpu.memory_space<hbm>>) target_semaphore(%arg35 : memref<!tpu.dma_semaphore, #tpu.memory_space<semaphore_mem>>)
      %add3A_285 = arith.constant 4 : i32
      %add3A_286 = arith.addi %add3A_188, %add3A_285 : i32
      %lt3A_287 = arith.constant 200 : i32
      %lt3A_288 = arith.cmpi slt, %add3A_286, %lt3A_287 : i32
      %convert_element_type3A_289 = arith.extui %lt3A_288 : i1 to i32
      %cond3A_290 = arith.constant 0 : i32
      %cond3A_291 = arith.cmpi ne, %convert_element_type3A_289, %cond3A_290 : i32
      scf.if %cond3A_291 {
        %add3A_1174 = arith.constant 4 : i32
        %add3A_1175 = arith.addi %add3A_188, %add3A_1174 : i32
        %mul3A_1176 = arith.constant 32 : i32
        %mul3A_1177 = arith.muli %add3A_1175, %mul3A_1176 : i32
        %add3A_1178 = arith.addi %mul3A_1177, %add3A : i32
        %dma_wait3A_1179 = arith.constant 0 : i32
        %dma_wait3A_1180 = tpu.memref_slice %arg2[%add3A_1178, %dma_wait3A_1179] : memref<6400x128xi32, #tpu.memory_space<hbm>> -> memref<1x128xi32, #tpu.memory_space<hbm>>
        %dma_wait3A_1181 = arith.constant 0 : i32
        %dma_wait3A_1182 = tpu.memref_slice %arg2[%add3A_1178, %dma_wait3A_1181] : memref<6400x128xi32, #tpu.memory_space<hbm>> -> memref<1x128xi32, #tpu.memory_space<hbm>>
        tpu.wait_dma2 semaphore(%arg27 : memref<!tpu.dma_semaphore, #tpu.memory_space<semaphore_mem>>) src(%dma_wait3A_1182 : memref<1x128xi32, #tpu.memory_space<hbm>>) dst(%arg11 : memref<1x128xi32, #tpu.memory_space<vmem>>)
        %dma_start3A_1183 = arith.constant 0 : i32
        %dma_start3A_1184 = arith.constant 0 : i32
        %dma_start3A_1185 = tpu.memref_slice %arg11[%dma_start3A_1183, %dma_start3A_1184] : memref<1x128xi32, #tpu.memory_space<vmem>> -> memref<1x128xi32, #tpu.memory_space<vmem>>
        %dma_start3A_1186 = tpu.memref_squeeze %dma_start3A_1185 : memref<1x128xi32, #tpu.memory_space<vmem>> -> memref<128xi32, #tpu.memory_space<vmem>>
        %dma_start3A_1187 = arith.constant 0 : i32
        %dma_start3A_1188 = arith.constant 0 : i32
        %dma_start3A_1189 = tpu.memref_slice %arg3[%dma_start3A_1187, %dma_start3A_1188] : memref<100000x64xf32, #tpu.memory_space<hbm>> -> memref<100000x64xf32, #tpu.memory_space<hbm>>
        tpu.enqueue_indirect_dma source(%dma_start3A_1189 : memref<100000x64xf32, #tpu.memory_space<hbm>>) target(%arg15 : memref<128x64xf32, #tpu.memory_space<vmem>>) offsets(%dma_start3A_1186 : memref<128xi32, #tpu.memory_space<vmem>>) semaphore(%arg31 : memref<!tpu.dma_semaphore, #tpu.memory_space<semaphore_mem>>)
      } else {
      }
      %add3A_292 = arith.constant 8 : i32
      %add3A_293 = arith.addi %add3A_188, %add3A_292 : i32
      %lt3A_294 = arith.constant 200 : i32
      %lt3A_295 = arith.cmpi slt, %add3A_293, %lt3A_294 : i32
      %convert_element_type3A_296 = arith.extui %lt3A_295 : i1 to i32
      %cond3A_297 = arith.constant 0 : i32
      %cond3A_298 = arith.cmpi ne, %convert_element_type3A_296, %cond3A_297 : i32
      scf.if %cond3A_298 {
        %add3A_1174 = arith.constant 8 : i32
        %add3A_1175 = arith.addi %add3A_188, %add3A_1174 : i32
        %mul3A_1176 = arith.constant 32 : i32
        %mul3A_1177 = arith.muli %add3A_1175, %mul3A_1176 : i32
        %add3A_1178 = arith.addi %mul3A_1177, %add3A : i32
        %dma_start3A_1179 = arith.constant 0 : i32
        %dma_start3A_1180 = tpu.memref_slice %arg2[%add3A_1178, %dma_start3A_1179] : memref<6400x128xi32, #tpu.memory_space<hbm>> -> memref<1x128xi32, #tpu.memory_space<hbm>>
        %dma_start3A_1181 = arith.constant 0 : i32
        %dma_start3A_1182 = tpu.memref_slice %arg2[%add3A_1178, %dma_start3A_1181] : memref<6400x128xi32, #tpu.memory_space<hbm>> -> memref<1x128xi32, #tpu.memory_space<hbm>>
        tpu.enqueue_dma source(%dma_start3A_1182 : memref<1x128xi32, #tpu.memory_space<hbm>>) target(%arg7 : memref<1x128xi32, #tpu.memory_space<vmem>>) target_semaphore(%arg23 : memref<!tpu.dma_semaphore, #tpu.memory_space<semaphore_mem>>)
      } else {
      }
      %add3A_299 = arith.constant 1 : i32
      %add3A_300 = arith.addi %add3A_186, %add3A_299 : i32
      %dma_wait3A_301 = arith.constant 0 : i32
      %dma_wait3A_302 = arith.constant 0 : i32
      %dma_wait3A_303 = tpu.memref_slice %arg8[%dma_wait3A_301, %dma_wait3A_302] : memref<1x128xi32, #tpu.memory_space<vmem>> -> memref<1x128xi32, #tpu.memory_space<vmem>>
      %dma_wait3A_304 = tpu.memref_squeeze %dma_wait3A_303 : memref<1x128xi32, #tpu.memory_space<vmem>> -> memref<128xi32, #tpu.memory_space<vmem>>
      %dma_wait3A_305 = arith.constant 0 : i32
      %dma_wait3A_306 = arith.constant 0 : i32
      %dma_wait3A_307 = tpu.memref_slice %arg3[%dma_wait3A_305, %dma_wait3A_306] : memref<100000x64xf32, #tpu.memory_space<hbm>> -> memref<100000x64xf32, #tpu.memory_space<hbm>>
      tpu.wait_indirect_dma semaphore(%arg32 : memref<!tpu.dma_semaphore, #tpu.memory_space<semaphore_mem>>) src(%dma_wait3A_307 : memref<100000x64xf32, #tpu.memory_space<hbm>>) dst(%arg16 : memref<128x64xf32, #tpu.memory_space<vmem>>)
      %ge3A_308 = arith.constant 4 : i32
      %ge3A_309 = arith.cmpi sge, %add3A_300, %ge3A_308 : i32
      %convert_element_type3A_310 = arith.extui %ge3A_309 : i1 to i32
      %cond3A_311 = arith.constant 0 : i32
      %cond3A_312 = arith.cmpi ne, %convert_element_type3A_310, %cond3A_311 : i32
      scf.if %cond3A_312 {
        %sub3A_1174 = arith.constant 4 : i32
        %sub3A_1175 = arith.subi %add3A_300, %sub3A_1174 : i32
        %mul3A_1176 = arith.constant 8 : i32
        %mul3A_1177 = arith.muli %sub3A_1175, %mul3A_1176 : i32
        %dma_wait3A_1178 = arith.constant 0 : i32
        %dma_wait3A_1179 = arith.constant 0 : i32
        %dma_wait3A_1180 = arith.constant 0 : i32
        %dma_wait3A_1181 = arith.constant 0 : i32
        %dma_wait3A_1182 = tpu.memref_slice %arg20[%dma_wait3A_1178, %dma_wait3A_1179, %dma_wait3A_1180, %dma_wait3A_1181] : memref<8x1x8x129xf32, #tpu.memory_space<vmem>> -> memref<8x1x8x128xf32, #tpu.memory_space<vmem>>
        %dma_wait3A_1183 = arith.constant 0 : i32
        %dma_wait3A_1184 = arith.constant 0 : i32
        %dma_wait3A_1185 = tpu.memref_slice %arg5[%mul3A_1177, %add3A, %dma_wait3A_1183, %dma_wait3A_1184] : memref<1600x32x8x128xf32, #tpu.memory_space<hbm>> -> memref<8x1x8x128xf32, #tpu.memory_space<hbm>>
        %dma_wait3A_1186 = arith.constant 0 : i32
        %dma_wait3A_1187 = arith.constant 0 : i32
        %dma_wait3A_1188 = tpu.memref_slice %arg5[%mul3A_1177, %add3A, %dma_wait3A_1186, %dma_wait3A_1187] : memref<1600x32x8x128xf32, #tpu.memory_space<hbm>> -> memref<8x1x8x128xf32, #tpu.memory_space<hbm>>
        %dma_wait3A_1189 = arith.constant 0 : i32
        %dma_wait3A_1190 = arith.constant 0 : i32
        %dma_wait3A_1191 = arith.constant 0 : i32
        %dma_wait3A_1192 = arith.constant 0 : i32
        %dma_wait3A_1193 = tpu.memref_slice %arg20[%dma_wait3A_1189, %dma_wait3A_1190, %dma_wait3A_1191, %dma_wait3A_1192] : memref<8x1x8x129xf32, #tpu.memory_space<vmem>> -> memref<8x1x8x128xf32, #tpu.memory_space<vmem>>
        tpu.wait_dma2 semaphore(%arg36 : memref<!tpu.dma_semaphore, #tpu.memory_space<semaphore_mem>>) src(%dma_wait3A_1193 : memref<8x1x8x128xf32, #tpu.memory_space<vmem>>) dst(%dma_wait3A_1188 : memref<8x1x8x128xf32, #tpu.memory_space<hbm>>)
      } else {
      }
      %jit3A_313 = arith.constant 2 : i32
      %div3A_314 = arith.divsi %add3A_300, %jit3A_313 : i32
      %sign3A_315 = arith.constant 0 : i32
      %sign3A_316 = arith.cmpi sgt, %add3A_300, %sign3A_315 : i32
      %sign3A_317 = arith.extui %sign3A_316 : i1 to i32
      %sign3A_318 = arith.constant 0 : i32
      %sign3A_319 = arith.cmpi slt, %add3A_300, %sign3A_318 : i32
      %sign3A_320 = arith.extui %sign3A_319 : i1 to i32
      %sign3A_321 = arith.subi %sign3A_317, %sign3A_320 : i32
      %sign3A_322 = arith.constant 0 : i32
      %sign3A_323 = arith.cmpi sgt, %jit3A_313, %sign3A_322 : i32
      %sign3A_324 = arith.extui %sign3A_323 : i1 to i32
      %sign3A_325 = arith.constant 0 : i32
      %sign3A_326 = arith.cmpi slt, %jit3A_313, %sign3A_325 : i32
      %sign3A_327 = arith.extui %sign3A_326 : i1 to i32
      %sign3A_328 = arith.subi %sign3A_324, %sign3A_327 : i32
      %ne3A_329 = arith.cmpi ne, %sign3A_321, %sign3A_328 : i32
      %rem3A_330 = arith.remsi %add3A_300, %jit3A_313 : i32
      %ne3A_331 = arith.constant 0 : i32
      %ne3A_332 = arith.cmpi ne, %rem3A_330, %ne3A_331 : i32
      %and3A_333 = arith.andi %ne3A_329, %ne3A_332 : i1
      %sub3A_334 = arith.constant 1 : i32
      %sub3A_335 = arith.subi %div3A_314, %sub3A_334 : i32
      %select_n3A_336 = arith.select %and3A_333, %sub3A_335, %div3A_314 : i32
      %jit3A_337 = arith.constant 2 : i32
      %eq3A_338 = arith.constant 0 : i32
      %eq3A_339 = arith.cmpi eq, %jit3A_337, %eq3A_338 : i32
      %jit3A_340 = arith.constant 1 : i32
      %select_n3A_341 = arith.select %eq3A_339, %jit3A_340, %jit3A_337 : i32
      %rem3A_342 = arith.remsi %add3A_300, %select_n3A_341 : i32
      %ne3A_343 = arith.constant 0 : i32
      %ne3A_344 = arith.cmpi ne, %rem3A_342, %ne3A_343 : i32
      %lt3A_345 = arith.constant 0 : i32
      %lt3A_346 = arith.cmpi slt, %rem3A_342, %lt3A_345 : i32
      %lt3A_347 = arith.constant 0 : i32
      %lt3A_348 = arith.cmpi slt, %select_n3A_341, %lt3A_347 : i32
      %ne3A_349 = arith.xori %lt3A_346, %lt3A_348 : i1
      %and3A_350 = arith.andi %ne3A_349, %ne3A_344 : i1
      %add3A_351 = arith.addi %rem3A_342, %select_n3A_341 : i32
      %select_n3A_352 = arith.select %and3A_350, %add3A_351, %rem3A_342 : i32
      %mul3A_353 = arith.constant 64 : i32
      %mul3A_354 = arith.muli %select_n3A_352, %mul3A_353 : i32
      %add3A_355 = arith.constant 0 : i32
      %add3A_356 = arith.addi %mul3A_354, %add3A_355 : i32
      %get3A_357 = arith.index_cast %select_n3A_336 : i32 to index
      %get3A_358 = arith.index_cast %add3A_356 : i32 to index
      %get3A_359 = tpu.vector_load %arg6[%get3A_357, %get3A_358] {strides = array<i32>} : memref<100x128xf32, #tpu.memory_space<vmem>>, vector<16xf32>,
      %add3A_360 = arith.constant 16 : i32
      %add3A_361 = arith.addi %mul3A_354, %add3A_360 : i32
      %get3A_362 = arith.index_cast %select_n3A_336 : i32 to index
      %get3A_363 = arith.index_cast %add3A_361 : i32 to index
      %get3A_364 = tpu.vector_load %arg6[%get3A_362, %get3A_363] {strides = array<i32>} : memref<100x128xf32, #tpu.memory_space<vmem>>, vector<16xf32>,
      %add3A_365 = arith.constant 32 : i32
      %add3A_366 = arith.addi %mul3A_354, %add3A_365 : i32
      %get3A_367 = arith.index_cast %select_n3A_336 : i32 to index
      %get3A_368 = arith.index_cast %add3A_366 : i32 to index
      %get3A_369 = tpu.vector_load %arg6[%get3A_367, %get3A_368] {strides = array<i32>} : memref<100x128xf32, #tpu.memory_space<vmem>>, vector<16xf32>,
      %add3A_370 = arith.constant 48 : i32
      %add3A_371 = arith.addi %mul3A_354, %add3A_370 : i32
      %get3A_372 = arith.index_cast %select_n3A_336 : i32 to index
      %get3A_373 = arith.index_cast %add3A_371 : i32 to index
      %get3A_374 = tpu.vector_load %arg6[%get3A_372, %get3A_373] {strides = array<i32>} : memref<100x128xf32, #tpu.memory_space<vmem>>, vector<16xf32>,
      %add3A_375 = arith.constant 0 : i32
      %add3A_376 = vector.broadcast %add3A_375 : i32 to vector<16xi32>
      %add3A_377 = arith.addi %shift_right_logical3A_2, %add3A_376 : vector<16xi32>
      %add3A_378 = arith.constant 2 : i32
      %add3A_379 = vector.broadcast %add3A_378 : i32 to vector<16xi32>
      %add3A_380 = arith.addi %shift_right_logical3A_2, %add3A_379 : vector<16xi32>
      %add3A_381 = arith.constant 4 : i32
      %add3A_382 = vector.broadcast %add3A_381 : i32 to vector<16xi32>
      %add3A_383 = arith.addi %shift_right_logical3A_2, %add3A_382 : vector<16xi32>
      %add3A_384 = arith.constant 6 : i32
      %add3A_385 = vector.broadcast %add3A_384 : i32 to vector<16xi32>
      %add3A_386 = arith.addi %shift_right_logical3A_2, %add3A_385 : vector<16xi32>
      %scan3A_387 = arith.constant 0 : i32
      %scan3A_388 = arith.constant 64 : i32
      %scan3A_389 = arith.addi %scan3A_387, %scan3A_388 : i32
      %scan3A_390 = arith.constant 1 : i32
      scf.for %scan3A_1174 = %scan3A_387 to %scan3A_389 step %scan3A_390  : i32 {
        %mul3A_1175 = arith.constant 2 : i32
        %mul3A_1176 = arith.muli %scan3A_1174, %mul3A_1175 : i32
        %add3A_1177 = arith.constant 0 : i32
        %add3A_1178 = arith.addi %add3A_1177, %mul3A_1176 : i32
        %add3A_1179 = arith.constant 0 : i32
        %add3A_1180 = arith.addi %add3A_1178, %add3A_1179 : i32
        %get3A_1181 = arith.index_cast %add3A_1180 : i32 to index
        %get3A_1182 = arith.constant 0 : index
        %get3A_1183 = tpu.vector_load %arg16[%get3A_1181, %get3A_1182] {strides = array<i32>} : memref<128x64xf32, #tpu.memory_space<vmem>>, vector<16xf32>,
        %add3A_1184 = arith.addf %get3A_1183, %get3A_359 : vector<16xf32>
        %add3A_1185 = arith.constant 0 : i32
        %add3A_1186 = arith.addi %add3A_1178, %add3A_1185 : i32
        %get3A_1187 = arith.index_cast %add3A_1186 : i32 to index
        %get3A_1188 = arith.constant 16 : index
        %get3A_1189 = tpu.vector_load %arg16[%get3A_1187, %get3A_1188] {strides = array<i32>} : memref<128x64xf32, #tpu.memory_space<vmem>>, vector<16xf32>,
        %add3A_1190 = arith.addf %get3A_1189, %get3A_364 : vector<16xf32>
        %add3A_1191 = arith.constant 0 : i32
        %add3A_1192 = arith.addi %add3A_1178, %add3A_1191 : i32
        %get3A_1193 = arith.index_cast %add3A_1192 : i32 to index
        %get3A_1194 = arith.constant 32 : index
        %get3A_1195 = tpu.vector_load %arg16[%get3A_1193, %get3A_1194] {strides = array<i32>} : memref<128x64xf32, #tpu.memory_space<vmem>>, vector<16xf32>,
        %add3A_1196 = arith.addf %get3A_1195, %get3A_369 : vector<16xf32>
        %add3A_1197 = arith.constant 0 : i32
        %add3A_1198 = arith.addi %add3A_1178, %add3A_1197 : i32
        %get3A_1199 = arith.index_cast %add3A_1198 : i32 to index
        %get3A_1200 = arith.constant 48 : index
        %get3A_1201 = tpu.vector_load %arg16[%get3A_1199, %get3A_1200] {strides = array<i32>} : memref<128x64xf32, #tpu.memory_space<vmem>>, vector<16xf32>,
        %add3A_1202 = arith.addf %get3A_1201, %get3A_374 : vector<16xf32>
        %add3A_1203 = arith.constant 1 : i32
        %add3A_1204 = arith.addi %add3A_1178, %add3A_1203 : i32
        %get3A_1205 = arith.index_cast %add3A_1204 : i32 to index
        %get3A_1206 = arith.constant 0 : index
        %get3A_1207 = tpu.vector_load %arg16[%get3A_1205, %get3A_1206] {strides = array<i32>} : memref<128x64xf32, #tpu.memory_space<vmem>>, vector<16xf32>,
        %add3A_1208 = arith.addf %get3A_1207, %get3A_359 : vector<16xf32>
        %add3A_1209 = arith.constant 1 : i32
        %add3A_1210 = arith.addi %add3A_1178, %add3A_1209 : i32
        %get3A_1211 = arith.index_cast %add3A_1210 : i32 to index
        %get3A_1212 = arith.constant 16 : index
        %get3A_1213 = tpu.vector_load %arg16[%get3A_1211, %get3A_1212] {strides = array<i32>} : memref<128x64xf32, #tpu.memory_space<vmem>>, vector<16xf32>,
        %add3A_1214 = arith.addf %get3A_1213, %get3A_364 : vector<16xf32>
        %add3A_1215 = arith.constant 1 : i32
        %add3A_1216 = arith.addi %add3A_1178, %add3A_1215 : i32
        %get3A_1217 = arith.index_cast %add3A_1216 : i32 to index
        %get3A_1218 = arith.constant 32 : index
        %get3A_1219 = tpu.vector_load %arg16[%get3A_1217, %get3A_1218] {strides = array<i32>} : memref<128x64xf32, #tpu.memory_space<vmem>>, vector<16xf32>,
        %add3A_1220 = arith.addf %get3A_1219, %get3A_369 : vector<16xf32>
        %add3A_1221 = arith.constant 1 : i32
        %add3A_1222 = arith.addi %add3A_1178, %add3A_1221 : i32
        %get3A_1223 = arith.index_cast %add3A_1222 : i32 to index
        %get3A_1224 = arith.constant 48 : index
        %get3A_1225 = tpu.vector_load %arg16[%get3A_1223, %get3A_1224] {strides = array<i32>} : memref<128x64xf32, #tpu.memory_space<vmem>>, vector<16xf32>,
        %add3A_1226 = arith.addf %get3A_1225, %get3A_374 : vector<16xf32>
        %add3A_1227 = arith.constant 0 : i32
        %add3A_1228 = arith.addi %add3A_1178, %add3A_1227 : i32
        %add3A_1229 = vector.broadcast %add3A_1228 : i32 to vector<16xi32>
        %add3A_1230 = arith.addi %and3A_7, %add3A_1229 : vector<16xi32>
        tpu.vector_store_idx %arg20[%add3A_377, %and3A_7, %and3A_4, %add3A_1230], %add3A_1184 : memref<8x1x8x129xf32, #tpu.memory_space<vmem>>[vector<16xi32>, vector<16xi32>, vector<16xi32>, vector<16xi32>], vector<16xf32>,
        tpu.vector_store_idx %arg20[%add3A_380, %and3A_7, %and3A_4, %add3A_1230], %add3A_1190 : memref<8x1x8x129xf32, #tpu.memory_space<vmem>>[vector<16xi32>, vector<16xi32>, vector<16xi32>, vector<16xi32>], vector<16xf32>,
        tpu.vector_store_idx %arg20[%add3A_383, %and3A_7, %and3A_4, %add3A_1230], %add3A_1196 : memref<8x1x8x129xf32, #tpu.memory_space<vmem>>[vector<16xi32>, vector<16xi32>, vector<16xi32>, vector<16xi32>], vector<16xf32>,
        tpu.vector_store_idx %arg20[%add3A_386, %and3A_7, %and3A_4, %add3A_1230], %add3A_1202 : memref<8x1x8x129xf32, #tpu.memory_space<vmem>>[vector<16xi32>, vector<16xi32>, vector<16xi32>, vector<16xi32>], vector<16xf32>,
        %add3A_1231 = arith.constant 1 : i32
        %add3A_1232 = arith.addi %add3A_1178, %add3A_1231 : i32
        %add3A_1233 = vector.broadcast %add3A_1232 : i32 to vector<16xi32>
        %add3A_1234 = arith.addi %and3A_7, %add3A_1233 : vector<16xi32>
        tpu.vector_store_idx %arg20[%add3A_377, %and3A_7, %and3A_4, %add3A_1234], %add3A_1208 : memref<8x1x8x129xf32, #tpu.memory_space<vmem>>[vector<16xi32>, vector<16xi32>, vector<16xi32>, vector<16xi32>], vector<16xf32>,
        tpu.vector_store_idx %arg20[%add3A_380, %and3A_7, %and3A_4, %add3A_1234], %add3A_1214 : memref<8x1x8x129xf32, #tpu.memory_space<vmem>>[vector<16xi32>, vector<16xi32>, vector<16xi32>, vector<16xi32>], vector<16xf32>,
        tpu.vector_store_idx %arg20[%add3A_383, %and3A_7, %and3A_4, %add3A_1234], %add3A_1220 : memref<8x1x8x129xf32, #tpu.memory_space<vmem>>[vector<16xi32>, vector<16xi32>, vector<16xi32>, vector<16xi32>], vector<16xf32>,
        tpu.vector_store_idx %arg20[%add3A_386, %and3A_7, %and3A_4, %add3A_1234], %add3A_1226 : memref<8x1x8x129xf32, #tpu.memory_space<vmem>>[vector<16xi32>, vector<16xi32>, vector<16xi32>, vector<16xi32>], vector<16xf32>,
      }
      %scan3A_391 = arith.constant 64 : i32
      %mul3A_392 = arith.constant 8 : i32
      %mul3A_393 = arith.muli %add3A_300, %mul3A_392 : i32
      %dma_start3A_394 = arith.constant 0 : i32
      %dma_start3A_395 = arith.constant 0 : i32
      %dma_start3A_396 = arith.constant 0 : i32
      %dma_start3A_397 = arith.constant 0 : i32
      %dma_start3A_398 = tpu.memref_slice %arg20[%dma_start3A_394, %dma_start3A_395, %dma_start3A_396, %dma_start3A_397] : memref<8x1x8x129xf32, #tpu.memory_space<vmem>> -> memref<8x1x8x128xf32, #tpu.memory_space<vmem>>
      %dma_start3A_399 = arith.constant 0 : i32
      %dma_start3A_400 = arith.constant 0 : i32
      %dma_start3A_401 = tpu.memref_slice %arg5[%mul3A_393, %add3A, %dma_start3A_399, %dma_start3A_400] : memref<1600x32x8x128xf32, #tpu.memory_space<hbm>> -> memref<8x1x8x128xf32, #tpu.memory_space<hbm>>
      %dma_start3A_402 = arith.constant 0 : i32
      %dma_start3A_403 = arith.constant 0 : i32
      %dma_start3A_404 = tpu.memref_slice %arg5[%mul3A_393, %add3A, %dma_start3A_402, %dma_start3A_403] : memref<1600x32x8x128xf32, #tpu.memory_space<hbm>> -> memref<8x1x8x128xf32, #tpu.memory_space<hbm>>
      %dma_start3A_405 = arith.constant 0 : i32
      %dma_start3A_406 = arith.constant 0 : i32
      %dma_start3A_407 = arith.constant 0 : i32
      %dma_start3A_408 = arith.constant 0 : i32
      %dma_start3A_409 = tpu.memref_slice %arg20[%dma_start3A_405, %dma_start3A_406, %dma_start3A_407, %dma_start3A_408] : memref<8x1x8x129xf32, #tpu.memory_space<vmem>> -> memref<8x1x8x128xf32, #tpu.memory_space<vmem>>
      tpu.enqueue_dma source(%dma_start3A_409 : memref<8x1x8x128xf32, #tpu.memory_space<vmem>>) target(%dma_start3A_404 : memref<8x1x8x128xf32, #tpu.memory_space<hbm>>) target_semaphore(%arg36 : memref<!tpu.dma_semaphore, #tpu.memory_space<semaphore_mem>>)
      %add3A_410 = arith.constant 4 : i32
      %add3A_411 = arith.addi %add3A_300, %add3A_410 : i32
      %lt3A_412 = arith.constant 200 : i32
      %lt3A_413 = arith.cmpi slt, %add3A_411, %lt3A_412 : i32
      %convert_element_type3A_414 = arith.extui %lt3A_413 : i1 to i32
      %cond3A_415 = arith.constant 0 : i32
      %cond3A_416 = arith.cmpi ne, %convert_element_type3A_414, %cond3A_415 : i32
      scf.if %cond3A_416 {
        %add3A_1174 = arith.constant 4 : i32
        %add3A_1175 = arith.addi %add3A_300, %add3A_1174 : i32
        %mul3A_1176 = arith.constant 32 : i32
        %mul3A_1177 = arith.muli %add3A_1175, %mul3A_1176 : i32
        %add3A_1178 = arith.addi %mul3A_1177, %add3A : i32
        %dma_wait3A_1179 = arith.constant 0 : i32
        %dma_wait3A_1180 = tpu.memref_slice %arg2[%add3A_1178, %dma_wait3A_1179] : memref<6400x128xi32, #tpu.memory_space<hbm>> -> memref<1x128xi32, #tpu.memory_space<hbm>>
        %dma_wait3A_1181 = arith.constant 0 : i32
        %dma_wait3A_1182 = tpu.memref_slice %arg2[%add3A_1178, %dma_wait3A_1181] : memref<6400x128xi32, #tpu.memory_space<hbm>> -> memref<1x128xi32, #tpu.memory_space<hbm>>
        tpu.wait_dma2 semaphore(%arg28 : memref<!tpu.dma_semaphore, #tpu.memory_space<semaphore_mem>>) src(%dma_wait3A_1182 : memref<1x128xi32, #tpu.memory_space<hbm>>) dst(%arg12 : memref<1x128xi32, #tpu.memory_space<vmem>>)
        %dma_start3A_1183 = arith.constant 0 : i32
        %dma_start3A_1184 = arith.constant 0 : i32
        %dma_start3A_1185 = tpu.memref_slice %arg12[%dma_start3A_1183, %dma_start3A_1184] : memref<1x128xi32, #tpu.memory_space<vmem>> -> memref<1x128xi32, #tpu.memory_space<vmem>>
        %dma_start3A_1186 = tpu.memref_squeeze %dma_start3A_1185 : memref<1x128xi32, #tpu.memory_space<vmem>> -> memref<128xi32, #tpu.memory_space<vmem>>
        %dma_start3A_1187 = arith.constant 0 : i32
        %dma_start3A_1188 = arith.constant 0 : i32
        %dma_start3A_1189 = tpu.memref_slice %arg3[%dma_start3A_1187, %dma_start3A_1188] : memref<100000x64xf32, #tpu.memory_space<hbm>> -> memref<100000x64xf32, #tpu.memory_space<hbm>>
        tpu.enqueue_indirect_dma source(%dma_start3A_1189 : memref<100000x64xf32, #tpu.memory_space<hbm>>) target(%arg16 : memref<128x64xf32, #tpu.memory_space<vmem>>) offsets(%dma_start3A_1186 : memref<128xi32, #tpu.memory_space<vmem>>) semaphore(%arg32 : memref<!tpu.dma_semaphore, #tpu.memory_space<semaphore_mem>>)
      } else {
      }
      %add3A_417 = arith.constant 8 : i32
      %add3A_418 = arith.addi %add3A_300, %add3A_417 : i32
      %lt3A_419 = arith.constant 200 : i32
      %lt3A_420 = arith.cmpi slt, %add3A_418, %lt3A_419 : i32
      %convert_element_type3A_421 = arith.extui %lt3A_420 : i1 to i32
      %cond3A_422 = arith.constant 0 : i32
      %cond3A_423 = arith.cmpi ne, %convert_element_type3A_421, %cond3A_422 : i32
      scf.if %cond3A_423 {
        %add3A_1174 = arith.constant 8 : i32
        %add3A_1175 = arith.addi %add3A_300, %add3A_1174 : i32
        %mul3A_1176 = arith.constant 32 : i32
        %mul3A_1177 = arith.muli %add3A_1175, %mul3A_1176 : i32
        %add3A_1178 = arith.addi %mul3A_1177, %add3A : i32
        %dma_start3A_1179 = arith.constant 0 : i32
        %dma_start3A_1180 = tpu.memref_slice %arg2[%add3A_1178, %dma_start3A_1179] : memref<6400x128xi32, #tpu.memory_space<hbm>> -> memref<1x128xi32, #tpu.memory_space<hbm>>
        %dma_start3A_1181 = arith.constant 0 : i32
        %dma_start3A_1182 = tpu.memref_slice %arg2[%add3A_1178, %dma_start3A_1181] : memref<6400x128xi32, #tpu.memory_space<hbm>> -> memref<1x128xi32, #tpu.memory_space<hbm>>
        tpu.enqueue_dma source(%dma_start3A_1182 : memref<1x128xi32, #tpu.memory_space<hbm>>) target(%arg8 : memref<1x128xi32, #tpu.memory_space<vmem>>) target_semaphore(%arg24 : memref<!tpu.dma_semaphore, #tpu.memory_space<semaphore_mem>>)
      } else {
      }
      %add3A_424 = arith.constant 2 : i32
      %add3A_425 = arith.addi %add3A_186, %add3A_424 : i32
      %dma_wait3A_426 = arith.constant 0 : i32
      %dma_wait3A_427 = arith.constant 0 : i32
      %dma_wait3A_428 = tpu.memref_slice %arg9[%dma_wait3A_426, %dma_wait3A_427] : memref<1x128xi32, #tpu.memory_space<vmem>> -> memref<1x128xi32, #tpu.memory_space<vmem>>
      %dma_wait3A_429 = tpu.memref_squeeze %dma_wait3A_428 : memref<1x128xi32, #tpu.memory_space<vmem>> -> memref<128xi32, #tpu.memory_space<vmem>>
      %dma_wait3A_430 = arith.constant 0 : i32
      %dma_wait3A_431 = arith.constant 0 : i32
      %dma_wait3A_432 = tpu.memref_slice %arg3[%dma_wait3A_430, %dma_wait3A_431] : memref<100000x64xf32, #tpu.memory_space<hbm>> -> memref<100000x64xf32, #tpu.memory_space<hbm>>
      tpu.wait_indirect_dma semaphore(%arg33 : memref<!tpu.dma_semaphore, #tpu.memory_space<semaphore_mem>>) src(%dma_wait3A_432 : memref<100000x64xf32, #tpu.memory_space<hbm>>) dst(%arg17 : memref<128x64xf32, #tpu.memory_space<vmem>>)
      %ge3A_433 = arith.constant 4 : i32
      %ge3A_434 = arith.cmpi sge, %add3A_425, %ge3A_433 : i32
      %convert_element_type3A_435 = arith.extui %ge3A_434 : i1 to i32
      %cond3A_436 = arith.constant 0 : i32
      %cond3A_437 = arith.cmpi ne, %convert_element_type3A_435, %cond3A_436 : i32
      scf.if %cond3A_437 {
        %sub3A_1174 = arith.constant 4 : i32
        %sub3A_1175 = arith.subi %add3A_425, %sub3A_1174 : i32
        %mul3A_1176 = arith.constant 8 : i32
        %mul3A_1177 = arith.muli %sub3A_1175, %mul3A_1176 : i32
        %dma_wait3A_1178 = arith.constant 0 : i32
        %dma_wait3A_1179 = arith.constant 0 : i32
        %dma_wait3A_1180 = arith.constant 0 : i32
        %dma_wait3A_1181 = arith.constant 0 : i32
        %dma_wait3A_1182 = tpu.memref_slice %arg21[%dma_wait3A_1178, %dma_wait3A_1179, %dma_wait3A_1180, %dma_wait3A_1181] : memref<8x1x8x129xf32, #tpu.memory_space<vmem>> -> memref<8x1x8x128xf32, #tpu.memory_space<vmem>>
        %dma_wait3A_1183 = arith.constant 0 : i32
        %dma_wait3A_1184 = arith.constant 0 : i32
        %dma_wait3A_1185 = tpu.memref_slice %arg5[%mul3A_1177, %add3A, %dma_wait3A_1183, %dma_wait3A_1184] : memref<1600x32x8x128xf32, #tpu.memory_space<hbm>> -> memref<8x1x8x128xf32, #tpu.memory_space<hbm>>
        %dma_wait3A_1186 = arith.constant 0 : i32
        %dma_wait3A_1187 = arith.constant 0 : i32
        %dma_wait3A_1188 = tpu.memref_slice %arg5[%mul3A_1177, %add3A, %dma_wait3A_1186, %dma_wait3A_1187] : memref<1600x32x8x128xf32, #tpu.memory_space<hbm>> -> memref<8x1x8x128xf32, #tpu.memory_space<hbm>>
        %dma_wait3A_1189 = arith.constant 0 : i32
        %dma_wait3A_1190 = arith.constant 0 : i32
        %dma_wait3A_1191 = arith.constant 0 : i32
        %dma_wait3A_1192 = arith.constant 0 : i32
        %dma_wait3A_1193 = tpu.memref_slice %arg21[%dma_wait3A_1189, %dma_wait3A_1190, %dma_wait3A_1191, %dma_wait3A_1192] : memref<8x1x8x129xf32, #tpu.memory_space<vmem>> -> memref<8x1x8x128xf32, #tpu.memory_space<vmem>>
        tpu.wait_dma2 semaphore(%arg37 : memref<!tpu.dma_semaphore, #tpu.memory_space<semaphore_mem>>) src(%dma_wait3A_1193 : memref<8x1x8x128xf32, #tpu.memory_space<vmem>>) dst(%dma_wait3A_1188 : memref<8x1x8x128xf32, #tpu.memory_space<hbm>>)
      } else {
      }
      %jit3A_438 = arith.constant 2 : i32
      %div3A_439 = arith.divsi %add3A_425, %jit3A_438 : i32
      %sign3A_440 = arith.constant 0 : i32
      %sign3A_441 = arith.cmpi sgt, %add3A_425, %sign3A_440 : i32
      %sign3A_442 = arith.extui %sign3A_441 : i1 to i32
      %sign3A_443 = arith.constant 0 : i32
      %sign3A_444 = arith.cmpi slt, %add3A_425, %sign3A_443 : i32
      %sign3A_445 = arith.extui %sign3A_444 : i1 to i32
      %sign3A_446 = arith.subi %sign3A_442, %sign3A_445 : i32
      %sign3A_447 = arith.constant 0 : i32
      %sign3A_448 = arith.cmpi sgt, %jit3A_438, %sign3A_447 : i32
      %sign3A_449 = arith.extui %sign3A_448 : i1 to i32
      %sign3A_450 = arith.constant 0 : i32
      %sign3A_451 = arith.cmpi slt, %jit3A_438, %sign3A_450 : i32
      %sign3A_452 = arith.extui %sign3A_451 : i1 to i32
      %sign3A_453 = arith.subi %sign3A_449, %sign3A_452 : i32
      %ne3A_454 = arith.cmpi ne, %sign3A_446, %sign3A_453 : i32
      %rem3A_455 = arith.remsi %add3A_425, %jit3A_438 : i32
      %ne3A_456 = arith.constant 0 : i32
      %ne3A_457 = arith.cmpi ne, %rem3A_455, %ne3A_456 : i32
      %and3A_458 = arith.andi %ne3A_454, %ne3A_457 : i1
      %sub3A_459 = arith.constant 1 : i32
      %sub3A_460 = arith.subi %div3A_439, %sub3A_459 : i32
      %select_n3A_461 = arith.select %and3A_458, %sub3A_460, %div3A_439 : i32
      %jit3A_462 = arith.constant 2 : i32
      %eq3A_463 = arith.constant 0 : i32
      %eq3A_464 = arith.cmpi eq, %jit3A_462, %eq3A_463 : i32
      %jit3A_465 = arith.constant 1 : i32
      %select_n3A_466 = arith.select %eq3A_464, %jit3A_465, %jit3A_462 : i32
      %rem3A_467 = arith.remsi %add3A_425, %select_n3A_466 : i32
      %ne3A_468 = arith.constant 0 : i32
      %ne3A_469 = arith.cmpi ne, %rem3A_467, %ne3A_468 : i32
      %lt3A_470 = arith.constant 0 : i32
      %lt3A_471 = arith.cmpi slt, %rem3A_467, %lt3A_470 : i32
      %lt3A_472 = arith.constant 0 : i32
      %lt3A_473 = arith.cmpi slt, %select_n3A_466, %lt3A_472 : i32
      %ne3A_474 = arith.xori %lt3A_471, %lt3A_473 : i1
      %and3A_475 = arith.andi %ne3A_474, %ne3A_469 : i1
      %add3A_476 = arith.addi %rem3A_467, %select_n3A_466 : i32
      %select_n3A_477 = arith.select %and3A_475, %add3A_476, %rem3A_467 : i32
      %mul3A_478 = arith.constant 64 : i32
      %mul3A_479 = arith.muli %select_n3A_477, %mul3A_478 : i32
      %add3A_480 = arith.constant 0 : i32
      %add3A_481 = arith.addi %mul3A_479, %add3A_480 : i32
      %get3A_482 = arith.index_cast %select_n3A_461 : i32 to index
      %get3A_483 = arith.index_cast %add3A_481 : i32 to index
      %get3A_484 = tpu.vector_load %arg6[%get3A_482, %get3A_483] {strides = array<i32>} : memref<100x128xf32, #tpu.memory_space<vmem>>, vector<16xf32>,
      %add3A_485 = arith.constant 16 : i32
      %add3A_486 = arith.addi %mul3A_479, %add3A_485 : i32
      %get3A_487 = arith.index_cast %select_n3A_461 : i32 to index
      %get3A_488 = arith.index_cast %add3A_486 : i32 to index
      %get3A_489 = tpu.vector_load %arg6[%get3A_487, %get3A_488] {strides = array<i32>} : memref<100x128xf32, #tpu.memory_space<vmem>>, vector<16xf32>,
      %add3A_490 = arith.constant 32 : i32
      %add3A_491 = arith.addi %mul3A_479, %add3A_490 : i32
      %get3A_492 = arith.index_cast %select_n3A_461 : i32 to index
      %get3A_493 = arith.index_cast %add3A_491 : i32 to index
      %get3A_494 = tpu.vector_load %arg6[%get3A_492, %get3A_493] {strides = array<i32>} : memref<100x128xf32, #tpu.memory_space<vmem>>, vector<16xf32>,
      %add3A_495 = arith.constant 48 : i32
      %add3A_496 = arith.addi %mul3A_479, %add3A_495 : i32
      %get3A_497 = arith.index_cast %select_n3A_461 : i32 to index
      %get3A_498 = arith.index_cast %add3A_496 : i32 to index
      %get3A_499 = tpu.vector_load %arg6[%get3A_497, %get3A_498] {strides = array<i32>} : memref<100x128xf32, #tpu.memory_space<vmem>>, vector<16xf32>,
      %add3A_500 = arith.constant 0 : i32
      %add3A_501 = vector.broadcast %add3A_500 : i32 to vector<16xi32>
      %add3A_502 = arith.addi %shift_right_logical3A_2, %add3A_501 : vector<16xi32>
      %add3A_503 = arith.constant 2 : i32
      %add3A_504 = vector.broadcast %add3A_503 : i32 to vector<16xi32>
      %add3A_505 = arith.addi %shift_right_logical3A_2, %add3A_504 : vector<16xi32>
      %add3A_506 = arith.constant 4 : i32
      %add3A_507 = vector.broadcast %add3A_506 : i32 to vector<16xi32>
      %add3A_508 = arith.addi %shift_right_logical3A_2, %add3A_507 : vector<16xi32>
      %add3A_509 = arith.constant 6 : i32
      %add3A_510 = vector.broadcast %add3A_509 : i32 to vector<16xi32>
      %add3A_511 = arith.addi %shift_right_logical3A_2, %add3A_510 : vector<16xi32>
      %scan3A_512 = arith.constant 0 : i32
      %scan3A_513 = arith.constant 64 : i32
      %scan3A_514 = arith.addi %scan3A_512, %scan3A_513 : i32
      %scan3A_515 = arith.constant 1 : i32
      scf.for %scan3A_1174 = %scan3A_512 to %scan3A_514 step %scan3A_515  : i32 {
        %mul3A_1175 = arith.constant 2 : i32
        %mul3A_1176 = arith.muli %scan3A_1174, %mul3A_1175 : i32
        %add3A_1177 = arith.constant 0 : i32
        %add3A_1178 = arith.addi %add3A_1177, %mul3A_1176 : i32
        %add3A_1179 = arith.constant 0 : i32
        %add3A_1180 = arith.addi %add3A_1178, %add3A_1179 : i32
        %get3A_1181 = arith.index_cast %add3A_1180 : i32 to index
        %get3A_1182 = arith.constant 0 : index
        %get3A_1183 = tpu.vector_load %arg17[%get3A_1181, %get3A_1182] {strides = array<i32>} : memref<128x64xf32, #tpu.memory_space<vmem>>, vector<16xf32>,
        %add3A_1184 = arith.addf %get3A_1183, %get3A_484 : vector<16xf32>
        %add3A_1185 = arith.constant 0 : i32
        %add3A_1186 = arith.addi %add3A_1178, %add3A_1185 : i32
        %get3A_1187 = arith.index_cast %add3A_1186 : i32 to index
        %get3A_1188 = arith.constant 16 : index
        %get3A_1189 = tpu.vector_load %arg17[%get3A_1187, %get3A_1188] {strides = array<i32>} : memref<128x64xf32, #tpu.memory_space<vmem>>, vector<16xf32>,
        %add3A_1190 = arith.addf %get3A_1189, %get3A_489 : vector<16xf32>
        %add3A_1191 = arith.constant 0 : i32
        %add3A_1192 = arith.addi %add3A_1178, %add3A_1191 : i32
        %get3A_1193 = arith.index_cast %add3A_1192 : i32 to index
        %get3A_1194 = arith.constant 32 : index
        %get3A_1195 = tpu.vector_load %arg17[%get3A_1193, %get3A_1194] {strides = array<i32>} : memref<128x64xf32, #tpu.memory_space<vmem>>, vector<16xf32>,
        %add3A_1196 = arith.addf %get3A_1195, %get3A_494 : vector<16xf32>
        %add3A_1197 = arith.constant 0 : i32
        %add3A_1198 = arith.addi %add3A_1178, %add3A_1197 : i32
        %get3A_1199 = arith.index_cast %add3A_1198 : i32 to index
        %get3A_1200 = arith.constant 48 : index
        %get3A_1201 = tpu.vector_load %arg17[%get3A_1199, %get3A_1200] {strides = array<i32>} : memref<128x64xf32, #tpu.memory_space<vmem>>, vector<16xf32>,
        %add3A_1202 = arith.addf %get3A_1201, %get3A_499 : vector<16xf32>
        %add3A_1203 = arith.constant 1 : i32
        %add3A_1204 = arith.addi %add3A_1178, %add3A_1203 : i32
        %get3A_1205 = arith.index_cast %add3A_1204 : i32 to index
        %get3A_1206 = arith.constant 0 : index
        %get3A_1207 = tpu.vector_load %arg17[%get3A_1205, %get3A_1206] {strides = array<i32>} : memref<128x64xf32, #tpu.memory_space<vmem>>, vector<16xf32>,
        %add3A_1208 = arith.addf %get3A_1207, %get3A_484 : vector<16xf32>
        %add3A_1209 = arith.constant 1 : i32
        %add3A_1210 = arith.addi %add3A_1178, %add3A_1209 : i32
        %get3A_1211 = arith.index_cast %add3A_1210 : i32 to index
        %get3A_1212 = arith.constant 16 : index
        %get3A_1213 = tpu.vector_load %arg17[%get3A_1211, %get3A_1212] {strides = array<i32>} : memref<128x64xf32, #tpu.memory_space<vmem>>, vector<16xf32>,
        %add3A_1214 = arith.addf %get3A_1213, %get3A_489 : vector<16xf32>
        %add3A_1215 = arith.constant 1 : i32
        %add3A_1216 = arith.addi %add3A_1178, %add3A_1215 : i32
        %get3A_1217 = arith.index_cast %add3A_1216 : i32 to index
        %get3A_1218 = arith.constant 32 : index
        %get3A_1219 = tpu.vector_load %arg17[%get3A_1217, %get3A_1218] {strides = array<i32>} : memref<128x64xf32, #tpu.memory_space<vmem>>, vector<16xf32>,
        %add3A_1220 = arith.addf %get3A_1219, %get3A_494 : vector<16xf32>
        %add3A_1221 = arith.constant 1 : i32
        %add3A_1222 = arith.addi %add3A_1178, %add3A_1221 : i32
        %get3A_1223 = arith.index_cast %add3A_1222 : i32 to index
        %get3A_1224 = arith.constant 48 : index
        %get3A_1225 = tpu.vector_load %arg17[%get3A_1223, %get3A_1224] {strides = array<i32>} : memref<128x64xf32, #tpu.memory_space<vmem>>, vector<16xf32>,
        %add3A_1226 = arith.addf %get3A_1225, %get3A_499 : vector<16xf32>
        %add3A_1227 = arith.constant 0 : i32
        %add3A_1228 = arith.addi %add3A_1178, %add3A_1227 : i32
        %add3A_1229 = vector.broadcast %add3A_1228 : i32 to vector<16xi32>
        %add3A_1230 = arith.addi %and3A_7, %add3A_1229 : vector<16xi32>
        tpu.vector_store_idx %arg21[%add3A_502, %and3A_7, %and3A_4, %add3A_1230], %add3A_1184 : memref<8x1x8x129xf32, #tpu.memory_space<vmem>>[vector<16xi32>, vector<16xi32>, vector<16xi32>, vector<16xi32>], vector<16xf32>,
        tpu.vector_store_idx %arg21[%add3A_505, %and3A_7, %and3A_4, %add3A_1230], %add3A_1190 : memref<8x1x8x129xf32, #tpu.memory_space<vmem>>[vector<16xi32>, vector<16xi32>, vector<16xi32>, vector<16xi32>], vector<16xf32>,
        tpu.vector_store_idx %arg21[%add3A_508, %and3A_7, %and3A_4, %add3A_1230], %add3A_1196 : memref<8x1x8x129xf32, #tpu.memory_space<vmem>>[vector<16xi32>, vector<16xi32>, vector<16xi32>, vector<16xi32>], vector<16xf32>,
        tpu.vector_store_idx %arg21[%add3A_511, %and3A_7, %and3A_4, %add3A_1230], %add3A_1202 : memref<8x1x8x129xf32, #tpu.memory_space<vmem>>[vector<16xi32>, vector<16xi32>, vector<16xi32>, vector<16xi32>], vector<16xf32>,
        %add3A_1231 = arith.constant 1 : i32
        %add3A_1232 = arith.addi %add3A_1178, %add3A_1231 : i32
        %add3A_1233 = vector.broadcast %add3A_1232 : i32 to vector<16xi32>
        %add3A_1234 = arith.addi %and3A_7, %add3A_1233 : vector<16xi32>
        tpu.vector_store_idx %arg21[%add3A_502, %and3A_7, %and3A_4, %add3A_1234], %add3A_1208 : memref<8x1x8x129xf32, #tpu.memory_space<vmem>>[vector<16xi32>, vector<16xi32>, vector<16xi32>, vector<16xi32>], vector<16xf32>,
        tpu.vector_store_idx %arg21[%add3A_505, %and3A_7, %and3A_4, %add3A_1234], %add3A_1214 : memref<8x1x8x129xf32, #tpu.memory_space<vmem>>[vector<16xi32>, vector<16xi32>, vector<16xi32>, vector<16xi32>], vector<16xf32>,
        tpu.vector_store_idx %arg21[%add3A_508, %and3A_7, %and3A_4, %add3A_1234], %add3A_1220 : memref<8x1x8x129xf32, #tpu.memory_space<vmem>>[vector<16xi32>, vector<16xi32>, vector<16xi32>, vector<16xi32>], vector<16xf32>,
        tpu.vector_store_idx %arg21[%add3A_511, %and3A_7, %and3A_4, %add3A_1234], %add3A_1226 : memref<8x1x8x129xf32, #tpu.memory_space<vmem>>[vector<16xi32>, vector<16xi32>, vector<16xi32>, vector<16xi32>], vector<16xf32>,
      }
      %scan3A_516 = arith.constant 64 : i32
      %mul3A_517 = arith.constant 8 : i32
      %mul3A_518 = arith.muli %add3A_425, %mul3A_517 : i32
      %dma_start3A_519 = arith.constant 0 : i32
      %dma_start3A_520 = arith.constant 0 : i32
      %dma_start3A_521 = arith.constant 0 : i32
      %dma_start3A_522 = arith.constant 0 : i32
      %dma_start3A_523 = tpu.memref_slice %arg21[%dma_start3A_519, %dma_start3A_520, %dma_start3A_521, %dma_start3A_522] : memref<8x1x8x129xf32, #tpu.memory_space<vmem>> -> memref<8x1x8x128xf32, #tpu.memory_space<vmem>>
      %dma_start3A_524 = arith.constant 0 : i32
      %dma_start3A_525 = arith.constant 0 : i32
      %dma_start3A_526 = tpu.memref_slice %arg5[%mul3A_518, %add3A, %dma_start3A_524, %dma_start3A_525] : memref<1600x32x8x128xf32, #tpu.memory_space<hbm>> -> memref<8x1x8x128xf32, #tpu.memory_space<hbm>>
      %dma_start3A_527 = arith.constant 0 : i32
      %dma_start3A_528 = arith.constant 0 : i32
      %dma_start3A_529 = tpu.memref_slice %arg5[%mul3A_518, %add3A, %dma_start3A_527, %dma_start3A_528] : memref<1600x32x8x128xf32, #tpu.memory_space<hbm>> -> memref<8x1x8x128xf32, #tpu.memory_space<hbm>>
      %dma_start3A_530 = arith.constant 0 : i32
      %dma_start3A_531 = arith.constant 0 : i32
      %dma_start3A_532 = arith.constant 0 : i32
      %dma_start3A_533 = arith.constant 0 : i32
      %dma_start3A_534 = tpu.memref_slice %arg21[%dma_start3A_530, %dma_start3A_531, %dma_start3A_532, %dma_start3A_533] : memref<8x1x8x129xf32, #tpu.memory_space<vmem>> -> memref<8x1x8x128xf32, #tpu.memory_space<vmem>>
      tpu.enqueue_dma source(%dma_start3A_534 : memref<8x1x8x128xf32, #tpu.memory_space<vmem>>) target(%dma_start3A_529 : memref<8x1x8x128xf32, #tpu.memory_space<hbm>>) target_semaphore(%arg37 : memref<!tpu.dma_semaphore, #tpu.memory_space<semaphore_mem>>)
      %add3A_535 = arith.constant 4 : i32
      %add3A_536 = arith.addi %add3A_425, %add3A_535 : i32
      %lt3A_537 = arith.constant 200 : i32
      %lt3A_538 = arith.cmpi slt, %add3A_536, %lt3A_537 : i32
      %convert_element_type3A_539 = arith.extui %lt3A_538 : i1 to i32
      %cond3A_540 = arith.constant 0 : i32
      %cond3A_541 = arith.cmpi ne, %convert_element_type3A_539, %cond3A_540 : i32
      scf.if %cond3A_541 {
        %add3A_1174 = arith.constant 4 : i32
        %add3A_1175 = arith.addi %add3A_425, %add3A_1174 : i32
        %mul3A_1176 = arith.constant 32 : i32
        %mul3A_1177 = arith.muli %add3A_1175, %mul3A_1176 : i32
        %add3A_1178 = arith.addi %mul3A_1177, %add3A : i32
        %dma_wait3A_1179 = arith.constant 0 : i32
        %dma_wait3A_1180 = tpu.memref_slice %arg2[%add3A_1178, %dma_wait3A_1179] : memref<6400x128xi32, #tpu.memory_space<hbm>> -> memref<1x128xi32, #tpu.memory_space<hbm>>
        %dma_wait3A_1181 = arith.constant 0 : i32
        %dma_wait3A_1182 = tpu.memref_slice %arg2[%add3A_1178, %dma_wait3A_1181] : memref<6400x128xi32, #tpu.memory_space<hbm>> -> memref<1x128xi32, #tpu.memory_space<hbm>>
        tpu.wait_dma2 semaphore(%arg29 : memref<!tpu.dma_semaphore, #tpu.memory_space<semaphore_mem>>) src(%dma_wait3A_1182 : memref<1x128xi32, #tpu.memory_space<hbm>>) dst(%arg13 : memref<1x128xi32, #tpu.memory_space<vmem>>)
        %dma_start3A_1183 = arith.constant 0 : i32
        %dma_start3A_1184 = arith.constant 0 : i32
        %dma_start3A_1185 = tpu.memref_slice %arg13[%dma_start3A_1183, %dma_start3A_1184] : memref<1x128xi32, #tpu.memory_space<vmem>> -> memref<1x128xi32, #tpu.memory_space<vmem>>
        %dma_start3A_1186 = tpu.memref_squeeze %dma_start3A_1185 : memref<1x128xi32, #tpu.memory_space<vmem>> -> memref<128xi32, #tpu.memory_space<vmem>>
        %dma_start3A_1187 = arith.constant 0 : i32
        %dma_start3A_1188 = arith.constant 0 : i32
        %dma_start3A_1189 = tpu.memref_slice %arg3[%dma_start3A_1187, %dma_start3A_1188] : memref<100000x64xf32, #tpu.memory_space<hbm>> -> memref<100000x64xf32, #tpu.memory_space<hbm>>
        tpu.enqueue_indirect_dma source(%dma_start3A_1189 : memref<100000x64xf32, #tpu.memory_space<hbm>>) target(%arg17 : memref<128x64xf32, #tpu.memory_space<vmem>>) offsets(%dma_start3A_1186 : memref<128xi32, #tpu.memory_space<vmem>>) semaphore(%arg33 : memref<!tpu.dma_semaphore, #tpu.memory_space<semaphore_mem>>)
      } else {
      }
      %add3A_542 = arith.constant 8 : i32
      %add3A_543 = arith.addi %add3A_425, %add3A_542 : i32
      %lt3A_544 = arith.constant 200 : i32
      %lt3A_545 = arith.cmpi slt, %add3A_543, %lt3A_544 : i32
      %convert_element_type3A_546 = arith.extui %lt3A_545 : i1 to i32
      %cond3A_547 = arith.constant 0 : i32
      %cond3A_548 = arith.cmpi ne, %convert_element_type3A_546, %cond3A_547 : i32
      scf.if %cond3A_548 {
        %add3A_1174 = arith.constant 8 : i32
        %add3A_1175 = arith.addi %add3A_425, %add3A_1174 : i32
        %mul3A_1176 = arith.constant 32 : i32
        %mul3A_1177 = arith.muli %add3A_1175, %mul3A_1176 : i32
        %add3A_1178 = arith.addi %mul3A_1177, %add3A : i32
        %dma_start3A_1179 = arith.constant 0 : i32
        %dma_start3A_1180 = tpu.memref_slice %arg2[%add3A_1178, %dma_start3A_1179] : memref<6400x128xi32, #tpu.memory_space<hbm>> -> memref<1x128xi32, #tpu.memory_space<hbm>>
        %dma_start3A_1181 = arith.constant 0 : i32
        %dma_start3A_1182 = tpu.memref_slice %arg2[%add3A_1178, %dma_start3A_1181] : memref<6400x128xi32, #tpu.memory_space<hbm>> -> memref<1x128xi32, #tpu.memory_space<hbm>>
        tpu.enqueue_dma source(%dma_start3A_1182 : memref<1x128xi32, #tpu.memory_space<hbm>>) target(%arg9 : memref<1x128xi32, #tpu.memory_space<vmem>>) target_semaphore(%arg25 : memref<!tpu.dma_semaphore, #tpu.memory_space<semaphore_mem>>)
      } else {
      }
      %add3A_549 = arith.constant 3 : i32
      %add3A_550 = arith.addi %add3A_186, %add3A_549 : i32
      %dma_wait3A_551 = arith.constant 0 : i32
      %dma_wait3A_552 = arith.constant 0 : i32
      %dma_wait3A_553 = tpu.memref_slice %arg10[%dma_wait3A_551, %dma_wait3A_552] : memref<1x128xi32, #tpu.memory_space<vmem>> -> memref<1x128xi32, #tpu.memory_space<vmem>>
      %dma_wait3A_554 = tpu.memref_squeeze %dma_wait3A_553 : memref<1x128xi32, #tpu.memory_space<vmem>> -> memref<128xi32, #tpu.memory_space<vmem>>
      %dma_wait3A_555 = arith.constant 0 : i32
      %dma_wait3A_556 = arith.constant 0 : i32
      %dma_wait3A_557 = tpu.memref_slice %arg3[%dma_wait3A_555, %dma_wait3A_556] : memref<100000x64xf32, #tpu.memory_space<hbm>> -> memref<100000x64xf32, #tpu.memory_space<hbm>>
      tpu.wait_indirect_dma semaphore(%arg34 : memref<!tpu.dma_semaphore, #tpu.memory_space<semaphore_mem>>) src(%dma_wait3A_557 : memref<100000x64xf32, #tpu.memory_space<hbm>>) dst(%arg18 : memref<128x64xf32, #tpu.memory_space<vmem>>)
      %ge3A_558 = arith.constant 4 : i32
      %ge3A_559 = arith.cmpi sge, %add3A_550, %ge3A_558 : i32
      %convert_element_type3A_560 = arith.extui %ge3A_559 : i1 to i32
      %cond3A_561 = arith.constant 0 : i32
      %cond3A_562 = arith.cmpi ne, %convert_element_type3A_560, %cond3A_561 : i32
      scf.if %cond3A_562 {
        %sub3A_1174 = arith.constant 4 : i32
        %sub3A_1175 = arith.subi %add3A_550, %sub3A_1174 : i32
        %mul3A_1176 = arith.constant 8 : i32
        %mul3A_1177 = arith.muli %sub3A_1175, %mul3A_1176 : i32
        %dma_wait3A_1178 = arith.constant 0 : i32
        %dma_wait3A_1179 = arith.constant 0 : i32
        %dma_wait3A_1180 = arith.constant 0 : i32
        %dma_wait3A_1181 = arith.constant 0 : i32
        %dma_wait3A_1182 = tpu.memref_slice %arg22[%dma_wait3A_1178, %dma_wait3A_1179, %dma_wait3A_1180, %dma_wait3A_1181] : memref<8x1x8x129xf32, #tpu.memory_space<vmem>> -> memref<8x1x8x128xf32, #tpu.memory_space<vmem>>
        %dma_wait3A_1183 = arith.constant 0 : i32
        %dma_wait3A_1184 = arith.constant 0 : i32
        %dma_wait3A_1185 = tpu.memref_slice %arg5[%mul3A_1177, %add3A, %dma_wait3A_1183, %dma_wait3A_1184] : memref<1600x32x8x128xf32, #tpu.memory_space<hbm>> -> memref<8x1x8x128xf32, #tpu.memory_space<hbm>>
        %dma_wait3A_1186 = arith.constant 0 : i32
        %dma_wait3A_1187 = arith.constant 0 : i32
        %dma_wait3A_1188 = tpu.memref_slice %arg5[%mul3A_1177, %add3A, %dma_wait3A_1186, %dma_wait3A_1187] : memref<1600x32x8x128xf32, #tpu.memory_space<hbm>> -> memref<8x1x8x128xf32, #tpu.memory_space<hbm>>
        %dma_wait3A_1189 = arith.constant 0 : i32
        %dma_wait3A_1190 = arith.constant 0 : i32
        %dma_wait3A_1191 = arith.constant 0 : i32
        %dma_wait3A_1192 = arith.constant 0 : i32
        %dma_wait3A_1193 = tpu.memref_slice %arg22[%dma_wait3A_1189, %dma_wait3A_1190, %dma_wait3A_1191, %dma_wait3A_1192] : memref<8x1x8x129xf32, #tpu.memory_space<vmem>> -> memref<8x1x8x128xf32, #tpu.memory_space<vmem>>
        tpu.wait_dma2 semaphore(%arg38 : memref<!tpu.dma_semaphore, #tpu.memory_space<semaphore_mem>>) src(%dma_wait3A_1193 : memref<8x1x8x128xf32, #tpu.memory_space<vmem>>) dst(%dma_wait3A_1188 : memref<8x1x8x128xf32, #tpu.memory_space<hbm>>)
      } else {
      }
      %jit3A_563 = arith.constant 2 : i32
      %div3A_564 = arith.divsi %add3A_550, %jit3A_563 : i32
      %sign3A_565 = arith.constant 0 : i32
      %sign3A_566 = arith.cmpi sgt, %add3A_550, %sign3A_565 : i32
      %sign3A_567 = arith.extui %sign3A_566 : i1 to i32
      %sign3A_568 = arith.constant 0 : i32
      %sign3A_569 = arith.cmpi slt, %add3A_550, %sign3A_568 : i32
      %sign3A_570 = arith.extui %sign3A_569 : i1 to i32
      %sign3A_571 = arith.subi %sign3A_567, %sign3A_570 : i32
      %sign3A_572 = arith.constant 0 : i32
      %sign3A_573 = arith.cmpi sgt, %jit3A_563, %sign3A_572 : i32
      %sign3A_574 = arith.extui %sign3A_573 : i1 to i32
      %sign3A_575 = arith.constant 0 : i32
      %sign3A_576 = arith.cmpi slt, %jit3A_563, %sign3A_575 : i32
      %sign3A_577 = arith.extui %sign3A_576 : i1 to i32
      %sign3A_578 = arith.subi %sign3A_574, %sign3A_577 : i32
      %ne3A_579 = arith.cmpi ne, %sign3A_571, %sign3A_578 : i32
      %rem3A_580 = arith.remsi %add3A_550, %jit3A_563 : i32
      %ne3A_581 = arith.constant 0 : i32
      %ne3A_582 = arith.cmpi ne, %rem3A_580, %ne3A_581 : i32
      %and3A_583 = arith.andi %ne3A_579, %ne3A_582 : i1
      %sub3A_584 = arith.constant 1 : i32
      %sub3A_585 = arith.subi %div3A_564, %sub3A_584 : i32
      %select_n3A_586 = arith.select %and3A_583, %sub3A_585, %div3A_564 : i32
      %jit3A_587 = arith.constant 2 : i32
      %eq3A_588 = arith.constant 0 : i32
      %eq3A_589 = arith.cmpi eq, %jit3A_587, %eq3A_588 : i32
      %jit3A_590 = arith.constant 1 : i32
      %select_n3A_591 = arith.select %eq3A_589, %jit3A_590, %jit3A_587 : i32
      %rem3A_592 = arith.remsi %add3A_550, %select_n3A_591 : i32
      %ne3A_593 = arith.constant 0 : i32
      %ne3A_594 = arith.cmpi ne, %rem3A_592, %ne3A_593 : i32
      %lt3A_595 = arith.constant 0 : i32
      %lt3A_596 = arith.cmpi slt, %rem3A_592, %lt3A_595 : i32
      %lt3A_597 = arith.constant 0 : i32
      %lt3A_598 = arith.cmpi slt, %select_n3A_591, %lt3A_597 : i32
      %ne3A_599 = arith.xori %lt3A_596, %lt3A_598 : i1
      %and3A_600 = arith.andi %ne3A_599, %ne3A_594 : i1
      %add3A_601 = arith.addi %rem3A_592, %select_n3A_591 : i32
      %select_n3A_602 = arith.select %and3A_600, %add3A_601, %rem3A_592 : i32
      %mul3A_603 = arith.constant 64 : i32
      %mul3A_604 = arith.muli %select_n3A_602, %mul3A_603 : i32
      %add3A_605 = arith.constant 0 : i32
      %add3A_606 = arith.addi %mul3A_604, %add3A_605 : i32
      %get3A_607 = arith.index_cast %select_n3A_586 : i32 to index
      %get3A_608 = arith.index_cast %add3A_606 : i32 to index
      %get3A_609 = tpu.vector_load %arg6[%get3A_607, %get3A_608] {strides = array<i32>} : memref<100x128xf32, #tpu.memory_space<vmem>>, vector<16xf32>,
      %add3A_610 = arith.constant 16 : i32
      %add3A_611 = arith.addi %mul3A_604, %add3A_610 : i32
      %get3A_612 = arith.index_cast %select_n3A_586 : i32 to index
      %get3A_613 = arith.index_cast %add3A_611 : i32 to index
      %get3A_614 = tpu.vector_load %arg6[%get3A_612, %get3A_613] {strides = array<i32>} : memref<100x128xf32, #tpu.memory_space<vmem>>, vector<16xf32>,
      %add3A_615 = arith.constant 32 : i32
      %add3A_616 = arith.addi %mul3A_604, %add3A_615 : i32
      %get3A_617 = arith.index_cast %select_n3A_586 : i32 to index
      %get3A_618 = arith.index_cast %add3A_616 : i32 to index
      %get3A_619 = tpu.vector_load %arg6[%get3A_617, %get3A_618] {strides = array<i32>} : memref<100x128xf32, #tpu.memory_space<vmem>>, vector<16xf32>,
      %add3A_620 = arith.constant 48 : i32
      %add3A_621 = arith.addi %mul3A_604, %add3A_620 : i32
      %get3A_622 = arith.index_cast %select_n3A_586 : i32 to index
      %get3A_623 = arith.index_cast %add3A_621 : i32 to index
      %get3A_624 = tpu.vector_load %arg6[%get3A_622, %get3A_623] {strides = array<i32>} : memref<100x128xf32, #tpu.memory_space<vmem>>, vector<16xf32>,
      %add3A_625 = arith.constant 0 : i32
      %add3A_626 = vector.broadcast %add3A_625 : i32 to vector<16xi32>
      %add3A_627 = arith.addi %shift_right_logical3A_2, %add3A_626 : vector<16xi32>
      %add3A_628 = arith.constant 2 : i32
      %add3A_629 = vector.broadcast %add3A_628 : i32 to vector<16xi32>
      %add3A_630 = arith.addi %shift_right_logical3A_2, %add3A_629 : vector<16xi32>
      %add3A_631 = arith.constant 4 : i32
      %add3A_632 = vector.broadcast %add3A_631 : i32 to vector<16xi32>
      %add3A_633 = arith.addi %shift_right_logical3A_2, %add3A_632 : vector<16xi32>
      %add3A_634 = arith.constant 6 : i32
      %add3A_635 = vector.broadcast %add3A_634 : i32 to vector<16xi32>
      %add3A_636 = arith.addi %shift_right_logical3A_2, %add3A_635 : vector<16xi32>
      %scan3A_637 = arith.constant 0 : i32
      %scan3A_638 = arith.constant 64 : i32
      %scan3A_639 = arith.addi %scan3A_637, %scan3A_638 : i32
      %scan3A_640 = arith.constant 1 : i32
      scf.for %scan3A_1174 = %scan3A_637 to %scan3A_639 step %scan3A_640  : i32 {
        %mul3A_1175 = arith.constant 2 : i32
        %mul3A_1176 = arith.muli %scan3A_1174, %mul3A_1175 : i32
        %add3A_1177 = arith.constant 0 : i32
        %add3A_1178 = arith.addi %add3A_1177, %mul3A_1176 : i32
        %add3A_1179 = arith.constant 0 : i32
        %add3A_1180 = arith.addi %add3A_1178, %add3A_1179 : i32
        %get3A_1181 = arith.index_cast %add3A_1180 : i32 to index
        %get3A_1182 = arith.constant 0 : index
        %get3A_1183 = tpu.vector_load %arg18[%get3A_1181, %get3A_1182] {strides = array<i32>} : memref<128x64xf32, #tpu.memory_space<vmem>>, vector<16xf32>,
        %add3A_1184 = arith.addf %get3A_1183, %get3A_609 : vector<16xf32>
        %add3A_1185 = arith.constant 0 : i32
        %add3A_1186 = arith.addi %add3A_1178, %add3A_1185 : i32
        %get3A_1187 = arith.index_cast %add3A_1186 : i32 to index
        %get3A_1188 = arith.constant 16 : index
        %get3A_1189 = tpu.vector_load %arg18[%get3A_1187, %get3A_1188] {strides = array<i32>} : memref<128x64xf32, #tpu.memory_space<vmem>>, vector<16xf32>,
        %add3A_1190 = arith.addf %get3A_1189, %get3A_614 : vector<16xf32>
        %add3A_1191 = arith.constant 0 : i32
        %add3A_1192 = arith.addi %add3A_1178, %add3A_1191 : i32
        %get3A_1193 = arith.index_cast %add3A_1192 : i32 to index
        %get3A_1194 = arith.constant 32 : index
        %get3A_1195 = tpu.vector_load %arg18[%get3A_1193, %get3A_1194] {strides = array<i32>} : memref<128x64xf32, #tpu.memory_space<vmem>>, vector<16xf32>,
        %add3A_1196 = arith.addf %get3A_1195, %get3A_619 : vector<16xf32>
        %add3A_1197 = arith.constant 0 : i32
        %add3A_1198 = arith.addi %add3A_1178, %add3A_1197 : i32
        %get3A_1199 = arith.index_cast %add3A_1198 : i32 to index
        %get3A_1200 = arith.constant 48 : index
        %get3A_1201 = tpu.vector_load %arg18[%get3A_1199, %get3A_1200] {strides = array<i32>} : memref<128x64xf32, #tpu.memory_space<vmem>>, vector<16xf32>,
        %add3A_1202 = arith.addf %get3A_1201, %get3A_624 : vector<16xf32>
        %add3A_1203 = arith.constant 1 : i32
        %add3A_1204 = arith.addi %add3A_1178, %add3A_1203 : i32
        %get3A_1205 = arith.index_cast %add3A_1204 : i32 to index
        %get3A_1206 = arith.constant 0 : index
        %get3A_1207 = tpu.vector_load %arg18[%get3A_1205, %get3A_1206] {strides = array<i32>} : memref<128x64xf32, #tpu.memory_space<vmem>>, vector<16xf32>,
        %add3A_1208 = arith.addf %get3A_1207, %get3A_609 : vector<16xf32>
        %add3A_1209 = arith.constant 1 : i32
        %add3A_1210 = arith.addi %add3A_1178, %add3A_1209 : i32
        %get3A_1211 = arith.index_cast %add3A_1210 : i32 to index
        %get3A_1212 = arith.constant 16 : index
        %get3A_1213 = tpu.vector_load %arg18[%get3A_1211, %get3A_1212] {strides = array<i32>} : memref<128x64xf32, #tpu.memory_space<vmem>>, vector<16xf32>,
        %add3A_1214 = arith.addf %get3A_1213, %get3A_614 : vector<16xf32>
        %add3A_1215 = arith.constant 1 : i32
        %add3A_1216 = arith.addi %add3A_1178, %add3A_1215 : i32
        %get3A_1217 = arith.index_cast %add3A_1216 : i32 to index
        %get3A_1218 = arith.constant 32 : index
        %get3A_1219 = tpu.vector_load %arg18[%get3A_1217, %get3A_1218] {strides = array<i32>} : memref<128x64xf32, #tpu.memory_space<vmem>>, vector<16xf32>,
        %add3A_1220 = arith.addf %get3A_1219, %get3A_619 : vector<16xf32>
        %add3A_1221 = arith.constant 1 : i32
        %add3A_1222 = arith.addi %add3A_1178, %add3A_1221 : i32
        %get3A_1223 = arith.index_cast %add3A_1222 : i32 to index
        %get3A_1224 = arith.constant 48 : index
        %get3A_1225 = tpu.vector_load %arg18[%get3A_1223, %get3A_1224] {strides = array<i32>} : memref<128x64xf32, #tpu.memory_space<vmem>>, vector<16xf32>,
        %add3A_1226 = arith.addf %get3A_1225, %get3A_624 : vector<16xf32>
        %add3A_1227 = arith.constant 0 : i32
        %add3A_1228 = arith.addi %add3A_1178, %add3A_1227 : i32
        %add3A_1229 = vector.broadcast %add3A_1228 : i32 to vector<16xi32>
        %add3A_1230 = arith.addi %and3A_7, %add3A_1229 : vector<16xi32>
        tpu.vector_store_idx %arg22[%add3A_627, %and3A_7, %and3A_4, %add3A_1230], %add3A_1184 : memref<8x1x8x129xf32, #tpu.memory_space<vmem>>[vector<16xi32>, vector<16xi32>, vector<16xi32>, vector<16xi32>], vector<16xf32>,
        tpu.vector_store_idx %arg22[%add3A_630, %and3A_7, %and3A_4, %add3A_1230], %add3A_1190 : memref<8x1x8x129xf32, #tpu.memory_space<vmem>>[vector<16xi32>, vector<16xi32>, vector<16xi32>, vector<16xi32>], vector<16xf32>,
        tpu.vector_store_idx %arg22[%add3A_633, %and3A_7, %and3A_4, %add3A_1230], %add3A_1196 : memref<8x1x8x129xf32, #tpu.memory_space<vmem>>[vector<16xi32>, vector<16xi32>, vector<16xi32>, vector<16xi32>], vector<16xf32>,
        tpu.vector_store_idx %arg22[%add3A_636, %and3A_7, %and3A_4, %add3A_1230], %add3A_1202 : memref<8x1x8x129xf32, #tpu.memory_space<vmem>>[vector<16xi32>, vector<16xi32>, vector<16xi32>, vector<16xi32>], vector<16xf32>,
        %add3A_1231 = arith.constant 1 : i32
        %add3A_1232 = arith.addi %add3A_1178, %add3A_1231 : i32
        %add3A_1233 = vector.broadcast %add3A_1232 : i32 to vector<16xi32>
        %add3A_1234 = arith.addi %and3A_7, %add3A_1233 : vector<16xi32>
        tpu.vector_store_idx %arg22[%add3A_627, %and3A_7, %and3A_4, %add3A_1234], %add3A_1208 : memref<8x1x8x129xf32, #tpu.memory_space<vmem>>[vector<16xi32>, vector<16xi32>, vector<16xi32>, vector<16xi32>], vector<16xf32>,
        tpu.vector_store_idx %arg22[%add3A_630, %and3A_7, %and3A_4, %add3A_1234], %add3A_1214 : memref<8x1x8x129xf32, #tpu.memory_space<vmem>>[vector<16xi32>, vector<16xi32>, vector<16xi32>, vector<16xi32>], vector<16xf32>,
        tpu.vector_store_idx %arg22[%add3A_633, %and3A_7, %and3A_4, %add3A_1234], %add3A_1220 : memref<8x1x8x129xf32, #tpu.memory_space<vmem>>[vector<16xi32>, vector<16xi32>, vector<16xi32>, vector<16xi32>], vector<16xf32>,
        tpu.vector_store_idx %arg22[%add3A_636, %and3A_7, %and3A_4, %add3A_1234], %add3A_1226 : memref<8x1x8x129xf32, #tpu.memory_space<vmem>>[vector<16xi32>, vector<16xi32>, vector<16xi32>, vector<16xi32>], vector<16xf32>,
      }
      %scan3A_641 = arith.constant 64 : i32
      %mul3A_642 = arith.constant 8 : i32
      %mul3A_643 = arith.muli %add3A_550, %mul3A_642 : i32
      %dma_start3A_644 = arith.constant 0 : i32
      %dma_start3A_645 = arith.constant 0 : i32
      %dma_start3A_646 = arith.constant 0 : i32
      %dma_start3A_647 = arith.constant 0 : i32
      %dma_start3A_648 = tpu.memref_slice %arg22[%dma_start3A_644, %dma_start3A_645, %dma_start3A_646, %dma_start3A_647] : memref<8x1x8x129xf32, #tpu.memory_space<vmem>> -> memref<8x1x8x128xf32, #tpu.memory_space<vmem>>
      %dma_start3A_649 = arith.constant 0 : i32
      %dma_start3A_650 = arith.constant 0 : i32
      %dma_start3A_651 = tpu.memref_slice %arg5[%mul3A_643, %add3A, %dma_start3A_649, %dma_start3A_650] : memref<1600x32x8x128xf32, #tpu.memory_space<hbm>> -> memref<8x1x8x128xf32, #tpu.memory_space<hbm>>
      %dma_start3A_652 = arith.constant 0 : i32
      %dma_start3A_653 = arith.constant 0 : i32
      %dma_start3A_654 = tpu.memref_slice %arg5[%mul3A_643, %add3A, %dma_start3A_652, %dma_start3A_653] : memref<1600x32x8x128xf32, #tpu.memory_space<hbm>> -> memref<8x1x8x128xf32, #tpu.memory_space<hbm>>
      %dma_start3A_655 = arith.constant 0 : i32
      %dma_start3A_656 = arith.constant 0 : i32
      %dma_start3A_657 = arith.constant 0 : i32
      %dma_start3A_658 = arith.constant 0 : i32
      %dma_start3A_659 = tpu.memref_slice %arg22[%dma_start3A_655, %dma_start3A_656, %dma_start3A_657, %dma_start3A_658] : memref<8x1x8x129xf32, #tpu.memory_space<vmem>> -> memref<8x1x8x128xf32, #tpu.memory_space<vmem>>
      tpu.enqueue_dma source(%dma_start3A_659 : memref<8x1x8x128xf32, #tpu.memory_space<vmem>>) target(%dma_start3A_654 : memref<8x1x8x128xf32, #tpu.memory_space<hbm>>) target_semaphore(%arg38 : memref<!tpu.dma_semaphore, #tpu.memory_space<semaphore_mem>>)
      %add3A_660 = arith.constant 4 : i32
      %add3A_661 = arith.addi %add3A_550, %add3A_660 : i32
      %lt3A_662 = arith.constant 200 : i32
      %lt3A_663 = arith.cmpi slt, %add3A_661, %lt3A_662 : i32
      %convert_element_type3A_664 = arith.extui %lt3A_663 : i1 to i32
      %cond3A_665 = arith.constant 0 : i32
      %cond3A_666 = arith.cmpi ne, %convert_element_type3A_664, %cond3A_665 : i32
      scf.if %cond3A_666 {
        %add3A_1174 = arith.constant 4 : i32
        %add3A_1175 = arith.addi %add3A_550, %add3A_1174 : i32
        %mul3A_1176 = arith.constant 32 : i32
        %mul3A_1177 = arith.muli %add3A_1175, %mul3A_1176 : i32
        %add3A_1178 = arith.addi %mul3A_1177, %add3A : i32
        %dma_wait3A_1179 = arith.constant 0 : i32
        %dma_wait3A_1180 = tpu.memref_slice %arg2[%add3A_1178, %dma_wait3A_1179] : memref<6400x128xi32, #tpu.memory_space<hbm>> -> memref<1x128xi32, #tpu.memory_space<hbm>>
        %dma_wait3A_1181 = arith.constant 0 : i32
        %dma_wait3A_1182 = tpu.memref_slice %arg2[%add3A_1178, %dma_wait3A_1181] : memref<6400x128xi32, #tpu.memory_space<hbm>> -> memref<1x128xi32, #tpu.memory_space<hbm>>
        tpu.wait_dma2 semaphore(%arg30 : memref<!tpu.dma_semaphore, #tpu.memory_space<semaphore_mem>>) src(%dma_wait3A_1182 : memref<1x128xi32, #tpu.memory_space<hbm>>) dst(%arg14 : memref<1x128xi32, #tpu.memory_space<vmem>>)
        %dma_start3A_1183 = arith.constant 0 : i32
        %dma_start3A_1184 = arith.constant 0 : i32
        %dma_start3A_1185 = tpu.memref_slice %arg14[%dma_start3A_1183, %dma_start3A_1184] : memref<1x128xi32, #tpu.memory_space<vmem>> -> memref<1x128xi32, #tpu.memory_space<vmem>>
        %dma_start3A_1186 = tpu.memref_squeeze %dma_start3A_1185 : memref<1x128xi32, #tpu.memory_space<vmem>> -> memref<128xi32, #tpu.memory_space<vmem>>
        %dma_start3A_1187 = arith.constant 0 : i32
        %dma_start3A_1188 = arith.constant 0 : i32
        %dma_start3A_1189 = tpu.memref_slice %arg3[%dma_start3A_1187, %dma_start3A_1188] : memref<100000x64xf32, #tpu.memory_space<hbm>> -> memref<100000x64xf32, #tpu.memory_space<hbm>>
        tpu.enqueue_indirect_dma source(%dma_start3A_1189 : memref<100000x64xf32, #tpu.memory_space<hbm>>) target(%arg18 : memref<128x64xf32, #tpu.memory_space<vmem>>) offsets(%dma_start3A_1186 : memref<128xi32, #tpu.memory_space<vmem>>) semaphore(%arg34 : memref<!tpu.dma_semaphore, #tpu.memory_space<semaphore_mem>>)
      } else {
      }
      %add3A_667 = arith.constant 8 : i32
      %add3A_668 = arith.addi %add3A_550, %add3A_667 : i32
      %lt3A_669 = arith.constant 200 : i32
      %lt3A_670 = arith.cmpi slt, %add3A_668, %lt3A_669 : i32
      %convert_element_type3A_671 = arith.extui %lt3A_670 : i1 to i32
      %cond3A_672 = arith.constant 0 : i32
      %cond3A_673 = arith.cmpi ne, %convert_element_type3A_671, %cond3A_672 : i32
      scf.if %cond3A_673 {
        %add3A_1174 = arith.constant 8 : i32
        %add3A_1175 = arith.addi %add3A_550, %add3A_1174 : i32
        %mul3A_1176 = arith.constant 32 : i32
        %mul3A_1177 = arith.muli %add3A_1175, %mul3A_1176 : i32
        %add3A_1178 = arith.addi %mul3A_1177, %add3A : i32
        %dma_start3A_1179 = arith.constant 0 : i32
        %dma_start3A_1180 = tpu.memref_slice %arg2[%add3A_1178, %dma_start3A_1179] : memref<6400x128xi32, #tpu.memory_space<hbm>> -> memref<1x128xi32, #tpu.memory_space<hbm>>
        %dma_start3A_1181 = arith.constant 0 : i32
        %dma_start3A_1182 = tpu.memref_slice %arg2[%add3A_1178, %dma_start3A_1181] : memref<6400x128xi32, #tpu.memory_space<hbm>> -> memref<1x128xi32, #tpu.memory_space<hbm>>
        tpu.enqueue_dma source(%dma_start3A_1182 : memref<1x128xi32, #tpu.memory_space<hbm>>) target(%arg10 : memref<1x128xi32, #tpu.memory_space<vmem>>) target_semaphore(%arg26 : memref<!tpu.dma_semaphore, #tpu.memory_space<semaphore_mem>>)
      } else {
      }
      %add3A_674 = arith.constant 4 : i32
      %add3A_675 = arith.addi %add3A_186, %add3A_674 : i32
      %dma_wait3A_676 = arith.constant 0 : i32
      %dma_wait3A_677 = arith.constant 0 : i32
      %dma_wait3A_678 = tpu.memref_slice %arg11[%dma_wait3A_676, %dma_wait3A_677] : memref<1x128xi32, #tpu.memory_space<vmem>> -> memref<1x128xi32, #tpu.memory_space<vmem>>
      %dma_wait3A_679 = tpu.memref_squeeze %dma_wait3A_678 : memref<1x128xi32, #tpu.memory_space<vmem>> -> memref<128xi32, #tpu.memory_space<vmem>>
      %dma_wait3A_680 = arith.constant 0 : i32
      %dma_wait3A_681 = arith.constant 0 : i32
      %dma_wait3A_682 = tpu.memref_slice %arg3[%dma_wait3A_680, %dma_wait3A_681] : memref<100000x64xf32, #tpu.memory_space<hbm>> -> memref<100000x64xf32, #tpu.memory_space<hbm>>
      tpu.wait_indirect_dma semaphore(%arg31 : memref<!tpu.dma_semaphore, #tpu.memory_space<semaphore_mem>>) src(%dma_wait3A_682 : memref<100000x64xf32, #tpu.memory_space<hbm>>) dst(%arg15 : memref<128x64xf32, #tpu.memory_space<vmem>>)
      %ge3A_683 = arith.constant 4 : i32
      %ge3A_684 = arith.cmpi sge, %add3A_675, %ge3A_683 : i32
      %convert_element_type3A_685 = arith.extui %ge3A_684 : i1 to i32
      %cond3A_686 = arith.constant 0 : i32
      %cond3A_687 = arith.cmpi ne, %convert_element_type3A_685, %cond3A_686 : i32
      scf.if %cond3A_687 {
        %sub3A_1174 = arith.constant 4 : i32
        %sub3A_1175 = arith.subi %add3A_675, %sub3A_1174 : i32
        %mul3A_1176 = arith.constant 8 : i32
        %mul3A_1177 = arith.muli %sub3A_1175, %mul3A_1176 : i32
        %dma_wait3A_1178 = arith.constant 0 : i32
        %dma_wait3A_1179 = arith.constant 0 : i32
        %dma_wait3A_1180 = arith.constant 0 : i32
        %dma_wait3A_1181 = arith.constant 0 : i32
        %dma_wait3A_1182 = tpu.memref_slice %arg19[%dma_wait3A_1178, %dma_wait3A_1179, %dma_wait3A_1180, %dma_wait3A_1181] : memref<8x1x8x129xf32, #tpu.memory_space<vmem>> -> memref<8x1x8x128xf32, #tpu.memory_space<vmem>>
        %dma_wait3A_1183 = arith.constant 0 : i32
        %dma_wait3A_1184 = arith.constant 0 : i32
        %dma_wait3A_1185 = tpu.memref_slice %arg5[%mul3A_1177, %add3A, %dma_wait3A_1183, %dma_wait3A_1184] : memref<1600x32x8x128xf32, #tpu.memory_space<hbm>> -> memref<8x1x8x128xf32, #tpu.memory_space<hbm>>
        %dma_wait3A_1186 = arith.constant 0 : i32
        %dma_wait3A_1187 = arith.constant 0 : i32
        %dma_wait3A_1188 = tpu.memref_slice %arg5[%mul3A_1177, %add3A, %dma_wait3A_1186, %dma_wait3A_1187] : memref<1600x32x8x128xf32, #tpu.memory_space<hbm>> -> memref<8x1x8x128xf32, #tpu.memory_space<hbm>>
        %dma_wait3A_1189 = arith.constant 0 : i32
        %dma_wait3A_1190 = arith.constant 0 : i32
        %dma_wait3A_1191 = arith.constant 0 : i32
        %dma_wait3A_1192 = arith.constant 0 : i32
        %dma_wait3A_1193 = tpu.memref_slice %arg19[%dma_wait3A_1189, %dma_wait3A_1190, %dma_wait3A_1191, %dma_wait3A_1192] : memref<8x1x8x129xf32, #tpu.memory_space<vmem>> -> memref<8x1x8x128xf32, #tpu.memory_space<vmem>>
        tpu.wait_dma2 semaphore(%arg35 : memref<!tpu.dma_semaphore, #tpu.memory_space<semaphore_mem>>) src(%dma_wait3A_1193 : memref<8x1x8x128xf32, #tpu.memory_space<vmem>>) dst(%dma_wait3A_1188 : memref<8x1x8x128xf32, #tpu.memory_space<hbm>>)
      } else {
      }
      %jit3A_688 = arith.constant 2 : i32
      %div3A_689 = arith.divsi %add3A_675, %jit3A_688 : i32
      %sign3A_690 = arith.constant 0 : i32
      %sign3A_691 = arith.cmpi sgt, %add3A_675, %sign3A_690 : i32
      %sign3A_692 = arith.extui %sign3A_691 : i1 to i32
      %sign3A_693 = arith.constant 0 : i32
      %sign3A_694 = arith.cmpi slt, %add3A_675, %sign3A_693 : i32
      %sign3A_695 = arith.extui %sign3A_694 : i1 to i32
      %sign3A_696 = arith.subi %sign3A_692, %sign3A_695 : i32
      %sign3A_697 = arith.constant 0 : i32
      %sign3A_698 = arith.cmpi sgt, %jit3A_688, %sign3A_697 : i32
      %sign3A_699 = arith.extui %sign3A_698 : i1 to i32
      %sign3A_700 = arith.constant 0 : i32
      %sign3A_701 = arith.cmpi slt, %jit3A_688, %sign3A_700 : i32
      %sign3A_702 = arith.extui %sign3A_701 : i1 to i32
      %sign3A_703 = arith.subi %sign3A_699, %sign3A_702 : i32
      %ne3A_704 = arith.cmpi ne, %sign3A_696, %sign3A_703 : i32
      %rem3A_705 = arith.remsi %add3A_675, %jit3A_688 : i32
      %ne3A_706 = arith.constant 0 : i32
      %ne3A_707 = arith.cmpi ne, %rem3A_705, %ne3A_706 : i32
      %and3A_708 = arith.andi %ne3A_704, %ne3A_707 : i1
      %sub3A_709 = arith.constant 1 : i32
      %sub3A_710 = arith.subi %div3A_689, %sub3A_709 : i32
      %select_n3A_711 = arith.select %and3A_708, %sub3A_710, %div3A_689 : i32
      %jit3A_712 = arith.constant 2 : i32
      %eq3A_713 = arith.constant 0 : i32
      %eq3A_714 = arith.cmpi eq, %jit3A_712, %eq3A_713 : i32
      %jit3A_715 = arith.constant 1 : i32
      %select_n3A_716 = arith.select %eq3A_714, %jit3A_715, %jit3A_712 : i32
      %rem3A_717 = arith.remsi %add3A_675, %select_n3A_716 : i32
      %ne3A_718 = arith.constant 0 : i32
      %ne3A_719 = arith.cmpi ne, %rem3A_717, %ne3A_718 : i32
      %lt3A_720 = arith.constant 0 : i32
      %lt3A_721 = arith.cmpi slt, %rem3A_717, %lt3A_720 : i32
      %lt3A_722 = arith.constant 0 : i32
      %lt3A_723 = arith.cmpi slt, %select_n3A_716, %lt3A_722 : i32
      %ne3A_724 = arith.xori %lt3A_721, %lt3A_723 : i1
      %and3A_725 = arith.andi %ne3A_724, %ne3A_719 : i1
      %add3A_726 = arith.addi %rem3A_717, %select_n3A_716 : i32
      %select_n3A_727 = arith.select %and3A_725, %add3A_726, %rem3A_717 : i32
      %mul3A_728 = arith.constant 64 : i32
      %mul3A_729 = arith.muli %select_n3A_727, %mul3A_728 : i32
      %add3A_730 = arith.constant 0 : i32
      %add3A_731 = arith.addi %mul3A_729, %add3A_730 : i32
      %get3A_732 = arith.index_cast %select_n3A_711 : i32 to index
      %get3A_733 = arith.index_cast %add3A_731 : i32 to index
      %get3A_734 = tpu.vector_load %arg6[%get3A_732, %get3A_733] {strides = array<i32>} : memref<100x128xf32, #tpu.memory_space<vmem>>, vector<16xf32>,
      %add3A_735 = arith.constant 16 : i32
      %add3A_736 = arith.addi %mul3A_729, %add3A_735 : i32
      %get3A_737 = arith.index_cast %select_n3A_711 : i32 to index
      %get3A_738 = arith.index_cast %add3A_736 : i32 to index
      %get3A_739 = tpu.vector_load %arg6[%get3A_737, %get3A_738] {strides = array<i32>} : memref<100x128xf32, #tpu.memory_space<vmem>>, vector<16xf32>,
      %add3A_740 = arith.constant 32 : i32
      %add3A_741 = arith.addi %mul3A_729, %add3A_740 : i32
      %get3A_742 = arith.index_cast %select_n3A_711 : i32 to index
      %get3A_743 = arith.index_cast %add3A_741 : i32 to index
      %get3A_744 = tpu.vector_load %arg6[%get3A_742, %get3A_743] {strides = array<i32>} : memref<100x128xf32, #tpu.memory_space<vmem>>, vector<16xf32>,
      %add3A_745 = arith.constant 48 : i32
      %add3A_746 = arith.addi %mul3A_729, %add3A_745 : i32
      %get3A_747 = arith.index_cast %select_n3A_711 : i32 to index
      %get3A_748 = arith.index_cast %add3A_746 : i32 to index
      %get3A_749 = tpu.vector_load %arg6[%get3A_747, %get3A_748] {strides = array<i32>} : memref<100x128xf32, #tpu.memory_space<vmem>>, vector<16xf32>,
      %add3A_750 = arith.constant 0 : i32
      %add3A_751 = vector.broadcast %add3A_750 : i32 to vector<16xi32>
      %add3A_752 = arith.addi %shift_right_logical3A_2, %add3A_751 : vector<16xi32>
      %add3A_753 = arith.constant 2 : i32
      %add3A_754 = vector.broadcast %add3A_753 : i32 to vector<16xi32>
      %add3A_755 = arith.addi %shift_right_logical3A_2, %add3A_754 : vector<16xi32>
      %add3A_756 = arith.constant 4 : i32
      %add3A_757 = vector.broadcast %add3A_756 : i32 to vector<16xi32>
      %add3A_758 = arith.addi %shift_right_logical3A_2, %add3A_757 : vector<16xi32>
      %add3A_759 = arith.constant 6 : i32
      %add3A_760 = vector.broadcast %add3A_759 : i32 to vector<16xi32>
      %add3A_761 = arith.addi %shift_right_logical3A_2, %add3A_760 : vector<16xi32>
      %scan3A_762 = arith.constant 0 : i32
      %scan3A_763 = arith.constant 64 : i32
      %scan3A_764 = arith.addi %scan3A_762, %scan3A_763 : i32
      %scan3A_765 = arith.constant 1 : i32
      scf.for %scan3A_1174 = %scan3A_762 to %scan3A_764 step %scan3A_765  : i32 {
        %mul3A_1175 = arith.constant 2 : i32
        %mul3A_1176 = arith.muli %scan3A_1174, %mul3A_1175 : i32
        %add3A_1177 = arith.constant 0 : i32
        %add3A_1178 = arith.addi %add3A_1177, %mul3A_1176 : i32
        %add3A_1179 = arith.constant 0 : i32
        %add3A_1180 = arith.addi %add3A_1178, %add3A_1179 : i32
        %get3A_1181 = arith.index_cast %add3A_1180 : i32 to index
        %get3A_1182 = arith.constant 0 : index
        %get3A_1183 = tpu.vector_load %arg15[%get3A_1181, %get3A_1182] {strides = array<i32>} : memref<128x64xf32, #tpu.memory_space<vmem>>, vector<16xf32>,
        %add3A_1184 = arith.addf %get3A_1183, %get3A_734 : vector<16xf32>
        %add3A_1185 = arith.constant 0 : i32
        %add3A_1186 = arith.addi %add3A_1178, %add3A_1185 : i32
        %get3A_1187 = arith.index_cast %add3A_1186 : i32 to index
        %get3A_1188 = arith.constant 16 : index
        %get3A_1189 = tpu.vector_load %arg15[%get3A_1187, %get3A_1188] {strides = array<i32>} : memref<128x64xf32, #tpu.memory_space<vmem>>, vector<16xf32>,
        %add3A_1190 = arith.addf %get3A_1189, %get3A_739 : vector<16xf32>
        %add3A_1191 = arith.constant 0 : i32
        %add3A_1192 = arith.addi %add3A_1178, %add3A_1191 : i32
        %get3A_1193 = arith.index_cast %add3A_1192 : i32 to index
        %get3A_1194 = arith.constant 32 : index
        %get3A_1195 = tpu.vector_load %arg15[%get3A_1193, %get3A_1194] {strides = array<i32>} : memref<128x64xf32, #tpu.memory_space<vmem>>, vector<16xf32>,
        %add3A_1196 = arith.addf %get3A_1195, %get3A_744 : vector<16xf32>
        %add3A_1197 = arith.constant 0 : i32
        %add3A_1198 = arith.addi %add3A_1178, %add3A_1197 : i32
        %get3A_1199 = arith.index_cast %add3A_1198 : i32 to index
        %get3A_1200 = arith.constant 48 : index
        %get3A_1201 = tpu.vector_load %arg15[%get3A_1199, %get3A_1200] {strides = array<i32>} : memref<128x64xf32, #tpu.memory_space<vmem>>, vector<16xf32>,
        %add3A_1202 = arith.addf %get3A_1201, %get3A_749 : vector<16xf32>
        %add3A_1203 = arith.constant 1 : i32
        %add3A_1204 = arith.addi %add3A_1178, %add3A_1203 : i32
        %get3A_1205 = arith.index_cast %add3A_1204 : i32 to index
        %get3A_1206 = arith.constant 0 : index
        %get3A_1207 = tpu.vector_load %arg15[%get3A_1205, %get3A_1206] {strides = array<i32>} : memref<128x64xf32, #tpu.memory_space<vmem>>, vector<16xf32>,
        %add3A_1208 = arith.addf %get3A_1207, %get3A_734 : vector<16xf32>
        %add3A_1209 = arith.constant 1 : i32
        %add3A_1210 = arith.addi %add3A_1178, %add3A_1209 : i32
        %get3A_1211 = arith.index_cast %add3A_1210 : i32 to index
        %get3A_1212 = arith.constant 16 : index
        %get3A_1213 = tpu.vector_load %arg15[%get3A_1211, %get3A_1212] {strides = array<i32>} : memref<128x64xf32, #tpu.memory_space<vmem>>, vector<16xf32>,
        %add3A_1214 = arith.addf %get3A_1213, %get3A_739 : vector<16xf32>
        %add3A_1215 = arith.constant 1 : i32
        %add3A_1216 = arith.addi %add3A_1178, %add3A_1215 : i32
        %get3A_1217 = arith.index_cast %add3A_1216 : i32 to index
        %get3A_1218 = arith.constant 32 : index
        %get3A_1219 = tpu.vector_load %arg15[%get3A_1217, %get3A_1218] {strides = array<i32>} : memref<128x64xf32, #tpu.memory_space<vmem>>, vector<16xf32>,
        %add3A_1220 = arith.addf %get3A_1219, %get3A_744 : vector<16xf32>
        %add3A_1221 = arith.constant 1 : i32
        %add3A_1222 = arith.addi %add3A_1178, %add3A_1221 : i32
        %get3A_1223 = arith.index_cast %add3A_1222 : i32 to index
        %get3A_1224 = arith.constant 48 : index
        %get3A_1225 = tpu.vector_load %arg15[%get3A_1223, %get3A_1224] {strides = array<i32>} : memref<128x64xf32, #tpu.memory_space<vmem>>, vector<16xf32>,
        %add3A_1226 = arith.addf %get3A_1225, %get3A_749 : vector<16xf32>
        %add3A_1227 = arith.constant 0 : i32
        %add3A_1228 = arith.addi %add3A_1178, %add3A_1227 : i32
        %add3A_1229 = vector.broadcast %add3A_1228 : i32 to vector<16xi32>
        %add3A_1230 = arith.addi %and3A_7, %add3A_1229 : vector<16xi32>
        tpu.vector_store_idx %arg19[%add3A_752, %and3A_7, %and3A_4, %add3A_1230], %add3A_1184 : memref<8x1x8x129xf32, #tpu.memory_space<vmem>>[vector<16xi32>, vector<16xi32>, vector<16xi32>, vector<16xi32>], vector<16xf32>,
        tpu.vector_store_idx %arg19[%add3A_755, %and3A_7, %and3A_4, %add3A_1230], %add3A_1190 : memref<8x1x8x129xf32, #tpu.memory_space<vmem>>[vector<16xi32>, vector<16xi32>, vector<16xi32>, vector<16xi32>], vector<16xf32>,
        tpu.vector_store_idx %arg19[%add3A_758, %and3A_7, %and3A_4, %add3A_1230], %add3A_1196 : memref<8x1x8x129xf32, #tpu.memory_space<vmem>>[vector<16xi32>, vector<16xi32>, vector<16xi32>, vector<16xi32>], vector<16xf32>,
        tpu.vector_store_idx %arg19[%add3A_761, %and3A_7, %and3A_4, %add3A_1230], %add3A_1202 : memref<8x1x8x129xf32, #tpu.memory_space<vmem>>[vector<16xi32>, vector<16xi32>, vector<16xi32>, vector<16xi32>], vector<16xf32>,
        %add3A_1231 = arith.constant 1 : i32
        %add3A_1232 = arith.addi %add3A_1178, %add3A_1231 : i32
        %add3A_1233 = vector.broadcast %add3A_1232 : i32 to vector<16xi32>
        %add3A_1234 = arith.addi %and3A_7, %add3A_1233 : vector<16xi32>
        tpu.vector_store_idx %arg19[%add3A_752, %and3A_7, %and3A_4, %add3A_1234], %add3A_1208 : memref<8x1x8x129xf32, #tpu.memory_space<vmem>>[vector<16xi32>, vector<16xi32>, vector<16xi32>, vector<16xi32>], vector<16xf32>,
        tpu.vector_store_idx %arg19[%add3A_755, %and3A_7, %and3A_4, %add3A_1234], %add3A_1214 : memref<8x1x8x129xf32, #tpu.memory_space<vmem>>[vector<16xi32>, vector<16xi32>, vector<16xi32>, vector<16xi32>], vector<16xf32>,
        tpu.vector_store_idx %arg19[%add3A_758, %and3A_7, %and3A_4, %add3A_1234], %add3A_1220 : memref<8x1x8x129xf32, #tpu.memory_space<vmem>>[vector<16xi32>, vector<16xi32>, vector<16xi32>, vector<16xi32>], vector<16xf32>,
        tpu.vector_store_idx %arg19[%add3A_761, %and3A_7, %and3A_4, %add3A_1234], %add3A_1226 : memref<8x1x8x129xf32, #tpu.memory_space<vmem>>[vector<16xi32>, vector<16xi32>, vector<16xi32>, vector<16xi32>], vector<16xf32>,
      }
      %scan3A_766 = arith.constant 64 : i32
      %mul3A_767 = arith.constant 8 : i32
      %mul3A_768 = arith.muli %add3A_675, %mul3A_767 : i32
      %dma_start3A_769 = arith.constant 0 : i32
      %dma_start3A_770 = arith.constant 0 : i32
      %dma_start3A_771 = arith.constant 0 : i32
      %dma_start3A_772 = arith.constant 0 : i32
      %dma_start3A_773 = tpu.memref_slice %arg19[%dma_start3A_769, %dma_start3A_770, %dma_start3A_771, %dma_start3A_772] : memref<8x1x8x129xf32, #tpu.memory_space<vmem>> -> memref<8x1x8x128xf32, #tpu.memory_space<vmem>>
      %dma_start3A_774 = arith.constant 0 : i32
      %dma_start3A_775 = arith.constant 0 : i32
      %dma_start3A_776 = tpu.memref_slice %arg5[%mul3A_768, %add3A, %dma_start3A_774, %dma_start3A_775] : memref<1600x32x8x128xf32, #tpu.memory_space<hbm>> -> memref<8x1x8x128xf32, #tpu.memory_space<hbm>>
      %dma_start3A_777 = arith.constant 0 : i32
      %dma_start3A_778 = arith.constant 0 : i32
      %dma_start3A_779 = tpu.memref_slice %arg5[%mul3A_768, %add3A, %dma_start3A_777, %dma_start3A_778] : memref<1600x32x8x128xf32, #tpu.memory_space<hbm>> -> memref<8x1x8x128xf32, #tpu.memory_space<hbm>>
      %dma_start3A_780 = arith.constant 0 : i32
      %dma_start3A_781 = arith.constant 0 : i32
      %dma_start3A_782 = arith.constant 0 : i32
      %dma_start3A_783 = arith.constant 0 : i32
      %dma_start3A_784 = tpu.memref_slice %arg19[%dma_start3A_780, %dma_start3A_781, %dma_start3A_782, %dma_start3A_783] : memref<8x1x8x129xf32, #tpu.memory_space<vmem>> -> memref<8x1x8x128xf32, #tpu.memory_space<vmem>>
      tpu.enqueue_dma source(%dma_start3A_784 : memref<8x1x8x128xf32, #tpu.memory_space<vmem>>) target(%dma_start3A_779 : memref<8x1x8x128xf32, #tpu.memory_space<hbm>>) target_semaphore(%arg35 : memref<!tpu.dma_semaphore, #tpu.memory_space<semaphore_mem>>)
      %add3A_785 = arith.constant 4 : i32
      %add3A_786 = arith.addi %add3A_675, %add3A_785 : i32
      %lt3A_787 = arith.constant 200 : i32
      %lt3A_788 = arith.cmpi slt, %add3A_786, %lt3A_787 : i32
      %convert_element_type3A_789 = arith.extui %lt3A_788 : i1 to i32
      %cond3A_790 = arith.constant 0 : i32
      %cond3A_791 = arith.cmpi ne, %convert_element_type3A_789, %cond3A_790 : i32
      scf.if %cond3A_791 {
        %add3A_1174 = arith.constant 4 : i32
        %add3A_1175 = arith.addi %add3A_675, %add3A_1174 : i32
        %mul3A_1176 = arith.constant 32 : i32
        %mul3A_1177 = arith.muli %add3A_1175, %mul3A_1176 : i32
        %add3A_1178 = arith.addi %mul3A_1177, %add3A : i32
        %dma_wait3A_1179 = arith.constant 0 : i32
        %dma_wait3A_1180 = tpu.memref_slice %arg2[%add3A_1178, %dma_wait3A_1179] : memref<6400x128xi32, #tpu.memory_space<hbm>> -> memref<1x128xi32, #tpu.memory_space<hbm>>
        %dma_wait3A_1181 = arith.constant 0 : i32
        %dma_wait3A_1182 = tpu.memref_slice %arg2[%add3A_1178, %dma_wait3A_1181] : memref<6400x128xi32, #tpu.memory_space<hbm>> -> memref<1x128xi32, #tpu.memory_space<hbm>>
        tpu.wait_dma2 semaphore(%arg23 : memref<!tpu.dma_semaphore, #tpu.memory_space<semaphore_mem>>) src(%dma_wait3A_1182 : memref<1x128xi32, #tpu.memory_space<hbm>>) dst(%arg7 : memref<1x128xi32, #tpu.memory_space<vmem>>)
        %dma_start3A_1183 = arith.constant 0 : i32
        %dma_start3A_1184 = arith.constant 0 : i32
        %dma_start3A_1185 = tpu.memref_slice %arg7[%dma_start3A_1183, %dma_start3A_1184] : memref<1x128xi32, #tpu.memory_space<vmem>> -> memref<1x128xi32, #tpu.memory_space<vmem>>
        %dma_start3A_1186 = tpu.memref_squeeze %dma_start3A_1185 : memref<1x128xi32, #tpu.memory_space<vmem>> -> memref<128xi32, #tpu.memory_space<vmem>>
        %dma_start3A_1187 = arith.constant 0 : i32
        %dma_start3A_1188 = arith.constant 0 : i32
        %dma_start3A_1189 = tpu.memref_slice %arg3[%dma_start3A_1187, %dma_start3A_1188] : memref<100000x64xf32, #tpu.memory_space<hbm>> -> memref<100000x64xf32, #tpu.memory_space<hbm>>
        tpu.enqueue_indirect_dma source(%dma_start3A_1189 : memref<100000x64xf32, #tpu.memory_space<hbm>>) target(%arg15 : memref<128x64xf32, #tpu.memory_space<vmem>>) offsets(%dma_start3A_1186 : memref<128xi32, #tpu.memory_space<vmem>>) semaphore(%arg31 : memref<!tpu.dma_semaphore, #tpu.memory_space<semaphore_mem>>)
      } else {
      }
      %add3A_792 = arith.constant 8 : i32
      %add3A_793 = arith.addi %add3A_675, %add3A_792 : i32
      %lt3A_794 = arith.constant 200 : i32
      %lt3A_795 = arith.cmpi slt, %add3A_793, %lt3A_794 : i32
      %convert_element_type3A_796 = arith.extui %lt3A_795 : i1 to i32
      %cond3A_797 = arith.constant 0 : i32
      %cond3A_798 = arith.cmpi ne, %convert_element_type3A_796, %cond3A_797 : i32
      scf.if %cond3A_798 {
        %add3A_1174 = arith.constant 8 : i32
        %add3A_1175 = arith.addi %add3A_675, %add3A_1174 : i32
        %mul3A_1176 = arith.constant 32 : i32
        %mul3A_1177 = arith.muli %add3A_1175, %mul3A_1176 : i32
        %add3A_1178 = arith.addi %mul3A_1177, %add3A : i32
        %dma_start3A_1179 = arith.constant 0 : i32
        %dma_start3A_1180 = tpu.memref_slice %arg2[%add3A_1178, %dma_start3A_1179] : memref<6400x128xi32, #tpu.memory_space<hbm>> -> memref<1x128xi32, #tpu.memory_space<hbm>>
        %dma_start3A_1181 = arith.constant 0 : i32
        %dma_start3A_1182 = tpu.memref_slice %arg2[%add3A_1178, %dma_start3A_1181] : memref<6400x128xi32, #tpu.memory_space<hbm>> -> memref<1x128xi32, #tpu.memory_space<hbm>>
        tpu.enqueue_dma source(%dma_start3A_1182 : memref<1x128xi32, #tpu.memory_space<hbm>>) target(%arg11 : memref<1x128xi32, #tpu.memory_space<vmem>>) target_semaphore(%arg27 : memref<!tpu.dma_semaphore, #tpu.memory_space<semaphore_mem>>)
      } else {
      }
      %add3A_799 = arith.constant 5 : i32
      %add3A_800 = arith.addi %add3A_186, %add3A_799 : i32
      %dma_wait3A_801 = arith.constant 0 : i32
      %dma_wait3A_802 = arith.constant 0 : i32
      %dma_wait3A_803 = tpu.memref_slice %arg12[%dma_wait3A_801, %dma_wait3A_802] : memref<1x128xi32, #tpu.memory_space<vmem>> -> memref<1x128xi32, #tpu.memory_space<vmem>>
      %dma_wait3A_804 = tpu.memref_squeeze %dma_wait3A_803 : memref<1x128xi32, #tpu.memory_space<vmem>> -> memref<128xi32, #tpu.memory_space<vmem>>
      %dma_wait3A_805 = arith.constant 0 : i32
      %dma_wait3A_806 = arith.constant 0 : i32
      %dma_wait3A_807 = tpu.memref_slice %arg3[%dma_wait3A_805, %dma_wait3A_806] : memref<100000x64xf32, #tpu.memory_space<hbm>> -> memref<100000x64xf32, #tpu.memory_space<hbm>>
      tpu.wait_indirect_dma semaphore(%arg32 : memref<!tpu.dma_semaphore, #tpu.memory_space<semaphore_mem>>) src(%dma_wait3A_807 : memref<100000x64xf32, #tpu.memory_space<hbm>>) dst(%arg16 : memref<128x64xf32, #tpu.memory_space<vmem>>)
      %ge3A_808 = arith.constant 4 : i32
      %ge3A_809 = arith.cmpi sge, %add3A_800, %ge3A_808 : i32
      %convert_element_type3A_810 = arith.extui %ge3A_809 : i1 to i32
      %cond3A_811 = arith.constant 0 : i32
      %cond3A_812 = arith.cmpi ne, %convert_element_type3A_810, %cond3A_811 : i32
      scf.if %cond3A_812 {
        %sub3A_1174 = arith.constant 4 : i32
        %sub3A_1175 = arith.subi %add3A_800, %sub3A_1174 : i32
        %mul3A_1176 = arith.constant 8 : i32
        %mul3A_1177 = arith.muli %sub3A_1175, %mul3A_1176 : i32
        %dma_wait3A_1178 = arith.constant 0 : i32
        %dma_wait3A_1179 = arith.constant 0 : i32
        %dma_wait3A_1180 = arith.constant 0 : i32
        %dma_wait3A_1181 = arith.constant 0 : i32
        %dma_wait3A_1182 = tpu.memref_slice %arg20[%dma_wait3A_1178, %dma_wait3A_1179, %dma_wait3A_1180, %dma_wait3A_1181] : memref<8x1x8x129xf32, #tpu.memory_space<vmem>> -> memref<8x1x8x128xf32, #tpu.memory_space<vmem>>
        %dma_wait3A_1183 = arith.constant 0 : i32
        %dma_wait3A_1184 = arith.constant 0 : i32
        %dma_wait3A_1185 = tpu.memref_slice %arg5[%mul3A_1177, %add3A, %dma_wait3A_1183, %dma_wait3A_1184] : memref<1600x32x8x128xf32, #tpu.memory_space<hbm>> -> memref<8x1x8x128xf32, #tpu.memory_space<hbm>>
        %dma_wait3A_1186 = arith.constant 0 : i32
        %dma_wait3A_1187 = arith.constant 0 : i32
        %dma_wait3A_1188 = tpu.memref_slice %arg5[%mul3A_1177, %add3A, %dma_wait3A_1186, %dma_wait3A_1187] : memref<1600x32x8x128xf32, #tpu.memory_space<hbm>> -> memref<8x1x8x128xf32, #tpu.memory_space<hbm>>
        %dma_wait3A_1189 = arith.constant 0 : i32
        %dma_wait3A_1190 = arith.constant 0 : i32
        %dma_wait3A_1191 = arith.constant 0 : i32
        %dma_wait3A_1192 = arith.constant 0 : i32
        %dma_wait3A_1193 = tpu.memref_slice %arg20[%dma_wait3A_1189, %dma_wait3A_1190, %dma_wait3A_1191, %dma_wait3A_1192] : memref<8x1x8x129xf32, #tpu.memory_space<vmem>> -> memref<8x1x8x128xf32, #tpu.memory_space<vmem>>
        tpu.wait_dma2 semaphore(%arg36 : memref<!tpu.dma_semaphore, #tpu.memory_space<semaphore_mem>>) src(%dma_wait3A_1193 : memref<8x1x8x128xf32, #tpu.memory_space<vmem>>) dst(%dma_wait3A_1188 : memref<8x1x8x128xf32, #tpu.memory_space<hbm>>)
      } else {
      }
      %jit3A_813 = arith.constant 2 : i32
      %div3A_814 = arith.divsi %add3A_800, %jit3A_813 : i32
      %sign3A_815 = arith.constant 0 : i32
      %sign3A_816 = arith.cmpi sgt, %add3A_800, %sign3A_815 : i32
      %sign3A_817 = arith.extui %sign3A_816 : i1 to i32
      %sign3A_818 = arith.constant 0 : i32
      %sign3A_819 = arith.cmpi slt, %add3A_800, %sign3A_818 : i32
      %sign3A_820 = arith.extui %sign3A_819 : i1 to i32
      %sign3A_821 = arith.subi %sign3A_817, %sign3A_820 : i32
      %sign3A_822 = arith.constant 0 : i32
      %sign3A_823 = arith.cmpi sgt, %jit3A_813, %sign3A_822 : i32
      %sign3A_824 = arith.extui %sign3A_823 : i1 to i32
      %sign3A_825 = arith.constant 0 : i32
      %sign3A_826 = arith.cmpi slt, %jit3A_813, %sign3A_825 : i32
      %sign3A_827 = arith.extui %sign3A_826 : i1 to i32
      %sign3A_828 = arith.subi %sign3A_824, %sign3A_827 : i32
      %ne3A_829 = arith.cmpi ne, %sign3A_821, %sign3A_828 : i32
      %rem3A_830 = arith.remsi %add3A_800, %jit3A_813 : i32
      %ne3A_831 = arith.constant 0 : i32
      %ne3A_832 = arith.cmpi ne, %rem3A_830, %ne3A_831 : i32
      %and3A_833 = arith.andi %ne3A_829, %ne3A_832 : i1
      %sub3A_834 = arith.constant 1 : i32
      %sub3A_835 = arith.subi %div3A_814, %sub3A_834 : i32
      %select_n3A_836 = arith.select %and3A_833, %sub3A_835, %div3A_814 : i32
      %jit3A_837 = arith.constant 2 : i32
      %eq3A_838 = arith.constant 0 : i32
      %eq3A_839 = arith.cmpi eq, %jit3A_837, %eq3A_838 : i32
      %jit3A_840 = arith.constant 1 : i32
      %select_n3A_841 = arith.select %eq3A_839, %jit3A_840, %jit3A_837 : i32
      %rem3A_842 = arith.remsi %add3A_800, %select_n3A_841 : i32
      %ne3A_843 = arith.constant 0 : i32
      %ne3A_844 = arith.cmpi ne, %rem3A_842, %ne3A_843 : i32
      %lt3A_845 = arith.constant 0 : i32
      %lt3A_846 = arith.cmpi slt, %rem3A_842, %lt3A_845 : i32
      %lt3A_847 = arith.constant 0 : i32
      %lt3A_848 = arith.cmpi slt, %select_n3A_841, %lt3A_847 : i32
      %ne3A_849 = arith.xori %lt3A_846, %lt3A_848 : i1
      %and3A_850 = arith.andi %ne3A_849, %ne3A_844 : i1
      %add3A_851 = arith.addi %rem3A_842, %select_n3A_841 : i32
      %select_n3A_852 = arith.select %and3A_850, %add3A_851, %rem3A_842 : i32
      %mul3A_853 = arith.constant 64 : i32
      %mul3A_854 = arith.muli %select_n3A_852, %mul3A_853 : i32
      %add3A_855 = arith.constant 0 : i32
      %add3A_856 = arith.addi %mul3A_854, %add3A_855 : i32
      %get3A_857 = arith.index_cast %select_n3A_836 : i32 to index
      %get3A_858 = arith.index_cast %add3A_856 : i32 to index
      %get3A_859 = tpu.vector_load %arg6[%get3A_857, %get3A_858] {strides = array<i32>} : memref<100x128xf32, #tpu.memory_space<vmem>>, vector<16xf32>,
      %add3A_860 = arith.constant 16 : i32
      %add3A_861 = arith.addi %mul3A_854, %add3A_860 : i32
      %get3A_862 = arith.index_cast %select_n3A_836 : i32 to index
      %get3A_863 = arith.index_cast %add3A_861 : i32 to index
      %get3A_864 = tpu.vector_load %arg6[%get3A_862, %get3A_863] {strides = array<i32>} : memref<100x128xf32, #tpu.memory_space<vmem>>, vector<16xf32>,
      %add3A_865 = arith.constant 32 : i32
      %add3A_866 = arith.addi %mul3A_854, %add3A_865 : i32
      %get3A_867 = arith.index_cast %select_n3A_836 : i32 to index
      %get3A_868 = arith.index_cast %add3A_866 : i32 to index
      %get3A_869 = tpu.vector_load %arg6[%get3A_867, %get3A_868] {strides = array<i32>} : memref<100x128xf32, #tpu.memory_space<vmem>>, vector<16xf32>,
      %add3A_870 = arith.constant 48 : i32
      %add3A_871 = arith.addi %mul3A_854, %add3A_870 : i32
      %get3A_872 = arith.index_cast %select_n3A_836 : i32 to index
      %get3A_873 = arith.index_cast %add3A_871 : i32 to index
      %get3A_874 = tpu.vector_load %arg6[%get3A_872, %get3A_873] {strides = array<i32>} : memref<100x128xf32, #tpu.memory_space<vmem>>, vector<16xf32>,
      %add3A_875 = arith.constant 0 : i32
      %add3A_876 = vector.broadcast %add3A_875 : i32 to vector<16xi32>
      %add3A_877 = arith.addi %shift_right_logical3A_2, %add3A_876 : vector<16xi32>
      %add3A_878 = arith.constant 2 : i32
      %add3A_879 = vector.broadcast %add3A_878 : i32 to vector<16xi32>
      %add3A_880 = arith.addi %shift_right_logical3A_2, %add3A_879 : vector<16xi32>
      %add3A_881 = arith.constant 4 : i32
      %add3A_882 = vector.broadcast %add3A_881 : i32 to vector<16xi32>
      %add3A_883 = arith.addi %shift_right_logical3A_2, %add3A_882 : vector<16xi32>
      %add3A_884 = arith.constant 6 : i32
      %add3A_885 = vector.broadcast %add3A_884 : i32 to vector<16xi32>
      %add3A_886 = arith.addi %shift_right_logical3A_2, %add3A_885 : vector<16xi32>
      %scan3A_887 = arith.constant 0 : i32
      %scan3A_888 = arith.constant 64 : i32
      %scan3A_889 = arith.addi %scan3A_887, %scan3A_888 : i32
      %scan3A_890 = arith.constant 1 : i32
      scf.for %scan3A_1174 = %scan3A_887 to %scan3A_889 step %scan3A_890  : i32 {
        %mul3A_1175 = arith.constant 2 : i32
        %mul3A_1176 = arith.muli %scan3A_1174, %mul3A_1175 : i32
        %add3A_1177 = arith.constant 0 : i32
        %add3A_1178 = arith.addi %add3A_1177, %mul3A_1176 : i32
        %add3A_1179 = arith.constant 0 : i32
        %add3A_1180 = arith.addi %add3A_1178, %add3A_1179 : i32
        %get3A_1181 = arith.index_cast %add3A_1180 : i32 to index
        %get3A_1182 = arith.constant 0 : index
        %get3A_1183 = tpu.vector_load %arg16[%get3A_1181, %get3A_1182] {strides = array<i32>} : memref<128x64xf32, #tpu.memory_space<vmem>>, vector<16xf32>,
        %add3A_1184 = arith.addf %get3A_1183, %get3A_859 : vector<16xf32>
        %add3A_1185 = arith.constant 0 : i32
        %add3A_1186 = arith.addi %add3A_1178, %add3A_1185 : i32
        %get3A_1187 = arith.index_cast %add3A_1186 : i32 to index
        %get3A_1188 = arith.constant 16 : index
        %get3A_1189 = tpu.vector_load %arg16[%get3A_1187, %get3A_1188] {strides = array<i32>} : memref<128x64xf32, #tpu.memory_space<vmem>>, vector<16xf32>,
        %add3A_1190 = arith.addf %get3A_1189, %get3A_864 : vector<16xf32>
        %add3A_1191 = arith.constant 0 : i32
        %add3A_1192 = arith.addi %add3A_1178, %add3A_1191 : i32
        %get3A_1193 = arith.index_cast %add3A_1192 : i32 to index
        %get3A_1194 = arith.constant 32 : index
        %get3A_1195 = tpu.vector_load %arg16[%get3A_1193, %get3A_1194] {strides = array<i32>} : memref<128x64xf32, #tpu.memory_space<vmem>>, vector<16xf32>,
        %add3A_1196 = arith.addf %get3A_1195, %get3A_869 : vector<16xf32>
        %add3A_1197 = arith.constant 0 : i32
        %add3A_1198 = arith.addi %add3A_1178, %add3A_1197 : i32
        %get3A_1199 = arith.index_cast %add3A_1198 : i32 to index
        %get3A_1200 = arith.constant 48 : index
        %get3A_1201 = tpu.vector_load %arg16[%get3A_1199, %get3A_1200] {strides = array<i32>} : memref<128x64xf32, #tpu.memory_space<vmem>>, vector<16xf32>,
        %add3A_1202 = arith.addf %get3A_1201, %get3A_874 : vector<16xf32>
        %add3A_1203 = arith.constant 1 : i32
        %add3A_1204 = arith.addi %add3A_1178, %add3A_1203 : i32
        %get3A_1205 = arith.index_cast %add3A_1204 : i32 to index
        %get3A_1206 = arith.constant 0 : index
        %get3A_1207 = tpu.vector_load %arg16[%get3A_1205, %get3A_1206] {strides = array<i32>} : memref<128x64xf32, #tpu.memory_space<vmem>>, vector<16xf32>,
        %add3A_1208 = arith.addf %get3A_1207, %get3A_859 : vector<16xf32>
        %add3A_1209 = arith.constant 1 : i32
        %add3A_1210 = arith.addi %add3A_1178, %add3A_1209 : i32
        %get3A_1211 = arith.index_cast %add3A_1210 : i32 to index
        %get3A_1212 = arith.constant 16 : index
        %get3A_1213 = tpu.vector_load %arg16[%get3A_1211, %get3A_1212] {strides = array<i32>} : memref<128x64xf32, #tpu.memory_space<vmem>>, vector<16xf32>,
        %add3A_1214 = arith.addf %get3A_1213, %get3A_864 : vector<16xf32>
        %add3A_1215 = arith.constant 1 : i32
        %add3A_1216 = arith.addi %add3A_1178, %add3A_1215 : i32
        %get3A_1217 = arith.index_cast %add3A_1216 : i32 to index
        %get3A_1218 = arith.constant 32 : index
        %get3A_1219 = tpu.vector_load %arg16[%get3A_1217, %get3A_1218] {strides = array<i32>} : memref<128x64xf32, #tpu.memory_space<vmem>>, vector<16xf32>,
        %add3A_1220 = arith.addf %get3A_1219, %get3A_869 : vector<16xf32>
        %add3A_1221 = arith.constant 1 : i32
        %add3A_1222 = arith.addi %add3A_1178, %add3A_1221 : i32
        %get3A_1223 = arith.index_cast %add3A_1222 : i32 to index
        %get3A_1224 = arith.constant 48 : index
        %get3A_1225 = tpu.vector_load %arg16[%get3A_1223, %get3A_1224] {strides = array<i32>} : memref<128x64xf32, #tpu.memory_space<vmem>>, vector<16xf32>,
        %add3A_1226 = arith.addf %get3A_1225, %get3A_874 : vector<16xf32>
        %add3A_1227 = arith.constant 0 : i32
        %add3A_1228 = arith.addi %add3A_1178, %add3A_1227 : i32
        %add3A_1229 = vector.broadcast %add3A_1228 : i32 to vector<16xi32>
        %add3A_1230 = arith.addi %and3A_7, %add3A_1229 : vector<16xi32>
        tpu.vector_store_idx %arg20[%add3A_877, %and3A_7, %and3A_4, %add3A_1230], %add3A_1184 : memref<8x1x8x129xf32, #tpu.memory_space<vmem>>[vector<16xi32>, vector<16xi32>, vector<16xi32>, vector<16xi32>], vector<16xf32>,
        tpu.vector_store_idx %arg20[%add3A_880, %and3A_7, %and3A_4, %add3A_1230], %add3A_1190 : memref<8x1x8x129xf32, #tpu.memory_space<vmem>>[vector<16xi32>, vector<16xi32>, vector<16xi32>, vector<16xi32>], vector<16xf32>,
        tpu.vector_store_idx %arg20[%add3A_883, %and3A_7, %and3A_4, %add3A_1230], %add3A_1196 : memref<8x1x8x129xf32, #tpu.memory_space<vmem>>[vector<16xi32>, vector<16xi32>, vector<16xi32>, vector<16xi32>], vector<16xf32>,
        tpu.vector_store_idx %arg20[%add3A_886, %and3A_7, %and3A_4, %add3A_1230], %add3A_1202 : memref<8x1x8x129xf32, #tpu.memory_space<vmem>>[vector<16xi32>, vector<16xi32>, vector<16xi32>, vector<16xi32>], vector<16xf32>,
        %add3A_1231 = arith.constant 1 : i32
        %add3A_1232 = arith.addi %add3A_1178, %add3A_1231 : i32
        %add3A_1233 = vector.broadcast %add3A_1232 : i32 to vector<16xi32>
        %add3A_1234 = arith.addi %and3A_7, %add3A_1233 : vector<16xi32>
        tpu.vector_store_idx %arg20[%add3A_877, %and3A_7, %and3A_4, %add3A_1234], %add3A_1208 : memref<8x1x8x129xf32, #tpu.memory_space<vmem>>[vector<16xi32>, vector<16xi32>, vector<16xi32>, vector<16xi32>], vector<16xf32>,
        tpu.vector_store_idx %arg20[%add3A_880, %and3A_7, %and3A_4, %add3A_1234], %add3A_1214 : memref<8x1x8x129xf32, #tpu.memory_space<vmem>>[vector<16xi32>, vector<16xi32>, vector<16xi32>, vector<16xi32>], vector<16xf32>,
        tpu.vector_store_idx %arg20[%add3A_883, %and3A_7, %and3A_4, %add3A_1234], %add3A_1220 : memref<8x1x8x129xf32, #tpu.memory_space<vmem>>[vector<16xi32>, vector<16xi32>, vector<16xi32>, vector<16xi32>], vector<16xf32>,
        tpu.vector_store_idx %arg20[%add3A_886, %and3A_7, %and3A_4, %add3A_1234], %add3A_1226 : memref<8x1x8x129xf32, #tpu.memory_space<vmem>>[vector<16xi32>, vector<16xi32>, vector<16xi32>, vector<16xi32>], vector<16xf32>,
      }
      %scan3A_891 = arith.constant 64 : i32
      %mul3A_892 = arith.constant 8 : i32
      %mul3A_893 = arith.muli %add3A_800, %mul3A_892 : i32
      %dma_start3A_894 = arith.constant 0 : i32
      %dma_start3A_895 = arith.constant 0 : i32
      %dma_start3A_896 = arith.constant 0 : i32
      %dma_start3A_897 = arith.constant 0 : i32
      %dma_start3A_898 = tpu.memref_slice %arg20[%dma_start3A_894, %dma_start3A_895, %dma_start3A_896, %dma_start3A_897] : memref<8x1x8x129xf32, #tpu.memory_space<vmem>> -> memref<8x1x8x128xf32, #tpu.memory_space<vmem>>
      %dma_start3A_899 = arith.constant 0 : i32
      %dma_start3A_900 = arith.constant 0 : i32
      %dma_start3A_901 = tpu.memref_slice %arg5[%mul3A_893, %add3A, %dma_start3A_899, %dma_start3A_900] : memref<1600x32x8x128xf32, #tpu.memory_space<hbm>> -> memref<8x1x8x128xf32, #tpu.memory_space<hbm>>
      %dma_start3A_902 = arith.constant 0 : i32
      %dma_start3A_903 = arith.constant 0 : i32
      %dma_start3A_904 = tpu.memref_slice %arg5[%mul3A_893, %add3A, %dma_start3A_902, %dma_start3A_903] : memref<1600x32x8x128xf32, #tpu.memory_space<hbm>> -> memref<8x1x8x128xf32, #tpu.memory_space<hbm>>
      %dma_start3A_905 = arith.constant 0 : i32
      %dma_start3A_906 = arith.constant 0 : i32
      %dma_start3A_907 = arith.constant 0 : i32
      %dma_start3A_908 = arith.constant 0 : i32
      %dma_start3A_909 = tpu.memref_slice %arg20[%dma_start3A_905, %dma_start3A_906, %dma_start3A_907, %dma_start3A_908] : memref<8x1x8x129xf32, #tpu.memory_space<vmem>> -> memref<8x1x8x128xf32, #tpu.memory_space<vmem>>
      tpu.enqueue_dma source(%dma_start3A_909 : memref<8x1x8x128xf32, #tpu.memory_space<vmem>>) target(%dma_start3A_904 : memref<8x1x8x128xf32, #tpu.memory_space<hbm>>) target_semaphore(%arg36 : memref<!tpu.dma_semaphore, #tpu.memory_space<semaphore_mem>>)
      %add3A_910 = arith.constant 4 : i32
      %add3A_911 = arith.addi %add3A_800, %add3A_910 : i32
      %lt3A_912 = arith.constant 200 : i32
      %lt3A_913 = arith.cmpi slt, %add3A_911, %lt3A_912 : i32
      %convert_element_type3A_914 = arith.extui %lt3A_913 : i1 to i32
      %cond3A_915 = arith.constant 0 : i32
      %cond3A_916 = arith.cmpi ne, %convert_element_type3A_914, %cond3A_915 : i32
      scf.if %cond3A_916 {
        %add3A_1174 = arith.constant 4 : i32
        %add3A_1175 = arith.addi %add3A_800, %add3A_1174 : i32
        %mul3A_1176 = arith.constant 32 : i32
        %mul3A_1177 = arith.muli %add3A_1175, %mul3A_1176 : i32
        %add3A_1178 = arith.addi %mul3A_1177, %add3A : i32
        %dma_wait3A_1179 = arith.constant 0 : i32
        %dma_wait3A_1180 = tpu.memref_slice %arg2[%add3A_1178, %dma_wait3A_1179] : memref<6400x128xi32, #tpu.memory_space<hbm>> -> memref<1x128xi32, #tpu.memory_space<hbm>>
        %dma_wait3A_1181 = arith.constant 0 : i32
        %dma_wait3A_1182 = tpu.memref_slice %arg2[%add3A_1178, %dma_wait3A_1181] : memref<6400x128xi32, #tpu.memory_space<hbm>> -> memref<1x128xi32, #tpu.memory_space<hbm>>
        tpu.wait_dma2 semaphore(%arg24 : memref<!tpu.dma_semaphore, #tpu.memory_space<semaphore_mem>>) src(%dma_wait3A_1182 : memref<1x128xi32, #tpu.memory_space<hbm>>) dst(%arg8 : memref<1x128xi32, #tpu.memory_space<vmem>>)
        %dma_start3A_1183 = arith.constant 0 : i32
        %dma_start3A_1184 = arith.constant 0 : i32
        %dma_start3A_1185 = tpu.memref_slice %arg8[%dma_start3A_1183, %dma_start3A_1184] : memref<1x128xi32, #tpu.memory_space<vmem>> -> memref<1x128xi32, #tpu.memory_space<vmem>>
        %dma_start3A_1186 = tpu.memref_squeeze %dma_start3A_1185 : memref<1x128xi32, #tpu.memory_space<vmem>> -> memref<128xi32, #tpu.memory_space<vmem>>
        %dma_start3A_1187 = arith.constant 0 : i32
        %dma_start3A_1188 = arith.constant 0 : i32
        %dma_start3A_1189 = tpu.memref_slice %arg3[%dma_start3A_1187, %dma_start3A_1188] : memref<100000x64xf32, #tpu.memory_space<hbm>> -> memref<100000x64xf32, #tpu.memory_space<hbm>>
        tpu.enqueue_indirect_dma source(%dma_start3A_1189 : memref<100000x64xf32, #tpu.memory_space<hbm>>) target(%arg16 : memref<128x64xf32, #tpu.memory_space<vmem>>) offsets(%dma_start3A_1186 : memref<128xi32, #tpu.memory_space<vmem>>) semaphore(%arg32 : memref<!tpu.dma_semaphore, #tpu.memory_space<semaphore_mem>>)
      } else {
      }
      %add3A_917 = arith.constant 8 : i32
      %add3A_918 = arith.addi %add3A_800, %add3A_917 : i32
      %lt3A_919 = arith.constant 200 : i32
      %lt3A_920 = arith.cmpi slt, %add3A_918, %lt3A_919 : i32
      %convert_element_type3A_921 = arith.extui %lt3A_920 : i1 to i32
      %cond3A_922 = arith.constant 0 : i32
      %cond3A_923 = arith.cmpi ne, %convert_element_type3A_921, %cond3A_922 : i32
      scf.if %cond3A_923 {
        %add3A_1174 = arith.constant 8 : i32
        %add3A_1175 = arith.addi %add3A_800, %add3A_1174 : i32
        %mul3A_1176 = arith.constant 32 : i32
        %mul3A_1177 = arith.muli %add3A_1175, %mul3A_1176 : i32
        %add3A_1178 = arith.addi %mul3A_1177, %add3A : i32
        %dma_start3A_1179 = arith.constant 0 : i32
        %dma_start3A_1180 = tpu.memref_slice %arg2[%add3A_1178, %dma_start3A_1179] : memref<6400x128xi32, #tpu.memory_space<hbm>> -> memref<1x128xi32, #tpu.memory_space<hbm>>
        %dma_start3A_1181 = arith.constant 0 : i32
        %dma_start3A_1182 = tpu.memref_slice %arg2[%add3A_1178, %dma_start3A_1181] : memref<6400x128xi32, #tpu.memory_space<hbm>> -> memref<1x128xi32, #tpu.memory_space<hbm>>
        tpu.enqueue_dma source(%dma_start3A_1182 : memref<1x128xi32, #tpu.memory_space<hbm>>) target(%arg12 : memref<1x128xi32, #tpu.memory_space<vmem>>) target_semaphore(%arg28 : memref<!tpu.dma_semaphore, #tpu.memory_space<semaphore_mem>>)
      } else {
      }
      %add3A_924 = arith.constant 6 : i32
      %add3A_925 = arith.addi %add3A_186, %add3A_924 : i32
      %dma_wait3A_926 = arith.constant 0 : i32
      %dma_wait3A_927 = arith.constant 0 : i32
      %dma_wait3A_928 = tpu.memref_slice %arg13[%dma_wait3A_926, %dma_wait3A_927] : memref<1x128xi32, #tpu.memory_space<vmem>> -> memref<1x128xi32, #tpu.memory_space<vmem>>
      %dma_wait3A_929 = tpu.memref_squeeze %dma_wait3A_928 : memref<1x128xi32, #tpu.memory_space<vmem>> -> memref<128xi32, #tpu.memory_space<vmem>>
      %dma_wait3A_930 = arith.constant 0 : i32
      %dma_wait3A_931 = arith.constant 0 : i32
      %dma_wait3A_932 = tpu.memref_slice %arg3[%dma_wait3A_930, %dma_wait3A_931] : memref<100000x64xf32, #tpu.memory_space<hbm>> -> memref<100000x64xf32, #tpu.memory_space<hbm>>
      tpu.wait_indirect_dma semaphore(%arg33 : memref<!tpu.dma_semaphore, #tpu.memory_space<semaphore_mem>>) src(%dma_wait3A_932 : memref<100000x64xf32, #tpu.memory_space<hbm>>) dst(%arg17 : memref<128x64xf32, #tpu.memory_space<vmem>>)
      %ge3A_933 = arith.constant 4 : i32
      %ge3A_934 = arith.cmpi sge, %add3A_925, %ge3A_933 : i32
      %convert_element_type3A_935 = arith.extui %ge3A_934 : i1 to i32
      %cond3A_936 = arith.constant 0 : i32
      %cond3A_937 = arith.cmpi ne, %convert_element_type3A_935, %cond3A_936 : i32
      scf.if %cond3A_937 {
        %sub3A_1174 = arith.constant 4 : i32
        %sub3A_1175 = arith.subi %add3A_925, %sub3A_1174 : i32
        %mul3A_1176 = arith.constant 8 : i32
        %mul3A_1177 = arith.muli %sub3A_1175, %mul3A_1176 : i32
        %dma_wait3A_1178 = arith.constant 0 : i32
        %dma_wait3A_1179 = arith.constant 0 : i32
        %dma_wait3A_1180 = arith.constant 0 : i32
        %dma_wait3A_1181 = arith.constant 0 : i32
        %dma_wait3A_1182 = tpu.memref_slice %arg21[%dma_wait3A_1178, %dma_wait3A_1179, %dma_wait3A_1180, %dma_wait3A_1181] : memref<8x1x8x129xf32, #tpu.memory_space<vmem>> -> memref<8x1x8x128xf32, #tpu.memory_space<vmem>>
        %dma_wait3A_1183 = arith.constant 0 : i32
        %dma_wait3A_1184 = arith.constant 0 : i32
        %dma_wait3A_1185 = tpu.memref_slice %arg5[%mul3A_1177, %add3A, %dma_wait3A_1183, %dma_wait3A_1184] : memref<1600x32x8x128xf32, #tpu.memory_space<hbm>> -> memref<8x1x8x128xf32, #tpu.memory_space<hbm>>
        %dma_wait3A_1186 = arith.constant 0 : i32
        %dma_wait3A_1187 = arith.constant 0 : i32
        %dma_wait3A_1188 = tpu.memref_slice %arg5[%mul3A_1177, %add3A, %dma_wait3A_1186, %dma_wait3A_1187] : memref<1600x32x8x128xf32, #tpu.memory_space<hbm>> -> memref<8x1x8x128xf32, #tpu.memory_space<hbm>>
        %dma_wait3A_1189 = arith.constant 0 : i32
        %dma_wait3A_1190 = arith.constant 0 : i32
        %dma_wait3A_1191 = arith.constant 0 : i32
        %dma_wait3A_1192 = arith.constant 0 : i32
        %dma_wait3A_1193 = tpu.memref_slice %arg21[%dma_wait3A_1189, %dma_wait3A_1190, %dma_wait3A_1191, %dma_wait3A_1192] : memref<8x1x8x129xf32, #tpu.memory_space<vmem>> -> memref<8x1x8x128xf32, #tpu.memory_space<vmem>>
        tpu.wait_dma2 semaphore(%arg37 : memref<!tpu.dma_semaphore, #tpu.memory_space<semaphore_mem>>) src(%dma_wait3A_1193 : memref<8x1x8x128xf32, #tpu.memory_space<vmem>>) dst(%dma_wait3A_1188 : memref<8x1x8x128xf32, #tpu.memory_space<hbm>>)
      } else {
      }
      %jit3A_938 = arith.constant 2 : i32
      %div3A_939 = arith.divsi %add3A_925, %jit3A_938 : i32
      %sign3A_940 = arith.constant 0 : i32
      %sign3A_941 = arith.cmpi sgt, %add3A_925, %sign3A_940 : i32
      %sign3A_942 = arith.extui %sign3A_941 : i1 to i32
      %sign3A_943 = arith.constant 0 : i32
      %sign3A_944 = arith.cmpi slt, %add3A_925, %sign3A_943 : i32
      %sign3A_945 = arith.extui %sign3A_944 : i1 to i32
      %sign3A_946 = arith.subi %sign3A_942, %sign3A_945 : i32
      %sign3A_947 = arith.constant 0 : i32
      %sign3A_948 = arith.cmpi sgt, %jit3A_938, %sign3A_947 : i32
      %sign3A_949 = arith.extui %sign3A_948 : i1 to i32
      %sign3A_950 = arith.constant 0 : i32
      %sign3A_951 = arith.cmpi slt, %jit3A_938, %sign3A_950 : i32
      %sign3A_952 = arith.extui %sign3A_951 : i1 to i32
      %sign3A_953 = arith.subi %sign3A_949, %sign3A_952 : i32
      %ne3A_954 = arith.cmpi ne, %sign3A_946, %sign3A_953 : i32
      %rem3A_955 = arith.remsi %add3A_925, %jit3A_938 : i32
      %ne3A_956 = arith.constant 0 : i32
      %ne3A_957 = arith.cmpi ne, %rem3A_955, %ne3A_956 : i32
      %and3A_958 = arith.andi %ne3A_954, %ne3A_957 : i1
      %sub3A_959 = arith.constant 1 : i32
      %sub3A_960 = arith.subi %div3A_939, %sub3A_959 : i32
      %select_n3A_961 = arith.select %and3A_958, %sub3A_960, %div3A_939 : i32
      %jit3A_962 = arith.constant 2 : i32
      %eq3A_963 = arith.constant 0 : i32
      %eq3A_964 = arith.cmpi eq, %jit3A_962, %eq3A_963 : i32
      %jit3A_965 = arith.constant 1 : i32
      %select_n3A_966 = arith.select %eq3A_964, %jit3A_965, %jit3A_962 : i32
      %rem3A_967 = arith.remsi %add3A_925, %select_n3A_966 : i32
      %ne3A_968 = arith.constant 0 : i32
      %ne3A_969 = arith.cmpi ne, %rem3A_967, %ne3A_968 : i32
      %lt3A_970 = arith.constant 0 : i32
      %lt3A_971 = arith.cmpi slt, %rem3A_967, %lt3A_970 : i32
      %lt3A_972 = arith.constant 0 : i32
      %lt3A_973 = arith.cmpi slt, %select_n3A_966, %lt3A_972 : i32
      %ne3A_974 = arith.xori %lt3A_971, %lt3A_973 : i1
      %and3A_975 = arith.andi %ne3A_974, %ne3A_969 : i1
      %add3A_976 = arith.addi %rem3A_967, %select_n3A_966 : i32
      %select_n3A_977 = arith.select %and3A_975, %add3A_976, %rem3A_967 : i32
      %mul3A_978 = arith.constant 64 : i32
      %mul3A_979 = arith.muli %select_n3A_977, %mul3A_978 : i32
      %add3A_980 = arith.constant 0 : i32
      %add3A_981 = arith.addi %mul3A_979, %add3A_980 : i32
      %get3A_982 = arith.index_cast %select_n3A_961 : i32 to index
      %get3A_983 = arith.index_cast %add3A_981 : i32 to index
      %get3A_984 = tpu.vector_load %arg6[%get3A_982, %get3A_983] {strides = array<i32>} : memref<100x128xf32, #tpu.memory_space<vmem>>, vector<16xf32>,
      %add3A_985 = arith.constant 16 : i32
      %add3A_986 = arith.addi %mul3A_979, %add3A_985 : i32
      %get3A_987 = arith.index_cast %select_n3A_961 : i32 to index
      %get3A_988 = arith.index_cast %add3A_986 : i32 to index
      %get3A_989 = tpu.vector_load %arg6[%get3A_987, %get3A_988] {strides = array<i32>} : memref<100x128xf32, #tpu.memory_space<vmem>>, vector<16xf32>,
      %add3A_990 = arith.constant 32 : i32
      %add3A_991 = arith.addi %mul3A_979, %add3A_990 : i32
      %get3A_992 = arith.index_cast %select_n3A_961 : i32 to index
      %get3A_993 = arith.index_cast %add3A_991 : i32 to index
      %get3A_994 = tpu.vector_load %arg6[%get3A_992, %get3A_993] {strides = array<i32>} : memref<100x128xf32, #tpu.memory_space<vmem>>, vector<16xf32>,
      %add3A_995 = arith.constant 48 : i32
      %add3A_996 = arith.addi %mul3A_979, %add3A_995 : i32
      %get3A_997 = arith.index_cast %select_n3A_961 : i32 to index
      %get3A_998 = arith.index_cast %add3A_996 : i32 to index
      %get3A_999 = tpu.vector_load %arg6[%get3A_997, %get3A_998] {strides = array<i32>} : memref<100x128xf32, #tpu.memory_space<vmem>>, vector<16xf32>,
      %add3A_1000 = arith.constant 0 : i32
      %add3A_1001 = vector.broadcast %add3A_1000 : i32 to vector<16xi32>
      %add3A_1002 = arith.addi %shift_right_logical3A_2, %add3A_1001 : vector<16xi32>
      %add3A_1003 = arith.constant 2 : i32
      %add3A_1004 = vector.broadcast %add3A_1003 : i32 to vector<16xi32>
      %add3A_1005 = arith.addi %shift_right_logical3A_2, %add3A_1004 : vector<16xi32>
      %add3A_1006 = arith.constant 4 : i32
      %add3A_1007 = vector.broadcast %add3A_1006 : i32 to vector<16xi32>
      %add3A_1008 = arith.addi %shift_right_logical3A_2, %add3A_1007 : vector<16xi32>
      %add3A_1009 = arith.constant 6 : i32
      %add3A_1010 = vector.broadcast %add3A_1009 : i32 to vector<16xi32>
      %add3A_1011 = arith.addi %shift_right_logical3A_2, %add3A_1010 : vector<16xi32>
      %scan3A_1012 = arith.constant 0 : i32
      %scan3A_1013 = arith.constant 64 : i32
      %scan3A_1014 = arith.addi %scan3A_1012, %scan3A_1013 : i32
      %scan3A_1015 = arith.constant 1 : i32
      scf.for %scan3A_1174 = %scan3A_1012 to %scan3A_1014 step %scan3A_1015  : i32 {
        %mul3A_1175 = arith.constant 2 : i32
        %mul3A_1176 = arith.muli %scan3A_1174, %mul3A_1175 : i32
        %add3A_1177 = arith.constant 0 : i32
        %add3A_1178 = arith.addi %add3A_1177, %mul3A_1176 : i32
        %add3A_1179 = arith.constant 0 : i32
        %add3A_1180 = arith.addi %add3A_1178, %add3A_1179 : i32
        %get3A_1181 = arith.index_cast %add3A_1180 : i32 to index
        %get3A_1182 = arith.constant 0 : index
        %get3A_1183 = tpu.vector_load %arg17[%get3A_1181, %get3A_1182] {strides = array<i32>} : memref<128x64xf32, #tpu.memory_space<vmem>>, vector<16xf32>,
        %add3A_1184 = arith.addf %get3A_1183, %get3A_984 : vector<16xf32>
        %add3A_1185 = arith.constant 0 : i32
        %add3A_1186 = arith.addi %add3A_1178, %add3A_1185 : i32
        %get3A_1187 = arith.index_cast %add3A_1186 : i32 to index
        %get3A_1188 = arith.constant 16 : index
        %get3A_1189 = tpu.vector_load %arg17[%get3A_1187, %get3A_1188] {strides = array<i32>} : memref<128x64xf32, #tpu.memory_space<vmem>>, vector<16xf32>,
        %add3A_1190 = arith.addf %get3A_1189, %get3A_989 : vector<16xf32>
        %add3A_1191 = arith.constant 0 : i32
        %add3A_1192 = arith.addi %add3A_1178, %add3A_1191 : i32
        %get3A_1193 = arith.index_cast %add3A_1192 : i32 to index
        %get3A_1194 = arith.constant 32 : index
        %get3A_1195 = tpu.vector_load %arg17[%get3A_1193, %get3A_1194] {strides = array<i32>} : memref<128x64xf32, #tpu.memory_space<vmem>>, vector<16xf32>,
        %add3A_1196 = arith.addf %get3A_1195, %get3A_994 : vector<16xf32>
        %add3A_1197 = arith.constant 0 : i32
        %add3A_1198 = arith.addi %add3A_1178, %add3A_1197 : i32
        %get3A_1199 = arith.index_cast %add3A_1198 : i32 to index
        %get3A_1200 = arith.constant 48 : index
        %get3A_1201 = tpu.vector_load %arg17[%get3A_1199, %get3A_1200] {strides = array<i32>} : memref<128x64xf32, #tpu.memory_space<vmem>>, vector<16xf32>,
        %add3A_1202 = arith.addf %get3A_1201, %get3A_999 : vector<16xf32>
        %add3A_1203 = arith.constant 1 : i32
        %add3A_1204 = arith.addi %add3A_1178, %add3A_1203 : i32
        %get3A_1205 = arith.index_cast %add3A_1204 : i32 to index
        %get3A_1206 = arith.constant 0 : index
        %get3A_1207 = tpu.vector_load %arg17[%get3A_1205, %get3A_1206] {strides = array<i32>} : memref<128x64xf32, #tpu.memory_space<vmem>>, vector<16xf32>,
        %add3A_1208 = arith.addf %get3A_1207, %get3A_984 : vector<16xf32>
        %add3A_1209 = arith.constant 1 : i32
        %add3A_1210 = arith.addi %add3A_1178, %add3A_1209 : i32
        %get3A_1211 = arith.index_cast %add3A_1210 : i32 to index
        %get3A_1212 = arith.constant 16 : index
        %get3A_1213 = tpu.vector_load %arg17[%get3A_1211, %get3A_1212] {strides = array<i32>} : memref<128x64xf32, #tpu.memory_space<vmem>>, vector<16xf32>,
        %add3A_1214 = arith.addf %get3A_1213, %get3A_989 : vector<16xf32>
        %add3A_1215 = arith.constant 1 : i32
        %add3A_1216 = arith.addi %add3A_1178, %add3A_1215 : i32
        %get3A_1217 = arith.index_cast %add3A_1216 : i32 to index
        %get3A_1218 = arith.constant 32 : index
        %get3A_1219 = tpu.vector_load %arg17[%get3A_1217, %get3A_1218] {strides = array<i32>} : memref<128x64xf32, #tpu.memory_space<vmem>>, vector<16xf32>,
        %add3A_1220 = arith.addf %get3A_1219, %get3A_994 : vector<16xf32>
        %add3A_1221 = arith.constant 1 : i32
        %add3A_1222 = arith.addi %add3A_1178, %add3A_1221 : i32
        %get3A_1223 = arith.index_cast %add3A_1222 : i32 to index
        %get3A_1224 = arith.constant 48 : index
        %get3A_1225 = tpu.vector_load %arg17[%get3A_1223, %get3A_1224] {strides = array<i32>} : memref<128x64xf32, #tpu.memory_space<vmem>>, vector<16xf32>,
        %add3A_1226 = arith.addf %get3A_1225, %get3A_999 : vector<16xf32>
        %add3A_1227 = arith.constant 0 : i32
        %add3A_1228 = arith.addi %add3A_1178, %add3A_1227 : i32
        %add3A_1229 = vector.broadcast %add3A_1228 : i32 to vector<16xi32>
        %add3A_1230 = arith.addi %and3A_7, %add3A_1229 : vector<16xi32>
        tpu.vector_store_idx %arg21[%add3A_1002, %and3A_7, %and3A_4, %add3A_1230], %add3A_1184 : memref<8x1x8x129xf32, #tpu.memory_space<vmem>>[vector<16xi32>, vector<16xi32>, vector<16xi32>, vector<16xi32>], vector<16xf32>,
        tpu.vector_store_idx %arg21[%add3A_1005, %and3A_7, %and3A_4, %add3A_1230], %add3A_1190 : memref<8x1x8x129xf32, #tpu.memory_space<vmem>>[vector<16xi32>, vector<16xi32>, vector<16xi32>, vector<16xi32>], vector<16xf32>,
        tpu.vector_store_idx %arg21[%add3A_1008, %and3A_7, %and3A_4, %add3A_1230], %add3A_1196 : memref<8x1x8x129xf32, #tpu.memory_space<vmem>>[vector<16xi32>, vector<16xi32>, vector<16xi32>, vector<16xi32>], vector<16xf32>,
        tpu.vector_store_idx %arg21[%add3A_1011, %and3A_7, %and3A_4, %add3A_1230], %add3A_1202 : memref<8x1x8x129xf32, #tpu.memory_space<vmem>>[vector<16xi32>, vector<16xi32>, vector<16xi32>, vector<16xi32>], vector<16xf32>,
        %add3A_1231 = arith.constant 1 : i32
        %add3A_1232 = arith.addi %add3A_1178, %add3A_1231 : i32
        %add3A_1233 = vector.broadcast %add3A_1232 : i32 to vector<16xi32>
        %add3A_1234 = arith.addi %and3A_7, %add3A_1233 : vector<16xi32>
        tpu.vector_store_idx %arg21[%add3A_1002, %and3A_7, %and3A_4, %add3A_1234], %add3A_1208 : memref<8x1x8x129xf32, #tpu.memory_space<vmem>>[vector<16xi32>, vector<16xi32>, vector<16xi32>, vector<16xi32>], vector<16xf32>,
        tpu.vector_store_idx %arg21[%add3A_1005, %and3A_7, %and3A_4, %add3A_1234], %add3A_1214 : memref<8x1x8x129xf32, #tpu.memory_space<vmem>>[vector<16xi32>, vector<16xi32>, vector<16xi32>, vector<16xi32>], vector<16xf32>,
        tpu.vector_store_idx %arg21[%add3A_1008, %and3A_7, %and3A_4, %add3A_1234], %add3A_1220 : memref<8x1x8x129xf32, #tpu.memory_space<vmem>>[vector<16xi32>, vector<16xi32>, vector<16xi32>, vector<16xi32>], vector<16xf32>,
        tpu.vector_store_idx %arg21[%add3A_1011, %and3A_7, %and3A_4, %add3A_1234], %add3A_1226 : memref<8x1x8x129xf32, #tpu.memory_space<vmem>>[vector<16xi32>, vector<16xi32>, vector<16xi32>, vector<16xi32>], vector<16xf32>,
      }
      %scan3A_1016 = arith.constant 64 : i32
      %mul3A_1017 = arith.constant 8 : i32
      %mul3A_1018 = arith.muli %add3A_925, %mul3A_1017 : i32
      %dma_start3A_1019 = arith.constant 0 : i32
      %dma_start3A_1020 = arith.constant 0 : i32
      %dma_start3A_1021 = arith.constant 0 : i32
      %dma_start3A_1022 = arith.constant 0 : i32
      %dma_start3A_1023 = tpu.memref_slice %arg21[%dma_start3A_1019, %dma_start3A_1020, %dma_start3A_1021, %dma_start3A_1022] : memref<8x1x8x129xf32, #tpu.memory_space<vmem>> -> memref<8x1x8x128xf32, #tpu.memory_space<vmem>>
      %dma_start3A_1024 = arith.constant 0 : i32
      %dma_start3A_1025 = arith.constant 0 : i32
      %dma_start3A_1026 = tpu.memref_slice %arg5[%mul3A_1018, %add3A, %dma_start3A_1024, %dma_start3A_1025] : memref<1600x32x8x128xf32, #tpu.memory_space<hbm>> -> memref<8x1x8x128xf32, #tpu.memory_space<hbm>>
      %dma_start3A_1027 = arith.constant 0 : i32
      %dma_start3A_1028 = arith.constant 0 : i32
      %dma_start3A_1029 = tpu.memref_slice %arg5[%mul3A_1018, %add3A, %dma_start3A_1027, %dma_start3A_1028] : memref<1600x32x8x128xf32, #tpu.memory_space<hbm>> -> memref<8x1x8x128xf32, #tpu.memory_space<hbm>>
      %dma_start3A_1030 = arith.constant 0 : i32
      %dma_start3A_1031 = arith.constant 0 : i32
      %dma_start3A_1032 = arith.constant 0 : i32
      %dma_start3A_1033 = arith.constant 0 : i32
      %dma_start3A_1034 = tpu.memref_slice %arg21[%dma_start3A_1030, %dma_start3A_1031, %dma_start3A_1032, %dma_start3A_1033] : memref<8x1x8x129xf32, #tpu.memory_space<vmem>> -> memref<8x1x8x128xf32, #tpu.memory_space<vmem>>
      tpu.enqueue_dma source(%dma_start3A_1034 : memref<8x1x8x128xf32, #tpu.memory_space<vmem>>) target(%dma_start3A_1029 : memref<8x1x8x128xf32, #tpu.memory_space<hbm>>) target_semaphore(%arg37 : memref<!tpu.dma_semaphore, #tpu.memory_space<semaphore_mem>>)
      %add3A_1035 = arith.constant 4 : i32
      %add3A_1036 = arith.addi %add3A_925, %add3A_1035 : i32
      %lt3A_1037 = arith.constant 200 : i32
      %lt3A_1038 = arith.cmpi slt, %add3A_1036, %lt3A_1037 : i32
      %convert_element_type3A_1039 = arith.extui %lt3A_1038 : i1 to i32
      %cond3A_1040 = arith.constant 0 : i32
      %cond3A_1041 = arith.cmpi ne, %convert_element_type3A_1039, %cond3A_1040 : i32
      scf.if %cond3A_1041 {
        %add3A_1174 = arith.constant 4 : i32
        %add3A_1175 = arith.addi %add3A_925, %add3A_1174 : i32
        %mul3A_1176 = arith.constant 32 : i32
        %mul3A_1177 = arith.muli %add3A_1175, %mul3A_1176 : i32
        %add3A_1178 = arith.addi %mul3A_1177, %add3A : i32
        %dma_wait3A_1179 = arith.constant 0 : i32
        %dma_wait3A_1180 = tpu.memref_slice %arg2[%add3A_1178, %dma_wait3A_1179] : memref<6400x128xi32, #tpu.memory_space<hbm>> -> memref<1x128xi32, #tpu.memory_space<hbm>>
        %dma_wait3A_1181 = arith.constant 0 : i32
        %dma_wait3A_1182 = tpu.memref_slice %arg2[%add3A_1178, %dma_wait3A_1181] : memref<6400x128xi32, #tpu.memory_space<hbm>> -> memref<1x128xi32, #tpu.memory_space<hbm>>
        tpu.wait_dma2 semaphore(%arg25 : memref<!tpu.dma_semaphore, #tpu.memory_space<semaphore_mem>>) src(%dma_wait3A_1182 : memref<1x128xi32, #tpu.memory_space<hbm>>) dst(%arg9 : memref<1x128xi32, #tpu.memory_space<vmem>>)
        %dma_start3A_1183 = arith.constant 0 : i32
        %dma_start3A_1184 = arith.constant 0 : i32
        %dma_start3A_1185 = tpu.memref_slice %arg9[%dma_start3A_1183, %dma_start3A_1184] : memref<1x128xi32, #tpu.memory_space<vmem>> -> memref<1x128xi32, #tpu.memory_space<vmem>>
        %dma_start3A_1186 = tpu.memref_squeeze %dma_start3A_1185 : memref<1x128xi32, #tpu.memory_space<vmem>> -> memref<128xi32, #tpu.memory_space<vmem>>
        %dma_start3A_1187 = arith.constant 0 : i32
        %dma_start3A_1188 = arith.constant 0 : i32
        %dma_start3A_1189 = tpu.memref_slice %arg3[%dma_start3A_1187, %dma_start3A_1188] : memref<100000x64xf32, #tpu.memory_space<hbm>> -> memref<100000x64xf32, #tpu.memory_space<hbm>>
        tpu.enqueue_indirect_dma source(%dma_start3A_1189 : memref<100000x64xf32, #tpu.memory_space<hbm>>) target(%arg17 : memref<128x64xf32, #tpu.memory_space<vmem>>) offsets(%dma_start3A_1186 : memref<128xi32, #tpu.memory_space<vmem>>) semaphore(%arg33 : memref<!tpu.dma_semaphore, #tpu.memory_space<semaphore_mem>>)
      } else {
      }
      %add3A_1042 = arith.constant 8 : i32
      %add3A_1043 = arith.addi %add3A_925, %add3A_1042 : i32
      %lt3A_1044 = arith.constant 200 : i32
      %lt3A_1045 = arith.cmpi slt, %add3A_1043, %lt3A_1044 : i32
      %convert_element_type3A_1046 = arith.extui %lt3A_1045 : i1 to i32
      %cond3A_1047 = arith.constant 0 : i32
      %cond3A_1048 = arith.cmpi ne, %convert_element_type3A_1046, %cond3A_1047 : i32
      scf.if %cond3A_1048 {
        %add3A_1174 = arith.constant 8 : i32
        %add3A_1175 = arith.addi %add3A_925, %add3A_1174 : i32
        %mul3A_1176 = arith.constant 32 : i32
        %mul3A_1177 = arith.muli %add3A_1175, %mul3A_1176 : i32
        %add3A_1178 = arith.addi %mul3A_1177, %add3A : i32
        %dma_start3A_1179 = arith.constant 0 : i32
        %dma_start3A_1180 = tpu.memref_slice %arg2[%add3A_1178, %dma_start3A_1179] : memref<6400x128xi32, #tpu.memory_space<hbm>> -> memref<1x128xi32, #tpu.memory_space<hbm>>
        %dma_start3A_1181 = arith.constant 0 : i32
        %dma_start3A_1182 = tpu.memref_slice %arg2[%add3A_1178, %dma_start3A_1181] : memref<6400x128xi32, #tpu.memory_space<hbm>> -> memref<1x128xi32, #tpu.memory_space<hbm>>
        tpu.enqueue_dma source(%dma_start3A_1182 : memref<1x128xi32, #tpu.memory_space<hbm>>) target(%arg13 : memref<1x128xi32, #tpu.memory_space<vmem>>) target_semaphore(%arg29 : memref<!tpu.dma_semaphore, #tpu.memory_space<semaphore_mem>>)
      } else {
      }
      %add3A_1049 = arith.constant 7 : i32
      %add3A_1050 = arith.addi %add3A_186, %add3A_1049 : i32
      %dma_wait3A_1051 = arith.constant 0 : i32
      %dma_wait3A_1052 = arith.constant 0 : i32
      %dma_wait3A_1053 = tpu.memref_slice %arg14[%dma_wait3A_1051, %dma_wait3A_1052] : memref<1x128xi32, #tpu.memory_space<vmem>> -> memref<1x128xi32, #tpu.memory_space<vmem>>
      %dma_wait3A_1054 = tpu.memref_squeeze %dma_wait3A_1053 : memref<1x128xi32, #tpu.memory_space<vmem>> -> memref<128xi32, #tpu.memory_space<vmem>>
      %dma_wait3A_1055 = arith.constant 0 : i32
      %dma_wait3A_1056 = arith.constant 0 : i32
      %dma_wait3A_1057 = tpu.memref_slice %arg3[%dma_wait3A_1055, %dma_wait3A_1056] : memref<100000x64xf32, #tpu.memory_space<hbm>> -> memref<100000x64xf32, #tpu.memory_space<hbm>>
      tpu.wait_indirect_dma semaphore(%arg34 : memref<!tpu.dma_semaphore, #tpu.memory_space<semaphore_mem>>) src(%dma_wait3A_1057 : memref<100000x64xf32, #tpu.memory_space<hbm>>) dst(%arg18 : memref<128x64xf32, #tpu.memory_space<vmem>>)
      %ge3A_1058 = arith.constant 4 : i32
      %ge3A_1059 = arith.cmpi sge, %add3A_1050, %ge3A_1058 : i32
      %convert_element_type3A_1060 = arith.extui %ge3A_1059 : i1 to i32
      %cond3A_1061 = arith.constant 0 : i32
      %cond3A_1062 = arith.cmpi ne, %convert_element_type3A_1060, %cond3A_1061 : i32
      scf.if %cond3A_1062 {
        %sub3A_1174 = arith.constant 4 : i32
        %sub3A_1175 = arith.subi %add3A_1050, %sub3A_1174 : i32
        %mul3A_1176 = arith.constant 8 : i32
        %mul3A_1177 = arith.muli %sub3A_1175, %mul3A_1176 : i32
        %dma_wait3A_1178 = arith.constant 0 : i32
        %dma_wait3A_1179 = arith.constant 0 : i32
        %dma_wait3A_1180 = arith.constant 0 : i32
        %dma_wait3A_1181 = arith.constant 0 : i32
        %dma_wait3A_1182 = tpu.memref_slice %arg22[%dma_wait3A_1178, %dma_wait3A_1179, %dma_wait3A_1180, %dma_wait3A_1181] : memref<8x1x8x129xf32, #tpu.memory_space<vmem>> -> memref<8x1x8x128xf32, #tpu.memory_space<vmem>>
        %dma_wait3A_1183 = arith.constant 0 : i32
        %dma_wait3A_1184 = arith.constant 0 : i32
        %dma_wait3A_1185 = tpu.memref_slice %arg5[%mul3A_1177, %add3A, %dma_wait3A_1183, %dma_wait3A_1184] : memref<1600x32x8x128xf32, #tpu.memory_space<hbm>> -> memref<8x1x8x128xf32, #tpu.memory_space<hbm>>
        %dma_wait3A_1186 = arith.constant 0 : i32
        %dma_wait3A_1187 = arith.constant 0 : i32
        %dma_wait3A_1188 = tpu.memref_slice %arg5[%mul3A_1177, %add3A, %dma_wait3A_1186, %dma_wait3A_1187] : memref<1600x32x8x128xf32, #tpu.memory_space<hbm>> -> memref<8x1x8x128xf32, #tpu.memory_space<hbm>>
        %dma_wait3A_1189 = arith.constant 0 : i32
        %dma_wait3A_1190 = arith.constant 0 : i32
        %dma_wait3A_1191 = arith.constant 0 : i32
        %dma_wait3A_1192 = arith.constant 0 : i32
        %dma_wait3A_1193 = tpu.memref_slice %arg22[%dma_wait3A_1189, %dma_wait3A_1190, %dma_wait3A_1191, %dma_wait3A_1192] : memref<8x1x8x129xf32, #tpu.memory_space<vmem>> -> memref<8x1x8x128xf32, #tpu.memory_space<vmem>>
        tpu.wait_dma2 semaphore(%arg38 : memref<!tpu.dma_semaphore, #tpu.memory_space<semaphore_mem>>) src(%dma_wait3A_1193 : memref<8x1x8x128xf32, #tpu.memory_space<vmem>>) dst(%dma_wait3A_1188 : memref<8x1x8x128xf32, #tpu.memory_space<hbm>>)
      } else {
      }
      %jit3A_1063 = arith.constant 2 : i32
      %div3A_1064 = arith.divsi %add3A_1050, %jit3A_1063 : i32
      %sign3A_1065 = arith.constant 0 : i32
      %sign3A_1066 = arith.cmpi sgt, %add3A_1050, %sign3A_1065 : i32
      %sign3A_1067 = arith.extui %sign3A_1066 : i1 to i32
      %sign3A_1068 = arith.constant 0 : i32
      %sign3A_1069 = arith.cmpi slt, %add3A_1050, %sign3A_1068 : i32
      %sign3A_1070 = arith.extui %sign3A_1069 : i1 to i32
      %sign3A_1071 = arith.subi %sign3A_1067, %sign3A_1070 : i32
      %sign3A_1072 = arith.constant 0 : i32
      %sign3A_1073 = arith.cmpi sgt, %jit3A_1063, %sign3A_1072 : i32
      %sign3A_1074 = arith.extui %sign3A_1073 : i1 to i32
      %sign3A_1075 = arith.constant 0 : i32
      %sign3A_1076 = arith.cmpi slt, %jit3A_1063, %sign3A_1075 : i32
      %sign3A_1077 = arith.extui %sign3A_1076 : i1 to i32
      %sign3A_1078 = arith.subi %sign3A_1074, %sign3A_1077 : i32
      %ne3A_1079 = arith.cmpi ne, %sign3A_1071, %sign3A_1078 : i32
      %rem3A_1080 = arith.remsi %add3A_1050, %jit3A_1063 : i32
      %ne3A_1081 = arith.constant 0 : i32
      %ne3A_1082 = arith.cmpi ne, %rem3A_1080, %ne3A_1081 : i32
      %and3A_1083 = arith.andi %ne3A_1079, %ne3A_1082 : i1
      %sub3A_1084 = arith.constant 1 : i32
      %sub3A_1085 = arith.subi %div3A_1064, %sub3A_1084 : i32
      %select_n3A_1086 = arith.select %and3A_1083, %sub3A_1085, %div3A_1064 : i32
      %jit3A_1087 = arith.constant 2 : i32
      %eq3A_1088 = arith.constant 0 : i32
      %eq3A_1089 = arith.cmpi eq, %jit3A_1087, %eq3A_1088 : i32
      %jit3A_1090 = arith.constant 1 : i32
      %select_n3A_1091 = arith.select %eq3A_1089, %jit3A_1090, %jit3A_1087 : i32
      %rem3A_1092 = arith.remsi %add3A_1050, %select_n3A_1091 : i32
      %ne3A_1093 = arith.constant 0 : i32
      %ne3A_1094 = arith.cmpi ne, %rem3A_1092, %ne3A_1093 : i32
      %lt3A_1095 = arith.constant 0 : i32
      %lt3A_1096 = arith.cmpi slt, %rem3A_1092, %lt3A_1095 : i32
      %lt3A_1097 = arith.constant 0 : i32
      %lt3A_1098 = arith.cmpi slt, %select_n3A_1091, %lt3A_1097 : i32
      %ne3A_1099 = arith.xori %lt3A_1096, %lt3A_1098 : i1
      %and3A_1100 = arith.andi %ne3A_1099, %ne3A_1094 : i1
      %add3A_1101 = arith.addi %rem3A_1092, %select_n3A_1091 : i32
      %select_n3A_1102 = arith.select %and3A_1100, %add3A_1101, %rem3A_1092 : i32
      %mul3A_1103 = arith.constant 64 : i32
      %mul3A_1104 = arith.muli %select_n3A_1102, %mul3A_1103 : i32
      %add3A_1105 = arith.constant 0 : i32
      %add3A_1106 = arith.addi %mul3A_1104, %add3A_1105 : i32
      %get3A_1107 = arith.index_cast %select_n3A_1086 : i32 to index
      %get3A_1108 = arith.index_cast %add3A_1106 : i32 to index
      %get3A_1109 = tpu.vector_load %arg6[%get3A_1107, %get3A_1108] {strides = array<i32>} : memref<100x128xf32, #tpu.memory_space<vmem>>, vector<16xf32>,
      %add3A_1110 = arith.constant 16 : i32
      %add3A_1111 = arith.addi %mul3A_1104, %add3A_1110 : i32
      %get3A_1112 = arith.index_cast %select_n3A_1086 : i32 to index
      %get3A_1113 = arith.index_cast %add3A_1111 : i32 to index
      %get3A_1114 = tpu.vector_load %arg6[%get3A_1112, %get3A_1113] {strides = array<i32>} : memref<100x128xf32, #tpu.memory_space<vmem>>, vector<16xf32>,
      %add3A_1115 = arith.constant 32 : i32
      %add3A_1116 = arith.addi %mul3A_1104, %add3A_1115 : i32
      %get3A_1117 = arith.index_cast %select_n3A_1086 : i32 to index
      %get3A_1118 = arith.index_cast %add3A_1116 : i32 to index
      %get3A_1119 = tpu.vector_load %arg6[%get3A_1117, %get3A_1118] {strides = array<i32>} : memref<100x128xf32, #tpu.memory_space<vmem>>, vector<16xf32>,
      %add3A_1120 = arith.constant 48 : i32
      %add3A_1121 = arith.addi %mul3A_1104, %add3A_1120 : i32
      %get3A_1122 = arith.index_cast %select_n3A_1086 : i32 to index
      %get3A_1123 = arith.index_cast %add3A_1121 : i32 to index
      %get3A_1124 = tpu.vector_load %arg6[%get3A_1122, %get3A_1123] {strides = array<i32>} : memref<100x128xf32, #tpu.memory_space<vmem>>, vector<16xf32>,
      %add3A_1125 = arith.constant 0 : i32
      %add3A_1126 = vector.broadcast %add3A_1125 : i32 to vector<16xi32>
      %add3A_1127 = arith.addi %shift_right_logical3A_2, %add3A_1126 : vector<16xi32>
      %add3A_1128 = arith.constant 2 : i32
      %add3A_1129 = vector.broadcast %add3A_1128 : i32 to vector<16xi32>
      %add3A_1130 = arith.addi %shift_right_logical3A_2, %add3A_1129 : vector<16xi32>
      %add3A_1131 = arith.constant 4 : i32
      %add3A_1132 = vector.broadcast %add3A_1131 : i32 to vector<16xi32>
      %add3A_1133 = arith.addi %shift_right_logical3A_2, %add3A_1132 : vector<16xi32>
      %add3A_1134 = arith.constant 6 : i32
      %add3A_1135 = vector.broadcast %add3A_1134 : i32 to vector<16xi32>
      %add3A_1136 = arith.addi %shift_right_logical3A_2, %add3A_1135 : vector<16xi32>
      %scan3A_1137 = arith.constant 0 : i32
      %scan3A_1138 = arith.constant 64 : i32
      %scan3A_1139 = arith.addi %scan3A_1137, %scan3A_1138 : i32
      %scan3A_1140 = arith.constant 1 : i32
      scf.for %scan3A_1174 = %scan3A_1137 to %scan3A_1139 step %scan3A_1140  : i32 {
        %mul3A_1175 = arith.constant 2 : i32
        %mul3A_1176 = arith.muli %scan3A_1174, %mul3A_1175 : i32
        %add3A_1177 = arith.constant 0 : i32
        %add3A_1178 = arith.addi %add3A_1177, %mul3A_1176 : i32
        %add3A_1179 = arith.constant 0 : i32
        %add3A_1180 = arith.addi %add3A_1178, %add3A_1179 : i32
        %get3A_1181 = arith.index_cast %add3A_1180 : i32 to index
        %get3A_1182 = arith.constant 0 : index
        %get3A_1183 = tpu.vector_load %arg18[%get3A_1181, %get3A_1182] {strides = array<i32>} : memref<128x64xf32, #tpu.memory_space<vmem>>, vector<16xf32>,
        %add3A_1184 = arith.addf %get3A_1183, %get3A_1109 : vector<16xf32>
        %add3A_1185 = arith.constant 0 : i32
        %add3A_1186 = arith.addi %add3A_1178, %add3A_1185 : i32
        %get3A_1187 = arith.index_cast %add3A_1186 : i32 to index
        %get3A_1188 = arith.constant 16 : index
        %get3A_1189 = tpu.vector_load %arg18[%get3A_1187, %get3A_1188] {strides = array<i32>} : memref<128x64xf32, #tpu.memory_space<vmem>>, vector<16xf32>,
        %add3A_1190 = arith.addf %get3A_1189, %get3A_1114 : vector<16xf32>
        %add3A_1191 = arith.constant 0 : i32
        %add3A_1192 = arith.addi %add3A_1178, %add3A_1191 : i32
        %get3A_1193 = arith.index_cast %add3A_1192 : i32 to index
        %get3A_1194 = arith.constant 32 : index
        %get3A_1195 = tpu.vector_load %arg18[%get3A_1193, %get3A_1194] {strides = array<i32>} : memref<128x64xf32, #tpu.memory_space<vmem>>, vector<16xf32>,
        %add3A_1196 = arith.addf %get3A_1195, %get3A_1119 : vector<16xf32>
        %add3A_1197 = arith.constant 0 : i32
        %add3A_1198 = arith.addi %add3A_1178, %add3A_1197 : i32
        %get3A_1199 = arith.index_cast %add3A_1198 : i32 to index
        %get3A_1200 = arith.constant 48 : index
        %get3A_1201 = tpu.vector_load %arg18[%get3A_1199, %get3A_1200] {strides = array<i32>} : memref<128x64xf32, #tpu.memory_space<vmem>>, vector<16xf32>,
        %add3A_1202 = arith.addf %get3A_1201, %get3A_1124 : vector<16xf32>
        %add3A_1203 = arith.constant 1 : i32
        %add3A_1204 = arith.addi %add3A_1178, %add3A_1203 : i32
        %get3A_1205 = arith.index_cast %add3A_1204 : i32 to index
        %get3A_1206 = arith.constant 0 : index
        %get3A_1207 = tpu.vector_load %arg18[%get3A_1205, %get3A_1206] {strides = array<i32>} : memref<128x64xf32, #tpu.memory_space<vmem>>, vector<16xf32>,
        %add3A_1208 = arith.addf %get3A_1207, %get3A_1109 : vector<16xf32>
        %add3A_1209 = arith.constant 1 : i32
        %add3A_1210 = arith.addi %add3A_1178, %add3A_1209 : i32
        %get3A_1211 = arith.index_cast %add3A_1210 : i32 to index
        %get3A_1212 = arith.constant 16 : index
        %get3A_1213 = tpu.vector_load %arg18[%get3A_1211, %get3A_1212] {strides = array<i32>} : memref<128x64xf32, #tpu.memory_space<vmem>>, vector<16xf32>,
        %add3A_1214 = arith.addf %get3A_1213, %get3A_1114 : vector<16xf32>
        %add3A_1215 = arith.constant 1 : i32
        %add3A_1216 = arith.addi %add3A_1178, %add3A_1215 : i32
        %get3A_1217 = arith.index_cast %add3A_1216 : i32 to index
        %get3A_1218 = arith.constant 32 : index
        %get3A_1219 = tpu.vector_load %arg18[%get3A_1217, %get3A_1218] {strides = array<i32>} : memref<128x64xf32, #tpu.memory_space<vmem>>, vector<16xf32>,
        %add3A_1220 = arith.addf %get3A_1219, %get3A_1119 : vector<16xf32>
        %add3A_1221 = arith.constant 1 : i32
        %add3A_1222 = arith.addi %add3A_1178, %add3A_1221 : i32
        %get3A_1223 = arith.index_cast %add3A_1222 : i32 to index
        %get3A_1224 = arith.constant 48 : index
        %get3A_1225 = tpu.vector_load %arg18[%get3A_1223, %get3A_1224] {strides = array<i32>} : memref<128x64xf32, #tpu.memory_space<vmem>>, vector<16xf32>,
        %add3A_1226 = arith.addf %get3A_1225, %get3A_1124 : vector<16xf32>
        %add3A_1227 = arith.constant 0 : i32
        %add3A_1228 = arith.addi %add3A_1178, %add3A_1227 : i32
        %add3A_1229 = vector.broadcast %add3A_1228 : i32 to vector<16xi32>
        %add3A_1230 = arith.addi %and3A_7, %add3A_1229 : vector<16xi32>
        tpu.vector_store_idx %arg22[%add3A_1127, %and3A_7, %and3A_4, %add3A_1230], %add3A_1184 : memref<8x1x8x129xf32, #tpu.memory_space<vmem>>[vector<16xi32>, vector<16xi32>, vector<16xi32>, vector<16xi32>], vector<16xf32>,
        tpu.vector_store_idx %arg22[%add3A_1130, %and3A_7, %and3A_4, %add3A_1230], %add3A_1190 : memref<8x1x8x129xf32, #tpu.memory_space<vmem>>[vector<16xi32>, vector<16xi32>, vector<16xi32>, vector<16xi32>], vector<16xf32>,
        tpu.vector_store_idx %arg22[%add3A_1133, %and3A_7, %and3A_4, %add3A_1230], %add3A_1196 : memref<8x1x8x129xf32, #tpu.memory_space<vmem>>[vector<16xi32>, vector<16xi32>, vector<16xi32>, vector<16xi32>], vector<16xf32>,
        tpu.vector_store_idx %arg22[%add3A_1136, %and3A_7, %and3A_4, %add3A_1230], %add3A_1202 : memref<8x1x8x129xf32, #tpu.memory_space<vmem>>[vector<16xi32>, vector<16xi32>, vector<16xi32>, vector<16xi32>], vector<16xf32>,
        %add3A_1231 = arith.constant 1 : i32
        %add3A_1232 = arith.addi %add3A_1178, %add3A_1231 : i32
        %add3A_1233 = vector.broadcast %add3A_1232 : i32 to vector<16xi32>
        %add3A_1234 = arith.addi %and3A_7, %add3A_1233 : vector<16xi32>
        tpu.vector_store_idx %arg22[%add3A_1127, %and3A_7, %and3A_4, %add3A_1234], %add3A_1208 : memref<8x1x8x129xf32, #tpu.memory_space<vmem>>[vector<16xi32>, vector<16xi32>, vector<16xi32>, vector<16xi32>], vector<16xf32>,
        tpu.vector_store_idx %arg22[%add3A_1130, %and3A_7, %and3A_4, %add3A_1234], %add3A_1214 : memref<8x1x8x129xf32, #tpu.memory_space<vmem>>[vector<16xi32>, vector<16xi32>, vector<16xi32>, vector<16xi32>], vector<16xf32>,
        tpu.vector_store_idx %arg22[%add3A_1133, %and3A_7, %and3A_4, %add3A_1234], %add3A_1220 : memref<8x1x8x129xf32, #tpu.memory_space<vmem>>[vector<16xi32>, vector<16xi32>, vector<16xi32>, vector<16xi32>], vector<16xf32>,
        tpu.vector_store_idx %arg22[%add3A_1136, %and3A_7, %and3A_4, %add3A_1234], %add3A_1226 : memref<8x1x8x129xf32, #tpu.memory_space<vmem>>[vector<16xi32>, vector<16xi32>, vector<16xi32>, vector<16xi32>], vector<16xf32>,
      }
      %scan3A_1141 = arith.constant 64 : i32
      %mul3A_1142 = arith.constant 8 : i32
      %mul3A_1143 = arith.muli %add3A_1050, %mul3A_1142 : i32
      %dma_start3A_1144 = arith.constant 0 : i32
      %dma_start3A_1145 = arith.constant 0 : i32
      %dma_start3A_1146 = arith.constant 0 : i32
      %dma_start3A_1147 = arith.constant 0 : i32
      %dma_start3A_1148 = tpu.memref_slice %arg22[%dma_start3A_1144, %dma_start3A_1145, %dma_start3A_1146, %dma_start3A_1147] : memref<8x1x8x129xf32, #tpu.memory_space<vmem>> -> memref<8x1x8x128xf32, #tpu.memory_space<vmem>>
      %dma_start3A_1149 = arith.constant 0 : i32
      %dma_start3A_1150 = arith.constant 0 : i32
      %dma_start3A_1151 = tpu.memref_slice %arg5[%mul3A_1143, %add3A, %dma_start3A_1149, %dma_start3A_1150] : memref<1600x32x8x128xf32, #tpu.memory_space<hbm>> -> memref<8x1x8x128xf32, #tpu.memory_space<hbm>>
      %dma_start3A_1152 = arith.constant 0 : i32
      %dma_start3A_1153 = arith.constant 0 : i32
      %dma_start3A_1154 = tpu.memref_slice %arg5[%mul3A_1143, %add3A, %dma_start3A_1152, %dma_start3A_1153] : memref<1600x32x8x128xf32, #tpu.memory_space<hbm>> -> memref<8x1x8x128xf32, #tpu.memory_space<hbm>>
      %dma_start3A_1155 = arith.constant 0 : i32
      %dma_start3A_1156 = arith.constant 0 : i32
      %dma_start3A_1157 = arith.constant 0 : i32
      %dma_start3A_1158 = arith.constant 0 : i32
      %dma_start3A_1159 = tpu.memref_slice %arg22[%dma_start3A_1155, %dma_start3A_1156, %dma_start3A_1157, %dma_start3A_1158] : memref<8x1x8x129xf32, #tpu.memory_space<vmem>> -> memref<8x1x8x128xf32, #tpu.memory_space<vmem>>
      tpu.enqueue_dma source(%dma_start3A_1159 : memref<8x1x8x128xf32, #tpu.memory_space<vmem>>) target(%dma_start3A_1154 : memref<8x1x8x128xf32, #tpu.memory_space<hbm>>) target_semaphore(%arg38 : memref<!tpu.dma_semaphore, #tpu.memory_space<semaphore_mem>>)
      %add3A_1160 = arith.constant 4 : i32
      %add3A_1161 = arith.addi %add3A_1050, %add3A_1160 : i32
      %lt3A_1162 = arith.constant 200 : i32
      %lt3A_1163 = arith.cmpi slt, %add3A_1161, %lt3A_1162 : i32
      %convert_element_type3A_1164 = arith.extui %lt3A_1163 : i1 to i32
      %cond3A_1165 = arith.constant 0 : i32
      %cond3A_1166 = arith.cmpi ne, %convert_element_type3A_1164, %cond3A_1165 : i32
      scf.if %cond3A_1166 {
        %add3A_1174 = arith.constant 4 : i32
        %add3A_1175 = arith.addi %add3A_1050, %add3A_1174 : i32
        %mul3A_1176 = arith.constant 32 : i32
        %mul3A_1177 = arith.muli %add3A_1175, %mul3A_1176 : i32
        %add3A_1178 = arith.addi %mul3A_1177, %add3A : i32
        %dma_wait3A_1179 = arith.constant 0 : i32
        %dma_wait3A_1180 = tpu.memref_slice %arg2[%add3A_1178, %dma_wait3A_1179] : memref<6400x128xi32, #tpu.memory_space<hbm>> -> memref<1x128xi32, #tpu.memory_space<hbm>>
        %dma_wait3A_1181 = arith.constant 0 : i32
        %dma_wait3A_1182 = tpu.memref_slice %arg2[%add3A_1178, %dma_wait3A_1181] : memref<6400x128xi32, #tpu.memory_space<hbm>> -> memref<1x128xi32, #tpu.memory_space<hbm>>
        tpu.wait_dma2 semaphore(%arg26 : memref<!tpu.dma_semaphore, #tpu.memory_space<semaphore_mem>>) src(%dma_wait3A_1182 : memref<1x128xi32, #tpu.memory_space<hbm>>) dst(%arg10 : memref<1x128xi32, #tpu.memory_space<vmem>>)
        %dma_start3A_1183 = arith.constant 0 : i32
        %dma_start3A_1184 = arith.constant 0 : i32
        %dma_start3A_1185 = tpu.memref_slice %arg10[%dma_start3A_1183, %dma_start3A_1184] : memref<1x128xi32, #tpu.memory_space<vmem>> -> memref<1x128xi32, #tpu.memory_space<vmem>>
        %dma_start3A_1186 = tpu.memref_squeeze %dma_start3A_1185 : memref<1x128xi32, #tpu.memory_space<vmem>> -> memref<128xi32, #tpu.memory_space<vmem>>
        %dma_start3A_1187 = arith.constant 0 : i32
        %dma_start3A_1188 = arith.constant 0 : i32
        %dma_start3A_1189 = tpu.memref_slice %arg3[%dma_start3A_1187, %dma_start3A_1188] : memref<100000x64xf32, #tpu.memory_space<hbm>> -> memref<100000x64xf32, #tpu.memory_space<hbm>>
        tpu.enqueue_indirect_dma source(%dma_start3A_1189 : memref<100000x64xf32, #tpu.memory_space<hbm>>) target(%arg18 : memref<128x64xf32, #tpu.memory_space<vmem>>) offsets(%dma_start3A_1186 : memref<128xi32, #tpu.memory_space<vmem>>) semaphore(%arg34 : memref<!tpu.dma_semaphore, #tpu.memory_space<semaphore_mem>>)
      } else {
      }
      %add3A_1167 = arith.constant 8 : i32
      %add3A_1168 = arith.addi %add3A_1050, %add3A_1167 : i32
      %lt3A_1169 = arith.constant 200 : i32
      %lt3A_1170 = arith.cmpi slt, %add3A_1168, %lt3A_1169 : i32
      %convert_element_type3A_1171 = arith.extui %lt3A_1170 : i1 to i32
      %cond3A_1172 = arith.constant 0 : i32
      %cond3A_1173 = arith.cmpi ne, %convert_element_type3A_1171, %cond3A_1172 : i32
      scf.if %cond3A_1173 {
        %add3A_1174 = arith.constant 8 : i32
        %add3A_1175 = arith.addi %add3A_1050, %add3A_1174 : i32
        %mul3A_1176 = arith.constant 32 : i32
        %mul3A_1177 = arith.muli %add3A_1175, %mul3A_1176 : i32
        %add3A_1178 = arith.addi %mul3A_1177, %add3A : i32
        %dma_start3A_1179 = arith.constant 0 : i32
        %dma_start3A_1180 = tpu.memref_slice %arg2[%add3A_1178, %dma_start3A_1179] : memref<6400x128xi32, #tpu.memory_space<hbm>> -> memref<1x128xi32, #tpu.memory_space<hbm>>
        %dma_start3A_1181 = arith.constant 0 : i32
        %dma_start3A_1182 = tpu.memref_slice %arg2[%add3A_1178, %dma_start3A_1181] : memref<6400x128xi32, #tpu.memory_space<hbm>> -> memref<1x128xi32, #tpu.memory_space<hbm>>
        tpu.enqueue_dma source(%dma_start3A_1182 : memref<1x128xi32, #tpu.memory_space<hbm>>) target(%arg14 : memref<1x128xi32, #tpu.memory_space<vmem>>) target_semaphore(%arg30 : memref<!tpu.dma_semaphore, #tpu.memory_space<semaphore_mem>>)
      } else {
      }
    }
    %scan3A_109 = arith.constant 25 : i32
    %dma_wait3A_110 = arith.constant 0 : i32
    %dma_wait3A_111 = arith.constant 0 : i32
    %dma_wait3A_112 = arith.constant 0 : i32
    %dma_wait3A_113 = arith.constant 0 : i32
    %dma_wait3A_114 = tpu.memref_slice %arg19[%dma_wait3A_110, %dma_wait3A_111, %dma_wait3A_112, %dma_wait3A_113] : memref<8x1x8x129xf32, #tpu.memory_space<vmem>> -> memref<8x1x8x128xf32, #tpu.memory_space<vmem>>
    %dma_wait3A_115 = arith.constant 1568 : i32
    %dma_wait3A_116 = arith.constant 0 : i32
    %dma_wait3A_117 = arith.constant 0 : i32
    %dma_wait3A_118 = tpu.memref_slice %arg5[%dma_wait3A_115, %add3A, %dma_wait3A_116, %dma_wait3A_117] : memref<1600x32x8x128xf32, #tpu.memory_space<hbm>> -> memref<8x1x8x128xf32, #tpu.memory_space<hbm>>
    %dma_wait3A_119 = arith.constant 1568 : i32
    %dma_wait3A_120 = arith.constant 0 : i32
    %dma_wait3A_121 = arith.constant 0 : i32
    %dma_wait3A_122 = tpu.memref_slice %arg5[%dma_wait3A_119, %add3A, %dma_wait3A_120, %dma_wait3A_121] : memref<1600x32x8x128xf32, #tpu.memory_space<hbm>> -> memref<8x1x8x128xf32, #tpu.memory_space<hbm>>
    %dma_wait3A_123 = arith.constant 0 : i32
    %dma_wait3A_124 = arith.constant 0 : i32
    %dma_wait3A_125 = arith.constant 0 : i32
    %dma_wait3A_126 = arith.constant 0 : i32
    %dma_wait3A_127 = tpu.memref_slice %arg19[%dma_wait3A_123, %dma_wait3A_124, %dma_wait3A_125, %dma_wait3A_126] : memref<8x1x8x129xf32, #tpu.memory_space<vmem>> -> memref<8x1x8x128xf32, #tpu.memory_space<vmem>>
    tpu.wait_dma2 semaphore(%arg35 : memref<!tpu.dma_semaphore, #tpu.memory_space<semaphore_mem>>) src(%dma_wait3A_127 : memref<8x1x8x128xf32, #tpu.memory_space<vmem>>) dst(%dma_wait3A_122 : memref<8x1x8x128xf32, #tpu.memory_space<hbm>>)
    %dma_wait3A_128 = arith.constant 0 : i32
    %dma_wait3A_129 = arith.constant 0 : i32
    %dma_wait3A_130 = arith.constant 0 : i32
    %dma_wait3A_131 = arith.constant 0 : i32
    %dma_wait3A_132 = tpu.memref_slice %arg20[%dma_wait3A_128, %dma_wait3A_129, %dma_wait3A_130, %dma_wait3A_131] : memref<8x1x8x129xf32, #tpu.memory_space<vmem>> -> memref<8x1x8x128xf32, #tpu.memory_space<vmem>>
    %dma_wait3A_133 = arith.constant 1576 : i32
    %dma_wait3A_134 = arith.constant 0 : i32
    %dma_wait3A_135 = arith.constant 0 : i32
    %dma_wait3A_136 = tpu.memref_slice %arg5[%dma_wait3A_133, %add3A, %dma_wait3A_134, %dma_wait3A_135] : memref<1600x32x8x128xf32, #tpu.memory_space<hbm>> -> memref<8x1x8x128xf32, #tpu.memory_space<hbm>>
    %dma_wait3A_137 = arith.constant 1576 : i32
    %dma_wait3A_138 = arith.constant 0 : i32
    %dma_wait3A_139 = arith.constant 0 : i32
    %dma_wait3A_140 = tpu.memref_slice %arg5[%dma_wait3A_137, %add3A, %dma_wait3A_138, %dma_wait3A_139] : memref<1600x32x8x128xf32, #tpu.memory_space<hbm>> -> memref<8x1x8x128xf32, #tpu.memory_space<hbm>>
    %dma_wait3A_141 = arith.constant 0 : i32
    %dma_wait3A_142 = arith.constant 0 : i32
    %dma_wait3A_143 = arith.constant 0 : i32
    %dma_wait3A_144 = arith.constant 0 : i32
    %dma_wait3A_145 = tpu.memref_slice %arg20[%dma_wait3A_141, %dma_wait3A_142, %dma_wait3A_143, %dma_wait3A_144] : memref<8x1x8x129xf32, #tpu.memory_space<vmem>> -> memref<8x1x8x128xf32, #tpu.memory_space<vmem>>
    tpu.wait_dma2 semaphore(%arg36 : memref<!tpu.dma_semaphore, #tpu.memory_space<semaphore_mem>>) src(%dma_wait3A_145 : memref<8x1x8x128xf32, #tpu.memory_space<vmem>>) dst(%dma_wait3A_140 : memref<8x1x8x128xf32, #tpu.memory_space<hbm>>)
    %dma_wait3A_146 = arith.constant 0 : i32
    %dma_wait3A_147 = arith.constant 0 : i32
    %dma_wait3A_148 = arith.constant 0 : i32
    %dma_wait3A_149 = arith.constant 0 : i32
    %dma_wait3A_150 = tpu.memref_slice %arg21[%dma_wait3A_146, %dma_wait3A_147, %dma_wait3A_148, %dma_wait3A_149] : memref<8x1x8x129xf32, #tpu.memory_space<vmem>> -> memref<8x1x8x128xf32, #tpu.memory_space<vmem>>
    %dma_wait3A_151 = arith.constant 1584 : i32
    %dma_wait3A_152 = arith.constant 0 : i32
    %dma_wait3A_153 = arith.constant 0 : i32
    %dma_wait3A_154 = tpu.memref_slice %arg5[%dma_wait3A_151, %add3A, %dma_wait3A_152, %dma_wait3A_153] : memref<1600x32x8x128xf32, #tpu.memory_space<hbm>> -> memref<8x1x8x128xf32, #tpu.memory_space<hbm>>
    %dma_wait3A_155 = arith.constant 1584 : i32
    %dma_wait3A_156 = arith.constant 0 : i32
    %dma_wait3A_157 = arith.constant 0 : i32
    %dma_wait3A_158 = tpu.memref_slice %arg5[%dma_wait3A_155, %add3A, %dma_wait3A_156, %dma_wait3A_157] : memref<1600x32x8x128xf32, #tpu.memory_space<hbm>> -> memref<8x1x8x128xf32, #tpu.memory_space<hbm>>
    %dma_wait3A_159 = arith.constant 0 : i32
    %dma_wait3A_160 = arith.constant 0 : i32
    %dma_wait3A_161 = arith.constant 0 : i32
    %dma_wait3A_162 = arith.constant 0 : i32
    %dma_wait3A_163 = tpu.memref_slice %arg21[%dma_wait3A_159, %dma_wait3A_160, %dma_wait3A_161, %dma_wait3A_162] : memref<8x1x8x129xf32, #tpu.memory_space<vmem>> -> memref<8x1x8x128xf32, #tpu.memory_space<vmem>>
    tpu.wait_dma2 semaphore(%arg37 : memref<!tpu.dma_semaphore, #tpu.memory_space<semaphore_mem>>) src(%dma_wait3A_163 : memref<8x1x8x128xf32, #tpu.memory_space<vmem>>) dst(%dma_wait3A_158 : memref<8x1x8x128xf32, #tpu.memory_space<hbm>>)
    %dma_wait3A_164 = arith.constant 0 : i32
    %dma_wait3A_165 = arith.constant 0 : i32
    %dma_wait3A_166 = arith.constant 0 : i32
    %dma_wait3A_167 = arith.constant 0 : i32
    %dma_wait3A_168 = tpu.memref_slice %arg22[%dma_wait3A_164, %dma_wait3A_165, %dma_wait3A_166, %dma_wait3A_167] : memref<8x1x8x129xf32, #tpu.memory_space<vmem>> -> memref<8x1x8x128xf32, #tpu.memory_space<vmem>>
    %dma_wait3A_169 = arith.constant 1592 : i32
    %dma_wait3A_170 = arith.constant 0 : i32
    %dma_wait3A_171 = arith.constant 0 : i32
    %dma_wait3A_172 = tpu.memref_slice %arg5[%dma_wait3A_169, %add3A, %dma_wait3A_170, %dma_wait3A_171] : memref<1600x32x8x128xf32, #tpu.memory_space<hbm>> -> memref<8x1x8x128xf32, #tpu.memory_space<hbm>>
    %dma_wait3A_173 = arith.constant 1592 : i32
    %dma_wait3A_174 = arith.constant 0 : i32
    %dma_wait3A_175 = arith.constant 0 : i32
    %dma_wait3A_176 = tpu.memref_slice %arg5[%dma_wait3A_173, %add3A, %dma_wait3A_174, %dma_wait3A_175] : memref<1600x32x8x128xf32, #tpu.memory_space<hbm>> -> memref<8x1x8x128xf32, #tpu.memory_space<hbm>>
    %dma_wait3A_177 = arith.constant 0 : i32
    %dma_wait3A_178 = arith.constant 0 : i32
    %dma_wait3A_179 = arith.constant 0 : i32
    %dma_wait3A_180 = arith.constant 0 : i32
    %dma_wait3A_181 = tpu.memref_slice %arg22[%dma_wait3A_177, %dma_wait3A_178, %dma_wait3A_179, %dma_wait3A_180] : memref<8x1x8x129xf32, #tpu.memory_space<vmem>> -> memref<8x1x8x128xf32, #tpu.memory_space<vmem>>
    tpu.wait_dma2 semaphore(%arg38 : memref<!tpu.dma_semaphore, #tpu.memory_space<semaphore_mem>>) src(%dma_wait3A_181 : memref<8x1x8x128xf32, #tpu.memory_space<vmem>>) dst(%dma_wait3A_176 : memref<8x1x8x128xf32, #tpu.memory_space<hbm>>)
    return
  }
}

</mosaic_0001>

<sc_bundles>
// kernel: kernel.3.cloned.1.call-start
scs
__scs_entry_jumppad:
0x0: {  	(pc) =	sbr.rel $0x88, $3  }
0x1: {  	(tag) =	ssettag $0x0;
	lr =	simm.s32 $0x1  }
0x2: {  	[smem:$0x3F9E] =	sst lr;
	_ =	strace $0xD0000000  }
0x3: {  	_ = 	snop  }
0x4: {  	_ = 	snop  }
0x5: {  	_ = 	snop  }
0x6: {  	_ = 	snop  }
0x7: {  	_ = 	snop  }
__scs_overlays_trampoline_lowered:
0x8: {  	[smem:$0x3FAD] =	sst s0  }
0x9: {  	[smem:$0x3FAE] =	sst s1  }
0xa: {  	[smem:$0x3FAF] =	sst s2  }
0xb: {  	[smem:$0x3FB0] =	sst s3  }
0xc: {  	[smem:$0x3FB1] =	sst s4  }
0xd: {  	[smem:$0x3FB2] =	sst s5  }
0xe: {  	[smem:$0x3FB3] =	sst s6  }
0xf: {  	[smem:$0x3FB4] =	sst s7  }
0x10: {  	[smem:$0x3FB5] =	sst s8  }
0x11: {  	[smem:$0x3FB6] =	sst s9;
	s0 =	simm.s32 @!p0 $0x0  }
0x12: {  	s1 =	sld [smem:$0x3F9C];
	s0 =	simm.s32 @p0 $0x1  }
0x13: {  	[smem:$0x3FB7] =	sst s0;
	s0 =	simm.s32 @!p1 $0x0  }
0x14: {  	s2 =	sld [smem:$0x3F9B];
	s0 =	simm.s32 @p1 $0x1  }
0x15: {  	[smem:$0x3FB8] =	sst s0;
	s0 =	simm.s32 @!p2 $0x0  }
0x16: {  	s3 =	sld [smem:$0x3FDB];
	s0 =	simm.s32 @p2 $0x1  }
0x17: {  	s4 =	simm.s32 $0x1BF5;
	[smem:$0x3FBA] =	sst s0  }
0x18: {  	s0 =	sld [smem:$0x3F9D];
	_ =	swait.ge [sflag:s4], $0x0  }
0x19: {  	s7 =	sld [smem:$0x3F9E]  }
0x1a: {  	s8 =	sadd.s32 $0xFFFFE003, lr  }
0x1b: {  	s9 =	sadd.s32 $0xFFFFFEF7, lr;
	s5 =	simm.s32 $0xFFFFFFFF;
	p2 =	slt.u32 s8, $0xFFFFF086  }
0x1c: {  	p1 =	slt.u32 s9, $0xF7A;
	s5 =	simm.s32 @!p2 $0x0  }
0x1d: {  	s5 =	simm.s32 @p1 $0x1;
	p0 =	seq.s32 s7, s2  }
0x1e: {  	s7 =	smul.u32 @!p0 $0xF7A, s2;
	p2 =	seq.s32 @!p0 s5, $0x0  }
0x1f: {  	s9 =	smul.u32 $0xF7A, s1;
	s8 =	simm.s32 @!p0 $0x1BF5;
	p2 =	por !p2, p0  }
0x20: {  	[sflag:s8] =	ssyncset.s32 @!p0 $0xFFFFF086;
	s6 =	sadd.s32 @!p0 s3, s7;
	s7 =	simm.s32 @!p0 $0x108  }
0x21: {  	s3 =	sadd.s32 s3, s9;
	s6 =	sadd.s32 @!p0 $0x88, s6;
	s7 =	simm.s32 @p2 $0x1082  }
0x22: {  	[simem:s7], [sflag:s8] =	dma.local @!p0 [hbm:s6], $0xF7A  }
0x23: {  	s9 =	sor.u32 $0xD0000000, s2;
	s6 =	simm.s32 $0x108;
	_ =	swait.ge @!p0 [sflag:s8], $0x0  }
0x24: {  	s3 =	sadd.s32 $0x88, s3;
	s6 =	simm.s32 @!p1 $0x1082;
	[sflag:s4] =	ssyncset.s32 $0xFFFFF086  }
0x25: {  	[simem:s6], [sflag:s4] =	dma.local [hbm:s3], $0xF7A  }
0x26: {  	[smem:$0x3F9E] =	sst s1;
	(tag) =	ssettag s2;
	_ =	strace s9  }
0x27: {  	s1 =	sld [smem:$0x3FAE]  }
0x28: {  	s2 =	sld [smem:$0x3FAF]  }
0x29: {  	s4 =	sld [smem:$0x3FB1]  }
0x2a: {  	p0 =	seq.s32 s5, $0x0;
	s5 =	sld [smem:$0x3FB2]  }
0x2b: {  	s6 =	sld [smem:$0x3FB3]  }
0x2c: {  	s7 =	sld [smem:$0x3FB4]  }
0x2d: {  	s3 =	simm.s32 $0x108;
	s8 =	sld [smem:$0x3FB5]  }
0x2e: {  	s3 =	simm.s32 @!p0 $0x1082;
	s9 =	sld [smem:$0x3FB6]  }
0x2f: {  	lr =	sadd.s32 s0, s3;
	s0 =	sld [smem:$0x3FAD]  }
0x30: {  	s3 =	sld [smem:$0x3FB0]  }
0x31: {  	[smem:$0x3FB9] =	sst s10  }
0x32: {  	s10 =	sld [smem:$0x3FB7];
	_ =	sdelay $0x3  }
0x33: {  	p0 =	seq.s32 s10, $0x1;
	s10 =	sld [smem:$0x3FB9];
	_ =	sdelay $0x3  }
0x34: {  	[smem:$0x3FB9] =	sst s10  }
0x35: {  	s10 =	sld [smem:$0x3FB8];
	_ =	sdelay $0x3  }
0x36: {  	p1 =	seq.s32 s10, $0x1;
	s10 =	sld [smem:$0x3FB9];
	_ =	sdelay $0x3  }
0x37: {  	[smem:$0x3FB9] =	sst s10  }
0x38: {  	s10 =	sld [smem:$0x3FBA]  }
0x39: {  	_ = 	snop;
	(pc) =	sbr.ind lr, $3  }
0x3a: {  	_ = 	snop  }
0x3b: {  	_ = 	snop  }
0x3c: {  	p2 =	seq.s32 s10, $0x1;
	s10 =	sld [smem:$0x3FB9]  }
0x3d: {  	_ =	shalt  }
0x3e: {  	_ =	shalt  }
0x3f: {  	_ =	shalt  }
0x40: {  	_ =	shalt  }
0x41: {  	_ =	shalt  }
0x42: {  	_ =	shalt  }
0x43: {  	_ =	shalt  }
0x44: {  	_ =	shalt  }
0x45: {  	_ =	shalt  }
0x46: {  	_ =	shalt  }
0x47: {  	_ =	shalt  }
0x48: {  	_ =	shalt  }
0x49: {  	_ =	shalt  }
0x4a: {  	_ =	shalt  }
0x4b: {  	_ =	shalt  }
0x4c: {  	_ =	shalt  }
0x4d: {  	_ =	shalt  }
0x4e: {  	_ =	shalt  }
0x4f: {  	_ =	shalt  }
0x50: {  	_ =	shalt  }
0x51: {  	_ =	shalt  }
0x52: {  	_ =	shalt  }
0x53: {  	_ =	shalt  }
0x54: {  	_ =	shalt  }
0x55: {  	_ =	shalt  }
0x56: {  	_ =	shalt  }
0x57: {  	_ =	shalt  }
0x58: {  	_ =	shalt  }
0x59: {  	_ =	shalt  }
0x5a: {  	_ =	shalt  }
0x5b: {  	_ =	shalt  }
0x5c: {  	_ =	shalt  }
0x5d: {  	_ =	shalt  }
0x5e: {  	_ =	shalt  }
0x5f: {  	_ =	shalt  }
0x60: {  	_ =	shalt  }
0x61: {  	_ =	shalt  }
0x62: {  	_ =	shalt  }
0x63: {  	_ =	shalt  }
0x64: {  	_ =	shalt  }
0x65: {  	_ =	shalt  }
0x66: {  	_ =	shalt  }
0x67: {  	_ =	shalt  }
0x68: {  	_ =	shalt  }
0x69: {  	_ =	shalt  }
0x6a: {  	_ =	shalt  }
0x6b: {  	_ =	shalt  }
0x6c: {  	_ =	shalt  }
0x6d: {  	_ =	shalt  }
0x6e: {  	_ =	shalt  }
0x6f: {  	_ =	shalt  }
0x70: {  	_ =	shalt  }
0x71: {  	_ =	shalt  }
0x72: {  	_ =	shalt  }
0x73: {  	_ =	shalt  }
0x74: {  	_ =	shalt  }
0x75: {  	_ =	shalt  }
0x76: {  	_ =	shalt  }
0x77: {  	_ =	shalt  }
0x78: {  	_ =	shalt  }
0x79: {  	_ =	shalt  }
0x7a: {  	_ =	shalt  }
0x7b: {  	_ =	shalt  }
0x7c: {  	_ =	shalt  }
0x7d: {  	_ =	shalt  }
0x7e: {  	_ =	shalt  }
0x7f: {  	_ =	shalt  }
0x80: {  	_ =	shalt  }
0x81: {  	_ =	shalt  }
0x82: {  	_ =	shalt  }
0x83: {  	_ =	shalt  }
0x84: {  	_ =	shalt  }
0x85: {  	_ =	shalt  }
0x86: {  	_ =	shalt  }
0x87: {  	_ =	shalt  }
.Lfunc_end0:
.L_simem_size_0:
called_computation_lowered:
.L_overlay_start_0:
0x88: {  	s2 =	sld [smem:$0x3FD9]  }
0x89: {  	s3 =	sld [smem:$0x3FFE];
	_ =	sdelay $0x1  }
0x8a: {  	s1 =	srdreg.scid  }
0x8b: {  	s0 =	sand.u32 $0x1, s1  }
0x8c: {  	s17 =	sshll.u32 s0, $0xA;
	s2 =	sadd.s32 s3, s2  }
0x8d: {  	s2 =	sadd.s32 s2, s17  }
0x8e: {  	[smem:$0x3FC5] =	sst s2  }
0x8f: {  	_ = 	snop  }
0x90: {  	s2 =	sld [smem:$0x3FD0];
	(tm) =	ssettm $0x1  }
0x91: {  	s18 =	sld [smem:$0x3FFB];
	_ =	sdelay $0x3  }
0x92: {  	_ =	strace s18  }
0x93: {  	s3 =	sld [smem:$0x3FFC];
	_ =	sdelay $0x3  }
0x94: {  	_ =	strace s3  }
0x95: {  	s3 =	sld [smem:$0x3FFD];
	_ =	sdelay $0x3  }
0x96: {  	_ =	strace s3  }
0x97: {  	_ =	strace $0x8FFFFFFF  }
0x98: {  	s19 =	sld [smem:$0x3FDB];
	_ =	sdelay $0x1  }
0x99: {  	s4 =	simm.s32 $_scs_section_size  }
0x9a: {  	s5 =	simm.s32 $_size__tile_overlayer_lowered;
	s6 =	simm.s32 $_tile_overlayer_lowered  }
0x9b: {  	s22 =	simm.s32 $0x1BFF;
	s21 =	sshll.u32 s6, $0x1;
	s3 =	sadd.s32 s4, s19  }
0x9c: {  	s7 =	simm.s32 $0x0;
	s20 =	sshll.u32 s5, $0x1;
	s5 =	sadd.s32 s21, s3  }
0x9d: {  	[timem:s7], [sflag:s22] =	dma.local [hbm:s5], s20  }
0x9e: {  	_ =	swait.ge [sflag:s22], s20  }
0x9f: {  	s4 =	ssub.s32 $0x0, s20;
	[sflag:s22] =	ssyncset.done $0x0  }
0xa0: {  	[sflag:s22] =	ssyncadd.s32 s4;
	_ =	sdelay $0x1  }
0xa1: {  	s23 =	simm.s32 $0x1B8B  }
0xa2: {  	_ =	swait.ge [sflag:s23], $0x1  }
0xa3: {  	[sflag:s23] =	ssyncset.done $0x0  }
0xa4: {  	s25 =	simm.s32 $0x1B8E;
	s24 =	sld [smem:$0x3FFE];
	[sflag:s23] =	ssyncadd.s32 $0xFFFFFFFF  }
0xa5: {  	s26 =	simm.s32 $execute0_lowered;
	[smem:$0x3FD2] =	sst s25  }
0xa6: {  	s5 =	sshll.u32 s26, $0x1;
	_ =	strace $0x80000046;
	[dreg:$0x1] =	wrdreg $0xFFFFFFFF  }
0xa7: {  	s28 =	simm.s32 $_size_execute0_lowered;
	s3 =	sadd.s32 s3, s5;
	[dreg:$0x0] =	wrdreg $0x0  }
0xa8: {  	s5 =	sshll.u32 s28, $0x1;
	[dreg:$0x2] =	wrdreg s3  }
0xa9: {  	[dreg:$0x3] =	wrdreg s5  }
0xaa: {  	[dreg:$0x4] =	wrdreg $0xC0  }
0xab: {  	_ =	task [dreg:s7], $0x5FFFF  }
0xac: {  	[dreg:$0x1] =	wrdreg $0xFFFFFFFF  }
0xad: {  	[dreg:$0x0] =	wrdreg $0x60  }
0xae: {  	[dreg:$0x2] =	wrdreg s24  }
0xaf: {  	[dreg:$0x3] =	wrdreg s2  }
0xb0: {  	[dreg:$0x4] =	wrdreg $0x9  }
0xb1: {  	_ =	task.clear_ibuf [dreg:s7], $0x5FFFF;
	_ =	strace $0x90000046  }
0xb2: {  	s29 =	simm.s32 $0x9;
	_ =	strace $0x80000048  }
0xb3: {  	_ =	swait.ge [sflag:s29], $0x1  }
0xb4: {  	[sflag:s29] =	ssyncadd.s32 $0xFFFFFFFF  }
0xb5: {  	_ =	strace $0x90000048  }
0xb6: {  	_ =	sfence  }
0xb7: {  	s30 =	sld [smem:$0x0];
	_ =	sdelay $0x2  }
0xb8: {  	s31 =	sshll.u32 s1, $0xD;
	s1 =	sshrl.u32 s1, $0x2  }
0xb9: {  	s3 =	sand.u32 $0x4000, s31;
	s1 =	sadd.s32 s1, s30  }
0xba: {  	s0 =	sor.u32 s3, s0;
	s1 =	sshll.u32 s1, $0x11  }
0xbb: {  	s0 =	sor.u32 s1, s0  }
0xbc: {  	s0 =	sadd.s32 $0x8F2B, s0  }
0xbd: {  	[sflag:s0] =	ssyncadd.remote.s32 $0x1  }
0xbe: {  	_ =	sfence.sel $0xFFFF  }
0xbf: {  	[dreg:$0x0] =	wrdreg $0xFFFFFFFF;
	(pc) =	sbr.abs _section_cstart, $3  }
0xc0: {  	[dreg:$0x1] =	wrdreg $0xFFFFFFFF  }
0xc1: {  	_ =	task.clear_ibuf [dreg:s7], $0x2FFFF;
	_ =	strace $0x9FFFFFFF  }
0xc2: {  	(tm) =	ssettm $0x7FFFFFFF  }
0xc3: {  	_ =	shalt  }
tec
execute0_lowered:
.L_overlay_start_1:
0x0: {  	(tag) =	ssettag $0x1  }
0x1: {  	s0 =	rddreg [dreg:$0x0];
	s1 =	srdreg.scid  }
0x2: {  	s3 =	stileid.u32;
	s2 =	rddreg [dreg:$0x1]  }
0x3: {  	s1 =	sand.u32 $0x1, s1;
	s4 =	sshll.u32 s3, $0x1;
	s3 =	simm.s32 $0x0  }
0x4: {  	s19 =	sadd.s32 $0x8000, s2;
	s5 =	sor.u32 s1, s4;
	[smem:$0x7FF] =	sst s3  }
0x5: {  	s4 =	sshll.u32 s5, $0x4;
	_ =	strace $0x80000047;
	[dreg:$0xd] =	wrdreg s19  }
0x6: {  	s6 =	sadd.s32 s4, s0;
	s4 =	sadd.s32 $0x19C00, s0;
	s0 =	sadd.s32 $0x400, s0  }
0x7: {  	[dreg:$0x3] =	wrdreg s0;
	s10 =	sadd.s32 $0xC00, s6  }
0x8: {  	s11 =	sadd.s32 $0xE00, s6;
	[dreg:$0x4] =	wrdreg s10  }
0x9: {  	s12 =	sadd.s32 $0x1000, s6;
	[dreg:$0x5] =	wrdreg s11  }
0xa: {  	s28 =	simm.s32 $0x3580;
	s13 =	sadd.s32 $0x1200, s6;
	[dreg:$0x6] =	wrdreg s12  }
0xb: {  	s29 =	simm.s32 $0xA;
	s14 =	sadd.s32 $0x1400, s6;
	[dreg:$0x7] =	wrdreg s13  }
0xc: {  	s30 =	simm.s32 $0xFA00;
	s15 =	sadd.s32 $0x1600, s6;
	[dreg:$0x8] =	wrdreg s14  }
0xd: {  	s31 =	simm.s32 $0x7;
	s16 =	sadd.s32 $0x1800, s6;
	[dreg:$0x9] =	wrdreg s15  }
0xe: {  	s8 =	simm.s32 $0xD;
	s17 =	sadd.s32 $0x1A00, s6;
	[dreg:$0xa] =	wrdreg s16  }
0xf: {  	s1 =	ssub.s32 $0x2, s1;
	s18 =	sadd.s32 $0x1C00, s6;
	[dreg:$0xb] =	wrdreg s17  }
0x10: {  	s7 =	sshrl.u32 s1, $0x1;
	s20 =	sadd.s32 $0x1E00, s6;
	[dreg:$0xc] =	wrdreg s18  }
0x11: {  	s9 =	ssub.s32 s1, s7;
	s21 =	sadd.s32 $0x2000, s6;
	[dreg:$0xe] =	wrdreg s20  }
0x12: {  	s7 =	simm.s32 $0xE;
	s22 =	sadd.s32 $0x2200, s6;
	[dreg:$0xf] =	wrdreg s21  }
0x13: {  	s1 =	simm.s32 $0xC;
	s23 =	sadd.s32 $0x2400, s6;
	[dreg:$0x10] =	wrdreg s22  }
0x14: {  	s24 =	sadd.s32 $0x2600, s6;
	s25 =	sadd.s32 $0x2800, s6;
	[dreg:$0x11] =	wrdreg s23  }
0x15: {  	s26 =	sadd.s32 $0x2A00, s6;
	s0 =	smax.u32 s9, $0x1;
	[dreg:$0x12] =	wrdreg s24  }
.Ltmp0:
0x16: {  	s9 =	simm.s32 $0xD800;
	[dreg:$0x13] =	wrdreg s25;
	(pc) =	sbr.rel .LBB2_1-.Ltmp0, $4  }
0x17: {  	v0 =	vlaneseq.u32;
	s6 =	simm.s32 $0x8;
	s14 =	sshll.u32 s5, $0xA;
	[dreg:$0x14] =	wrdreg s26  }
0x18: {  	v0 =	vmul.u32 $0x88, v0;
	[dreg:$0x15] =	wrdreg s0;
	s5 =	simm.s32 $0x80;
	s13 =	simm.s32 $0x9  }
0x19: {  	s24 =	simm.s32 $0xB600;
	s15 =	simm.s32 $0xB;
	s0 =	simm.s32 $0x11C00  }
0x1a: {  	v1 =	vadd.s32 $0x880, v0;
	v2 =	vadd.s32 $0x1100, v0;
	v3 =	vadd.s32 $0x1980, v0;
	s10 =	simm.s32 $0xF;
	s23 =	simm.s32 $0x10;
	s12 =	simm.s32 $0x0  }
.LBB2_40:
0x1b: {  	_ =	swait.ge [sflag:s8], $0x2000  }
0x1c: {  	[sflag:s8] =	ssyncset.done $0x0  }
0x1d: {  	[sflag:s8] =	ssyncadd.s32 $0xFFFFE000  }
0x1e: {  	_ =	swait.ge [sflag:s7], $0x2000  }
0x1f: {  	[sflag:s7] =	ssyncset.done $0x0  }
0x20: {  	[sflag:s7] =	ssyncadd.s32 $0xFFFFE000  }
0x21: {  	_ =	swait.ge [sflag:s10], $0x2000  }
0x22: {  	[sflag:s10] =	ssyncset.done $0x0  }
0x23: {  	[sflag:s10] =	ssyncadd.s32 $0xFFFFE000  }
0x24: {  	_ =	swait.ge [sflag:s23], $0x2000  }
0x25: {  	s12 =	rddreg [dreg:$0x16]  }
0x26: {  	s11 =	rddreg [dreg:$0x15];
	s12 =	sadd.s32 $0x1, s12  }
0x27: {  	p0 =	sne.s32 s12, s11  }
.Ltmp1:
0x28: {  	_ = 	snop;
	(pc) =	sbr.rel @!p0 .LBB2_41-.Ltmp1, $3  }
0x29: {  	_ =	sdelay $0x1  }
0x2a: {  	[sflag:s23] =	ssyncset.done $0x0  }
0x2b: {  	[sflag:s23] =	ssyncadd.s32 $0xFFFFE000  }
.LBB2_1:
0x2c: {  	[dreg:$0x16] =	wrdreg s12  }
0x2d: {  	s11 =	rddreg [dreg:$0x3];
	s19 =	simm.s32 $0x11  }
0x2e: {  	[tilespmem:s3], [sflag:$0x11] =	stream.linear.gather [hbm4b:s11+s3], $0x3200, $0x38;
	[tilespmem:$0x13E00] =	vst v63  }
0x2f: {  	_ =	swait.ge [sflag:s19], $0x3200  }
0x30: {  	[sflag:s19] =	ssyncset.done $0x0  }
0x31: {  	s12 =	simm.s32 $0x3200;
	s20 =	rddreg [dreg:$0x4];
	[sflag:s19] =	ssyncadd.s32 $0xFFFFCE00  }
0x32: {  	[tilespmem:s12], [sflag:$0x1] =	stream.linear.gather [hbm4b:s20+s3], $0x80, $0x38;
	[tilespmem:$0x13E00] =	vst v63  }
0x33: {  	s16 =	simm.s32 $0x3280;
	s21 =	rddreg [dreg:$0x5]  }
0x34: {  	[tilespmem:s16], [sflag:$0x2] =	stream.linear.gather [hbm4b:s21+s3], $0x80, $0x38;
	[tilespmem:$0x13E00] =	vst v63  }
0x35: {  	s17 =	simm.s32 $0x3300;
	s22 =	rddreg [dreg:$0x6]  }
0x36: {  	[tilespmem:s17], [sflag:$0x3] =	stream.linear.gather [hbm4b:s22+s3], $0x80, $0x38;
	[tilespmem:$0x13E00] =	vst v63  }
0x37: {  	s18 =	simm.s32 $0x3380;
	s25 =	rddreg [dreg:$0x7]  }
0x38: {  	[tilespmem:s18], [sflag:$0x4] =	stream.linear.gather [hbm4b:s25+s3], $0x80, $0x38;
	[tilespmem:$0x13E00] =	vst v63  }
0x39: {  	s26 =	rddreg [dreg:$0x8];
	s19 =	simm.s32 $0x3400  }
0x3a: {  	[tilespmem:s19], [sflag:$0x5] =	stream.linear.gather [hbm4b:s26+s3], $0x80, $0x38;
	[tilespmem:$0x13E00] =	vst v63  }
0x3b: {  	s20 =	rddreg [dreg:$0x9];
	s21 =	simm.s32 $0x3480  }
0x3c: {  	[tilespmem:s21], [sflag:$0x6] =	stream.linear.gather [hbm4b:s20+s3], $0x80, $0x38;
	[tilespmem:$0x13E00] =	vst v63  }
0x3d: {  	s22 =	rddreg [dreg:$0xa];
	s25 =	simm.s32 $0x3500  }
0x3e: {  	[tilespmem:s25], [sflag:$0x7] =	stream.linear.gather [hbm4b:s22+s3], $0x80, $0x38;
	[tilespmem:$0x13E00] =	vst v63  }
0x3f: {  	s26 =	rddreg [dreg:$0xb]  }
0x40: {  	[tilespmem:s28], [sflag:$0x8] =	stream.linear.gather [hbm4b:s26+s3], $0x80, $0x38;
	[tilespmem:$0x13E00] =	vst v63  }
0x41: {  	s28 =	simm.s32 $0x1  }
0x42: {  	_ =	swait.ge [sflag:s28], $0x80  }
0x43: {  	[sflag:s28] =	ssyncset.done $0x0  }
0x44: {  	s19 =	simm.s32 $0x3600;
	s20 =	simm.s32 $0x2;
	[sflag:s28] =	ssyncadd.s32 $0xFFFFFF80  }
0x45: {  	[tilespmem:s19], [sflag:$0x9] =	stream.indirect.gather [hbm4b:s4+s5], $0x40, s12, s5, $0xb8;
	[tilespmem:$0x13E00] =	vst v63  }
0x46: {  	_ =	swait.ge [sflag:s20], $0x80  }
0x47: {  	[sflag:s20] =	ssyncset.done $0x0  }
0x48: {  	s21 =	simm.s32 $0x5600;
	s22 =	simm.s32 $0x3;
	[sflag:s20] =	ssyncadd.s32 $0xFFFFFF80  }
0x49: {  	[tilespmem:s21], [sflag:$0xA] =	stream.indirect.gather [hbm4b:s4+s5], $0x40, s16, s5, $0xb8;
	[tilespmem:$0x13E00] =	vst v63  }
0x4a: {  	_ =	swait.ge [sflag:s22], $0x80  }
0x4b: {  	[sflag:s22] =	ssyncset.done $0x0  }
0x4c: {  	s25 =	simm.s32 $0x7600;
	s26 =	simm.s32 $0x4;
	[sflag:s22] =	ssyncadd.s32 $0xFFFFFF80  }
0x4d: {  	[tilespmem:s25], [sflag:$0xB] =	stream.indirect.gather [hbm4b:s4+s5], $0x40, s17, s5, $0xb8;
	[tilespmem:$0x13E00] =	vst v63  }
0x4e: {  	_ =	swait.ge [sflag:s26], $0x80  }
0x4f: {  	[sflag:s26] =	ssyncset.done $0x0  }
0x50: {  	s28 =	simm.s32 $0x9600;
	s16 =	simm.s32 $0x0;
	[sflag:s26] =	ssyncadd.s32 $0xFFFFFF80  }
0x51: {  	[tilespmem:s28], [sflag:$0xC] =	stream.indirect.gather [hbm4b:s4+s5], $0x40, s18, s5, $0xb8;
	[tilespmem:$0x13E00] =	vst v63  }
.LBB2_2:
0x52: {  	_ =	swait.ge [sflag:s13], $0x2000  }
0x53: {  	p1 =	seq.s32 s16, $0x0;
	[sflag:s13] =	ssyncset.done $0x0  }
0x54: {  	s11 =	simm.s32 @!p1 $0xD;
	[sflag:s13] =	ssyncadd.s32 $0xFFFFE000  }
0x55: {  	_ =	swait.ge @!p1 [sflag:s11], $0x2000  }
0x56: {  	s12 =	sshll.u32 s16, $0x9;
	[sflag:s11] =	ssyncset.done @!p1 $0x0  }
0x57: {  	s17 =	sand.u32 $0x3FFFFE00, s12;
	[sflag:s11] =	ssyncadd.s32 @!p1 $0xFFFFE000  }
0x58: {  	v4 =	vld [tilespmem:s17+$0x0]  }
0x59: {  	v5 =	vld [tilespmem:s17+$0x10]  }
0x5a: {  	v6 =	vld [tilespmem:s17+$0x20]  }
0x5b: {  	s19 =	simm.s32 $0x3640;
	s26 =	simm.s32 $0x0;
	v7 =	vld [tilespmem:s17+$0x30]  }
0x5c: {  	v10 =	vmov s26;
	v8 =	vld [tilespmem:s19+$0xFFFFFFC0]  }
0x5d: {  	v10 =	vand.u32 $0x7E, v10;
	v11 =	vld [tilespmem:s19+$0xFFFFFFD0]  }
0x5e: {  	v13 =	vadd.s32 v0, v10;
	v12 =	vld [tilespmem:s19+$0xFFFFFFE0]  }
0x5f: {  	s28 =	simm.s32 $0x1;
	v15 =	vadd.s32 v1, v10;
	v14 =	vld [tilespmem:s19+$0xFFFFFFF0]  }
0x60: {  	v18 =	vmov s28;
	v17 =	vadd.s32 v2, v10;
	v16 =	vld [tilespmem:s19+$0x0]  }
0x61: {  	v18 =	vand.u32 $0x7F, v18;
	v10 =	vadd.s32 v3, v10;
	v19 =	vld [tilespmem:s19+$0x10];
	v8 =	vadd.f32 v8, v4  }
0x62: {  	v21 =	vadd.s32 v0, v18;
	v9 =	vld [tilespmem:s19+$0x30];
	v11 =	vadd.f32 v11, v5  }
0x63: {  	v20 =	vld [tilespmem:s19+$0x20];
	v12 =	vadd.f32 v12, v6;
	[tilespmem:v13+s24+$0x0] =	vst.idx.msk $0xffff, v8;
	v8 =	vadd.s32 v1, v18  }
0x64: {  	v61 =	vadd.f32 v14, v7;
	[tilespmem:v15+s24+$0x0] =	vst.idx.msk $0xffff, v11  }
0x65: {  	v62 =	vadd.f32 v16, v4;
	[tilespmem:v17+s24+$0x0] =	vst.idx.msk $0xffff, v12  }
0x66: {  	v63 =	vadd.f32 v19, v5;
	v11 =	vadd.s32 v2, v18;
	[tilespmem:v10+s24+$0x0] =	vst.idx.msk $0xffff, v61  }
0x67: {  	[tilespmem:v21+s24+$0x0] =	vst.idx.msk $0xffff, v62  }
0x68: {  	[tilespmem:v8+s24+$0x0] =	vst.idx.msk $0xffff, v63;
	v8 =	vadd.s32 v3, v18  }
0x69: {  	v10 =	vadd.f32 v20, v6;
	_ =	sdelay $0x1  }
0x6a: {  	s18 =	sshll.u32 s16, $0x3;
	s20 =	simm.s32 $0x2;
	v9 =	vadd.f32 v9, v7;
	[tilespmem:v11+s24+$0x0] =	vst.idx.msk $0xffff, v10  }
.LBB2_3:
0x6b: {  	p0 =	sne.s32 s20, $0x7E  }
0x6c: {  	[tilespmem:v8+s24+$0x0] =	vst.idx.msk $0xffff, v9;
	s19 =	sadd.s32 $0x80, s19;
	s11 =	smov.u32 s20;
	s20 =	sadd.s32 $0x2, s20  }
0x6d: {  	v9 =	vld [tilespmem:s19+$0x30]  }
0x6e: {  	v10 =	vmov s11;
	v8 =	vld [tilespmem:s19+$0xFFFFFFC0]  }
0x6f: {  	v10 =	vand.u32 $0x7E, v10;
	v11 =	vld [tilespmem:s19+$0xFFFFFFD0]  }
0x70: {  	v13 =	vadd.s32 v0, v10;
	v12 =	vld [tilespmem:s19+$0xFFFFFFE0]  }
0x71: {  	s11 =	sadd.s32 $0x1, s11;
	v15 =	vadd.s32 v1, v10;
	v14 =	vld [tilespmem:s19+$0xFFFFFFF0]  }
0x72: {  	v18 =	vmov s11;
	v17 =	vadd.s32 v2, v10;
	v16 =	vld [tilespmem:s19+$0x0]  }
0x73: {  	v10 =	vadd.s32 v3, v10;
	v18 =	vand.u32 $0x7F, v18;
	v8 =	vadd.f32 v8, v4;
	v19 =	vld [tilespmem:s19+$0x10]  }
0x74: {  	v21 =	vadd.s32 v0, v18;
	v11 =	vadd.f32 v11, v5;
	v20 =	vld [tilespmem:s19+$0x20]  }
0x75: {  	v12 =	vadd.f32 v12, v6;
	[tilespmem:v13+s24+$0x0] =	vst.idx.msk $0xffff, v8;
	v13 =	vadd.s32 v1, v18  }
0x76: {  	v14 =	vadd.f32 v14, v7;
	[tilespmem:v15+s24+$0x0] =	vst.idx.msk $0xffff, v11;
	v11 =	vadd.s32 v2, v18  }
.Ltmp2:
0x77: {  	v8 =	vadd.s32 v3, v18;
	v15 =	vadd.f32 v16, v4;
	[tilespmem:v17+s24+$0x0] =	vst.idx.msk $0xffff, v12;
	(pc) =	sbr.rel @p0 .LBB2_3-.Ltmp2, $4  }
0x78: {  	v12 =	vadd.f32 v19, v5;
	[tilespmem:v10+s24+$0x0] =	vst.idx.msk $0xffff, v14  }
0x79: {  	v10 =	vadd.f32 v20, v6;
	[tilespmem:v21+s24+$0x0] =	vst.idx.msk $0xffff, v15  }
0x7a: {  	v9 =	vadd.f32 v9, v7;
	[tilespmem:v13+s24+$0x0] =	vst.idx.msk $0xffff, v12  }
0x7b: {  	[tilespmem:v11+s24+$0x0] =	vst.idx.msk $0xffff, v10  }
0x7c: {  	_ = 	snop  }
0x7d: {  	s11 =	sshll.u32 s16, $0x15  }
0x7e: {  	s11 =	sor.u32 s14, s11  }
0x7f: {  	s19 =	sshrl.u32 s11, $0x3  }
0x80: {  	[tilespmem:v8+s24+$0x0] =	vst.idx.msk $0xffff, v9;
	s12 =	simm.s32 $0xB600;
	s21 =	sadd.s32 s2, s19  }
0x81: {  	[hbm4b:s21+s3] =	stream.linear.scatter [tilespmem:s12], [sflag:$0xD], $0x80, $0x38;
	[tilespmem:$0x13E00] =	vst v63  }
0x82: {  	s20 =	simm.s32 $0xB688;
	s12 =	sadd.s32 $0x10, s21  }
0x83: {  	[hbm4b:s12+s3] =	stream.linear.scatter [tilespmem:s20], [sflag:$0xD], $0x80, $0x38;
	[tilespmem:$0x13E00] =	vst v63  }
0x84: {  	s22 =	simm.s32 $0xB710;
	s26 =	simm.s32 $0xB798;
	s25 =	sadd.s32 $0x20, s21  }
0x85: {  	[hbm4b:s25+s3] =	stream.linear.scatter [tilespmem:s22], [sflag:$0xD], $0x80, $0x38;
	[tilespmem:$0x13E00] =	vst v63  }
0x86: {  	s28 =	sadd.s32 $0x30, s21;
	s11 =	sadd.s32 $0x70, s21;
	s12 =	simm.s32 $0xB820  }
0x87: {  	[hbm4b:s28+s3] =	stream.linear.scatter [tilespmem:s26], [sflag:$0xD], $0x80, $0x38;
	[tilespmem:$0x13E00] =	vst v63  }
0x88: {  	s20 =	sadd.s32 $0x40, s21;
	s22 =	simm.s32 $0xB8A8;
	s25 =	sadd.s32 $0x50, s21  }
0x89: {  	[hbm4b:s20+s3] =	stream.linear.scatter [tilespmem:s12], [sflag:$0xD], $0x80, $0x38;
	[tilespmem:$0x13E00] =	vst v63  }
0x8a: {  	s26 =	simm.s32 $0xB930;
	s28 =	sadd.s32 $0x60, s21;
	s21 =	sadd.s32 $0x1000, s21  }
0x8b: {  	[hbm4b:s25+s3] =	stream.linear.scatter [tilespmem:s22], [sflag:$0xD], $0x80, $0x38;
	[tilespmem:$0x13E00] =	vst v63  }
0x8c: {  	s20 =	simm.s32 $0x440;
	s12 =	simm.s32 $0x2200;
	s22 =	simm.s32 $0xB9B8  }
0x8d: {  	[hbm4b:s28+s3] =	stream.linear.scatter [tilespmem:s26], [sflag:$0xD], $0x80, $0x38;
	[tilespmem:$0x13E00] =	vst v63  }
.LBB2_5:
0x8e: {  	[hbm4b:s11+s3] =	stream.linear.scatter [tilespmem:s22], [sflag:$0xD], $0x80, $0x38;
	[tilespmem:$0x13E00] =	vst v63  }
0x8f: {  	s11 =	smov.u32 s20;
	s20 =	smov.u32 s12  }
0x90: {  	s25 =	sadd.s32 $0x1100, s12;
	s20 =	sshra.s32 s20, $0x2;
	s22 =	sadd.s32 $0xB600, s11  }
0x91: {  	[hbm4b:s21+s3] =	stream.linear.scatter [tilespmem:s22], [sflag:$0xD], $0x80, $0x38;
	[tilespmem:$0x13E00] =	vst v63  }
0x92: {  	p0 =	sne.s32 s12, $0x7700;
	s12 =	sadd.s32 $0xB688, s11;
	s22 =	sadd.s32 $0x10, s21  }
0x93: {  	[hbm4b:s22+s3] =	stream.linear.scatter [tilespmem:s12], [sflag:$0xD], $0x80, $0x38;
	[tilespmem:$0x13E00] =	vst v63  }
0x94: {  	s12 =	sadd.s32 $0xB710, s11;
	s22 =	sadd.s32 $0x20, s21  }
0x95: {  	[hbm4b:s22+s3] =	stream.linear.scatter [tilespmem:s12], [sflag:$0xD], $0x80, $0x38;
	[tilespmem:$0x13E00] =	vst v63  }
0x96: {  	s12 =	sadd.s32 $0xB798, s11;
	s22 =	sadd.s32 $0x30, s21  }
0x97: {  	[hbm4b:s22+s3] =	stream.linear.scatter [tilespmem:s12], [sflag:$0xD], $0x80, $0x38;
	[tilespmem:$0x13E00] =	vst v63  }
0x98: {  	s12 =	sadd.s32 $0xB820, s11;
	s22 =	sadd.s32 $0x40, s21  }
0x99: {  	[hbm4b:s22+s3] =	stream.linear.scatter [tilespmem:s12], [sflag:$0xD], $0x80, $0x38;
	[tilespmem:$0x13E00] =	vst v63  }
0x9a: {  	s12 =	sadd.s32 $0xB8A8, s11;
	s22 =	sadd.s32 $0x50, s21  }
0x9b: {  	[hbm4b:s22+s3] =	stream.linear.scatter [tilespmem:s12], [sflag:$0xD], $0x80, $0x38;
	[tilespmem:$0x13E00] =	vst v63  }
.Ltmp3:
0x9c: {  	_ = 	snop;
	(pc) =	sbr.rel @p0 .LBB2_5-.Ltmp3, $4  }
0x9d: {  	s12 =	sadd.s32 $0xB930, s11;
	s22 =	sadd.s32 $0x60, s21  }
0x9e: {  	[hbm4b:s22+s3] =	stream.linear.scatter [tilespmem:s12], [sflag:$0xD], $0x80, $0x38;
	[tilespmem:$0x13E00] =	vst v63  }
0x9f: {  	s22 =	sadd.s32 $0xB9B8, s11  }
0xa0: {  	s11 =	sadd.s32 $0x70, s21;
	s21 =	sadd.s32 $0x1000, s21;
	s12 =	smov.u32 s25  }
0xa1: {  	[hbm4b:s11+s3] =	stream.linear.scatter [tilespmem:s22], [sflag:$0xD], $0x80, $0x38;
	[tilespmem:$0x13E00] =	vst v63  }
0xa2: {  	s22 =	sadd.s32 $0xB600, s20  }
0xa3: {  	[hbm4b:s21+s3] =	stream.linear.scatter [tilespmem:s22], [sflag:$0xD], $0x80, $0x38;
	[tilespmem:$0x13E00] =	vst v63  }
0xa4: {  	s25 =	sadd.s32 $0xB688, s20;
	s12 =	sadd.s32 $0x10, s21  }
0xa5: {  	[hbm4b:s12+s3] =	stream.linear.scatter [tilespmem:s25], [sflag:$0xD], $0x80, $0x38;
	[tilespmem:$0x13E00] =	vst v63  }
0xa6: {  	s26 =	sadd.s32 $0xB710, s20;
	s28 =	sadd.s32 $0x20, s21  }
0xa7: {  	[hbm4b:s28+s3] =	stream.linear.scatter [tilespmem:s26], [sflag:$0xD], $0x80, $0x38;
	[tilespmem:$0x13E00] =	vst v63  }
0xa8: {  	s22 =	sadd.s32 $0xB798, s20;
	s25 =	sadd.s32 $0x30, s21  }
0xa9: {  	[hbm4b:s25+s3] =	stream.linear.scatter [tilespmem:s22], [sflag:$0xD], $0x80, $0x38;
	[tilespmem:$0x13E00] =	vst v63  }
0xaa: {  	s26 =	sadd.s32 $0xB820, s20;
	s28 =	sadd.s32 $0x40, s21  }
0xab: {  	[hbm4b:s28+s3] =	stream.linear.scatter [tilespmem:s26], [sflag:$0xD], $0x80, $0x38;
	[tilespmem:$0x13E00] =	vst v63  }
0xac: {  	s22 =	sadd.s32 $0xB8A8, s20;
	s25 =	sadd.s32 $0x50, s21  }
0xad: {  	[hbm4b:s25+s3] =	stream.linear.scatter [tilespmem:s22], [sflag:$0xD], $0x80, $0x38;
	[tilespmem:$0x13E00] =	vst v63  }
0xae: {  	s26 =	sadd.s32 $0xB930, s20;
	s28 =	sadd.s32 $0x60, s21  }
0xaf: {  	[hbm4b:s28+s3] =	stream.linear.scatter [tilespmem:s26], [sflag:$0xD], $0x80, $0x38;
	[tilespmem:$0x13E00] =	vst v63  }
0xb0: {  	p0 =	sne.s32 s16, $0x18;
	s20 =	sadd.s32 $0xB9B8, s20;
	s22 =	sadd.s32 $0x70, s21  }
0xb1: {  	[hbm4b:s22+s3] =	stream.linear.scatter [tilespmem:s20], [sflag:$0xD], $0x80, $0x38;
	[tilespmem:$0x13E00] =	vst v63  }
.Ltmp4:
0xb2: {  	s25 =	simm.s32 $0x5;
	(pc) =	sbr.rel @p0 .LBB2_8-.Ltmp4, $4  }
0xb3: {  	_ =	swait.ge [sflag:s25], $0x80  }
0xb4: {  	[sflag:s25] =	ssyncset.done $0x0  }
0xb5: {  	s26 =	simm.s32 $0x3400;
	s28 =	simm.s32 $0x3600;
	[sflag:s25] =	ssyncadd.s32 $0xFFFFFF80  }
0xb6: {  	[tilespmem:s28], [sflag:$0x9] =	stream.indirect.gather [hbm4b:s4+s5], $0x40, s26, s5, $0xb8;
	[tilespmem:$0x13E00] =	vst v63  }
.Ltmp5:
0xb7: {  	(pc) =	sbr.rel .LBB2_9-.Ltmp5, $4  }
0xb8: {  	_ = 	snop  }
0xb9: {  	_ =	swait.ge [sflag:s29], $0x2000  }
0xba: {  	[sflag:s29] =	ssyncset.done $0x0  }
0xbb: {  	[sflag:s29] =	ssyncadd.s32 $0xFFFFE000  }
.LBB2_8:
0xbc: {  	s11 =	sshll.u32 s16, $0xC;
	s12 =	rddreg [dreg:$0xc]  }
.Ltmp6:
0xbd: {  	s28 =	simm.s32 $0x3200;
	s11 =	sadd.s32 s11, s12;
	(pc) =	sbr.rel @p1 .LBB2_10-.Ltmp6, $4  }
0xbe: {  	[tilespmem:s28], [sflag:$0x1] =	stream.linear.gather [hbm4b:s11+s3], $0x80, $0x38;
	[tilespmem:$0x13E00] =	vst v63  }
0xbf: {  	_ =	swait.ge [sflag:s29], $0x2000  }
0xc0: {  	[sflag:s29] =	ssyncset.done $0x0  }
0xc1: {  	[sflag:s29] =	ssyncadd.s32 $0xFFFFE000  }
.LBB2_9:
0xc2: {  	_ =	swait.ge [sflag:s7], $0x2000  }
0xc3: {  	[sflag:s7] =	ssyncset.done $0x0  }
0xc4: {  	[sflag:s7] =	ssyncadd.s32 $0xFFFFE000  }
.LBB2_10:
0xc5: {  	v4 =	vld [tilespmem:s17+$0x40]  }
0xc6: {  	v5 =	vld [tilespmem:s17+$0x50]  }
0xc7: {  	v6 =	vld [tilespmem:s17+$0x60]  }
0xc8: {  	v7 =	vld [tilespmem:s17+$0x70];
	s17 =	simm.s32 $0x5640;
	s11 =	simm.s32 $0x0  }
0xc9: {  	v8 =	vld [tilespmem:s17+$0xFFFFFFC0];
	v10 =	vmov s11  }
0xca: {  	v11 =	vld [tilespmem:s17+$0xFFFFFFD0];
	v10 =	vand.u32 $0x7E, v10  }
0xcb: {  	v12 =	vld [tilespmem:s17+$0xFFFFFFE0];
	v13 =	vadd.s32 v0, v10  }
0xcc: {  	s28 =	simm.s32 $0x1;
	v14 =	vld [tilespmem:s17+$0xFFFFFFF0];
	v15 =	vadd.s32 v1, v10  }
0xcd: {  	v16 =	vld [tilespmem:s17+$0x0];
	v18 =	vmov s28;
	v17 =	vadd.s32 v2, v10  }
0xce: {  	v19 =	vld [tilespmem:s17+$0x10];
	v18 =	vand.u32 $0x7F, v18;
	v10 =	vadd.s32 v3, v10;
	v8 =	vadd.f32 v8, v4  }
0xcf: {  	v9 =	vld [tilespmem:s17+$0x30];
	v21 =	vadd.s32 v0, v18;
	v11 =	vadd.f32 v11, v5  }
0xd0: {  	v20 =	vld [tilespmem:s17+$0x20];
	v12 =	vadd.f32 v12, v6;
	[tilespmem:v13+s9+$0x0] =	vst.idx.msk $0xffff, v8;
	v8 =	vadd.s32 v1, v18  }
0xd1: {  	v61 =	vadd.f32 v14, v7;
	[tilespmem:v15+s9+$0x0] =	vst.idx.msk $0xffff, v11  }
0xd2: {  	v62 =	vadd.f32 v16, v4;
	[tilespmem:v17+s9+$0x0] =	vst.idx.msk $0xffff, v12  }
0xd3: {  	v63 =	vadd.f32 v19, v5;
	v11 =	vadd.s32 v2, v18;
	[tilespmem:v10+s9+$0x0] =	vst.idx.msk $0xffff, v61  }
0xd4: {  	[tilespmem:v21+s9+$0x0] =	vst.idx.msk $0xffff, v62  }
0xd5: {  	[tilespmem:v8+s9+$0x0] =	vst.idx.msk $0xffff, v63;
	v8 =	vadd.s32 v3, v18  }
0xd6: {  	v10 =	vadd.f32 v20, v6;
	_ =	sdelay $0x1  }
0xd7: {  	s21 =	sor.u32 $0x4, s18;
	s20 =	simm.s32 $0x2;
	v9 =	vadd.f32 v9, v7;
	[tilespmem:v11+s9+$0x0] =	vst.idx.msk $0xffff, v10  }
.LBB2_11:
0xd8: {  	p0 =	sne.s32 s20, $0x7E  }
0xd9: {  	[tilespmem:v8+s9+$0x0] =	vst.idx.msk $0xffff, v9;
	s17 =	sadd.s32 $0x80, s17;
	s11 =	smov.u32 s20;
	s20 =	sadd.s32 $0x2, s20  }
0xda: {  	v9 =	vld [tilespmem:s17+$0x30]  }
0xdb: {  	v10 =	vmov s11;
	v8 =	vld [tilespmem:s17+$0xFFFFFFC0]  }
0xdc: {  	v10 =	vand.u32 $0x7E, v10;
	v11 =	vld [tilespmem:s17+$0xFFFFFFD0]  }
0xdd: {  	v13 =	vadd.s32 v0, v10;
	v12 =	vld [tilespmem:s17+$0xFFFFFFE0]  }
0xde: {  	s11 =	sadd.s32 $0x1, s11;
	v15 =	vadd.s32 v1, v10;
	v14 =	vld [tilespmem:s17+$0xFFFFFFF0]  }
0xdf: {  	v18 =	vmov s11;
	v17 =	vadd.s32 v2, v10;
	v16 =	vld [tilespmem:s17+$0x0]  }
0xe0: {  	v10 =	vadd.s32 v3, v10;
	v18 =	vand.u32 $0x7F, v18;
	v8 =	vadd.f32 v8, v4;
	v19 =	vld [tilespmem:s17+$0x10]  }
0xe1: {  	v21 =	vadd.s32 v0, v18;
	v11 =	vadd.f32 v11, v5;
	v20 =	vld [tilespmem:s17+$0x20]  }
0xe2: {  	v12 =	vadd.f32 v12, v6;
	[tilespmem:v13+s9+$0x0] =	vst.idx.msk $0xffff, v8;
	v13 =	vadd.s32 v1, v18  }
0xe3: {  	v14 =	vadd.f32 v14, v7;
	[tilespmem:v15+s9+$0x0] =	vst.idx.msk $0xffff, v11;
	v11 =	vadd.s32 v2, v18  }
.Ltmp7:
0xe4: {  	v8 =	vadd.s32 v3, v18;
	v15 =	vadd.f32 v16, v4;
	[tilespmem:v17+s9+$0x0] =	vst.idx.msk $0xffff, v12;
	(pc) =	sbr.rel @p0 .LBB2_11-.Ltmp7, $4  }
0xe5: {  	v12 =	vadd.f32 v19, v5;
	[tilespmem:v10+s9+$0x0] =	vst.idx.msk $0xffff, v14  }
0xe6: {  	v10 =	vadd.f32 v20, v6;
	[tilespmem:v21+s9+$0x0] =	vst.idx.msk $0xffff, v15  }
0xe7: {  	v9 =	vadd.f32 v9, v7;
	[tilespmem:v13+s9+$0x0] =	vst.idx.msk $0xffff, v12  }
0xe8: {  	[tilespmem:v11+s9+$0x0] =	vst.idx.msk $0xffff, v10  }
0xe9: {  	_ =	sdelay $0x2  }
0xea: {  	s11 =	rddreg [dreg:$0xd]  }
0xeb: {  	[tilespmem:v8+s9+$0x0] =	vst.idx.msk $0xffff, v9;
	s17 =	simm.s32 $0xD800;
	s19 =	sadd.s32 s19, s11  }
0xec: {  	[hbm4b:s19+s3] =	stream.linear.scatter [tilespmem:s17], [sflag:$0xE], $0x80, $0x38;
	[tilespmem:$0x13E00] =	vst v63  }
0xed: {  	s20 =	simm.s32 $0xD888;
	s12 =	sadd.s32 $0x10, s19  }
0xee: {  	[hbm4b:s12+s3] =	stream.linear.scatter [tilespmem:s20], [sflag:$0xE], $0x80, $0x38;
	[tilespmem:$0x13E00] =	vst v63  }
0xef: {  	s22 =	simm.s32 $0xD910;
	s26 =	simm.s32 $0xD998;
	s25 =	sadd.s32 $0x20, s19  }
0xf0: {  	[hbm4b:s25+s3] =	stream.linear.scatter [tilespmem:s22], [sflag:$0xE], $0x80, $0x38;
	[tilespmem:$0x13E00] =	vst v63  }
0xf1: {  	s28 =	sadd.s32 $0x30, s19;
	s17 =	simm.s32 $0xDA20;
	s11 =	sadd.s32 $0x70, s19  }
0xf2: {  	[hbm4b:s28+s3] =	stream.linear.scatter [tilespmem:s26], [sflag:$0xE], $0x80, $0x38;
	[tilespmem:$0x13E00] =	vst v63  }
0xf3: {  	s20 =	sadd.s32 $0x40, s19;
	s12 =	simm.s32 $0x2200;
	s22 =	simm.s32 $0xDAA8  }
0xf4: {  	[hbm4b:s20+s3] =	stream.linear.scatter [tilespmem:s17], [sflag:$0xE], $0x80, $0x38;
	[tilespmem:$0x13E00] =	vst v63  }
0xf5: {  	s25 =	sadd.s32 $0x50, s19;
	s26 =	simm.s32 $0xDB30;
	s28 =	sadd.s32 $0x60, s19  }
0xf6: {  	[hbm4b:s25+s3] =	stream.linear.scatter [tilespmem:s22], [sflag:$0xE], $0x80, $0x38;
	[tilespmem:$0x13E00] =	vst v63  }
0xf7: {  	s19 =	sadd.s32 $0x1000, s19;
	s17 =	simm.s32 $0x440;
	s20 =	simm.s32 $0xDBB8  }
0xf8: {  	[hbm4b:s28+s3] =	stream.linear.scatter [tilespmem:s26], [sflag:$0xE], $0x80, $0x38;
	[tilespmem:$0x13E00] =	vst v63  }
.LBB2_13:
0xf9: {  	[hbm4b:s11+s3] =	stream.linear.scatter [tilespmem:s20], [sflag:$0xE], $0x80, $0x38;
	[tilespmem:$0x13E00] =	vst v63  }
0xfa: {  	s11 =	smov.u32 s17;
	s17 =	smov.u32 s12  }
0xfb: {  	s22 =	sadd.s32 $0x1100, s12;
	s17 =	sshra.s32 s17, $0x2;
	s20 =	sadd.s32 $0xD800, s11  }
0xfc: {  	[hbm4b:s19+s3] =	stream.linear.scatter [tilespmem:s20], [sflag:$0xE], $0x80, $0x38;
	[tilespmem:$0x13E00] =	vst v63  }
0xfd: {  	p0 =	sne.s32 s12, $0x7700;
	s12 =	sadd.s32 $0xD888, s11;
	s20 =	sadd.s32 $0x10, s19  }
0xfe: {  	[hbm4b:s20+s3] =	stream.linear.scatter [tilespmem:s12], [sflag:$0xE], $0x80, $0x38;
	[tilespmem:$0x13E00] =	vst v63  }
0xff: {  	s12 =	sadd.s32 $0xD910, s11;
	s20 =	sadd.s32 $0x20, s19  }
0x100: {  	[hbm4b:s20+s3] =	stream.linear.scatter [tilespmem:s12], [sflag:$0xE], $0x80, $0x38;
	[tilespmem:$0x13E00] =	vst v63  }
0x101: {  	s12 =	sadd.s32 $0xD998, s11;
	s20 =	sadd.s32 $0x30, s19  }
0x102: {  	[hbm4b:s20+s3] =	stream.linear.scatter [tilespmem:s12], [sflag:$0xE], $0x80, $0x38;
	[tilespmem:$0x13E00] =	vst v63  }
0x103: {  	s12 =	sadd.s32 $0xDA20, s11;
	s20 =	sadd.s32 $0x40, s19  }
0x104: {  	[hbm4b:s20+s3] =	stream.linear.scatter [tilespmem:s12], [sflag:$0xE], $0x80, $0x38;
	[tilespmem:$0x13E00] =	vst v63  }
0x105: {  	s12 =	sadd.s32 $0xDAA8, s11;
	s20 =	sadd.s32 $0x50, s19  }
0x106: {  	[hbm4b:s20+s3] =	stream.linear.scatter [tilespmem:s12], [sflag:$0xE], $0x80, $0x38;
	[tilespmem:$0x13E00] =	vst v63  }
.Ltmp8:
0x107: {  	_ = 	snop;
	(pc) =	sbr.rel @p0 .LBB2_13-.Ltmp8, $4  }
0x108: {  	s12 =	sadd.s32 $0xDB30, s11;
	s20 =	sadd.s32 $0x60, s19  }
0x109: {  	[hbm4b:s20+s3] =	stream.linear.scatter [tilespmem:s12], [sflag:$0xE], $0x80, $0x38;
	[tilespmem:$0x13E00] =	vst v63  }
0x10a: {  	s20 =	sadd.s32 $0xDBB8, s11  }
0x10b: {  	s11 =	sadd.s32 $0x70, s19;
	s19 =	sadd.s32 $0x1000, s19;
	s12 =	smov.u32 s22  }
0x10c: {  	[hbm4b:s11+s3] =	stream.linear.scatter [tilespmem:s20], [sflag:$0xE], $0x80, $0x38;
	[tilespmem:$0x13E00] =	vst v63  }
0x10d: {  	s25 =	sadd.s32 $0xD800, s17  }
0x10e: {  	[hbm4b:s19+s3] =	stream.linear.scatter [tilespmem:s25], [sflag:$0xE], $0x80, $0x38;
	[tilespmem:$0x13E00] =	vst v63  }
0x10f: {  	s26 =	sadd.s32 $0xD888, s17;
	s12 =	sadd.s32 $0x10, s19  }
0x110: {  	[hbm4b:s12+s3] =	stream.linear.scatter [tilespmem:s26], [sflag:$0xE], $0x80, $0x38;
	[tilespmem:$0x13E00] =	vst v63  }
0x111: {  	s20 =	sadd.s32 $0xD910, s17;
	s22 =	sadd.s32 $0x20, s19  }
0x112: {  	[hbm4b:s22+s3] =	stream.linear.scatter [tilespmem:s20], [sflag:$0xE], $0x80, $0x38;
	[tilespmem:$0x13E00] =	vst v63  }
0x113: {  	s25 =	sadd.s32 $0xD998, s17;
	s26 =	sadd.s32 $0x30, s19  }
0x114: {  	[hbm4b:s26+s3] =	stream.linear.scatter [tilespmem:s25], [sflag:$0xE], $0x80, $0x38;
	[tilespmem:$0x13E00] =	vst v63  }
0x115: {  	s20 =	sadd.s32 $0xDA20, s17;
	s22 =	sadd.s32 $0x40, s19  }
0x116: {  	[hbm4b:s22+s3] =	stream.linear.scatter [tilespmem:s20], [sflag:$0xE], $0x80, $0x38;
	[tilespmem:$0x13E00] =	vst v63  }
0x117: {  	s25 =	sadd.s32 $0xDAA8, s17;
	s26 =	sadd.s32 $0x50, s19  }
0x118: {  	[hbm4b:s26+s3] =	stream.linear.scatter [tilespmem:s25], [sflag:$0xE], $0x80, $0x38;
	[tilespmem:$0x13E00] =	vst v63  }
0x119: {  	s20 =	sadd.s32 $0xDB30, s17;
	s22 =	sadd.s32 $0x60, s19  }
0x11a: {  	[hbm4b:s22+s3] =	stream.linear.scatter [tilespmem:s20], [sflag:$0xE], $0x80, $0x38;
	[tilespmem:$0x13E00] =	vst v63  }
0x11b: {  	s12 =	simm.s32 $0x6;
	s25 =	sadd.s32 $0xDBB8, s17;
	s26 =	sadd.s32 $0x70, s19  }
0x11c: {  	[hbm4b:s26+s3] =	stream.linear.scatter [tilespmem:s25], [sflag:$0xE], $0x80, $0x38;
	[tilespmem:$0x13E00] =	vst v63  }
0x11d: {  	_ =	swait.ge [sflag:s12], $0x80  }
0x11e: {  	p0 =	seq.s32 s16, $0x18;
	[sflag:s12] =	ssyncset.done $0x0  }
0x11f: {  	s17 =	simm.s32 $0x3480;
	s19 =	simm.s32 $0x5600;
	[sflag:s12] =	ssyncadd.s32 $0xFFFFFF80  }
0x120: {  	[tilespmem:s19], [sflag:$0xA] =	stream.indirect.gather [hbm4b:s4+s5], $0x40, s17, s5, $0xb8;
	[tilespmem:$0x13E00] =	vst v63  }
0x121: {  	s11 =	rddreg [dreg:$0xe];
	s17 =	sshll.u32 @!p0 s16, $0xC  }
0x122: {  	s12 =	simm.s32 @!p0 $0x0;
	s19 =	simm.s32 @!p0 $0x3280;
	s11 =	sadd.s32 @!p0 s17, s11  }
0x123: {  	[tilespmem:s19], [sflag:$0x2] =	stream.linear.gather @!p0 [hbm4b:s11+s12], $0x80, $0x38;
	[tilespmem:$0x13E00] =	vst v63  }
0x124: {  	_ =	swait.ge [sflag:s15], $0x2000  }
0x125: {  	[sflag:s15] =	ssyncset.done $0x0  }
0x126: {  	s11 =	simm.s32 @!p1 $0xF;
	[sflag:s15] =	ssyncadd.s32 $0xFFFFE000  }
0x127: {  	s19 =	sor.u32 $0x2, s18;
	_ =	swait.ge @!p1 [sflag:s11], $0x2000  }
0x128: {  	s20 =	sshll.u32 s19, $0x6;
	[sflag:s11] =	ssyncset.done @!p1 $0x0  }
0x129: {  	s22 =	sand.u32 $0x3FFFFFC0, s20;
	[sflag:s11] =	ssyncadd.s32 @!p1 $0xFFFFE000  }
0x12a: {  	v4 =	vld [tilespmem:s22+$0x0]  }
0x12b: {  	v5 =	vld [tilespmem:s22+$0x10]  }
0x12c: {  	v6 =	vld [tilespmem:s22+$0x20]  }
0x12d: {  	s25 =	simm.s32 $0x0;
	v7 =	vld [tilespmem:s22+$0x30];
	s22 =	simm.s32 $0x7640  }
0x12e: {  	v10 =	vmov s25;
	v8 =	vld [tilespmem:s22+$0xFFFFFFC0]  }
0x12f: {  	v10 =	vand.u32 $0x7E, v10;
	v11 =	vld [tilespmem:s22+$0xFFFFFFD0]  }
0x130: {  	v13 =	vadd.s32 v0, v10;
	v12 =	vld [tilespmem:s22+$0xFFFFFFE0]  }
0x131: {  	s26 =	simm.s32 $0x1;
	v15 =	vadd.s32 v1, v10;
	v14 =	vld [tilespmem:s22+$0xFFFFFFF0]  }
0x132: {  	v18 =	vmov s26;
	v17 =	vadd.s32 v2, v10;
	v16 =	vld [tilespmem:s22+$0x0]  }
0x133: {  	v18 =	vand.u32 $0x7F, v18;
	v10 =	vadd.s32 v3, v10;
	v19 =	vld [tilespmem:s22+$0x10];
	v8 =	vadd.f32 v8, v4  }
0x134: {  	v21 =	vadd.s32 v0, v18;
	v9 =	vld [tilespmem:s22+$0x30];
	v11 =	vadd.f32 v11, v5  }
0x135: {  	v20 =	vld [tilespmem:s22+$0x20];
	v12 =	vadd.f32 v12, v6;
	[tilespmem:v13+s30+$0x0] =	vst.idx.msk $0xffff, v8;
	v8 =	vadd.s32 v1, v18  }
0x136: {  	v61 =	vadd.f32 v14, v7;
	[tilespmem:v15+s30+$0x0] =	vst.idx.msk $0xffff, v11  }
0x137: {  	v62 =	vadd.f32 v16, v4;
	[tilespmem:v17+s30+$0x0] =	vst.idx.msk $0xffff, v12  }
0x138: {  	v63 =	vadd.f32 v19, v5;
	v11 =	vadd.s32 v2, v18;
	[tilespmem:v10+s30+$0x0] =	vst.idx.msk $0xffff, v61  }
0x139: {  	[tilespmem:v21+s30+$0x0] =	vst.idx.msk $0xffff, v62  }
0x13a: {  	[tilespmem:v8+s30+$0x0] =	vst.idx.msk $0xffff, v63;
	v8 =	vadd.s32 v3, v18  }
0x13b: {  	v10 =	vadd.f32 v20, v6;
	_ =	sdelay $0x1  }
0x13c: {  	s28 =	simm.s32 $0x2;
	s20 =	sor.u32 $0x5, s18;
	v9 =	vadd.f32 v9, v7;
	[tilespmem:v11+s30+$0x0] =	vst.idx.msk $0xffff, v10  }
.LBB2_15:
0x13d: {  	p2 =	sne.s32 s28, $0x7E  }
0x13e: {  	[tilespmem:v8+s30+$0x0] =	vst.idx.msk $0xffff, v9;
	s22 =	sadd.s32 $0x80, s22;
	s11 =	smov.u32 s28;
	s28 =	sadd.s32 $0x2, s28  }
0x13f: {  	v9 =	vld [tilespmem:s22+$0x30]  }
0x140: {  	v10 =	vmov s11;
	v8 =	vld [tilespmem:s22+$0xFFFFFFC0]  }
0x141: {  	v10 =	vand.u32 $0x7E, v10;
	v11 =	vld [tilespmem:s22+$0xFFFFFFD0]  }
0x142: {  	v13 =	vadd.s32 v0, v10;
	v12 =	vld [tilespmem:s22+$0xFFFFFFE0]  }
0x143: {  	s11 =	sadd.s32 $0x1, s11;
	v15 =	vadd.s32 v1, v10;
	v14 =	vld [tilespmem:s22+$0xFFFFFFF0]  }
0x144: {  	v18 =	vmov s11;
	v17 =	vadd.s32 v2, v10;
	v16 =	vld [tilespmem:s22+$0x0]  }
0x145: {  	v10 =	vadd.s32 v3, v10;
	v18 =	vand.u32 $0x7F, v18;
	v8 =	vadd.f32 v8, v4;
	v19 =	vld [tilespmem:s22+$0x10]  }
0x146: {  	v21 =	vadd.s32 v0, v18;
	v11 =	vadd.f32 v11, v5;
	v20 =	vld [tilespmem:s22+$0x20]  }
0x147: {  	v12 =	vadd.f32 v12, v6;
	[tilespmem:v13+s30+$0x0] =	vst.idx.msk $0xffff, v8;
	v13 =	vadd.s32 v1, v18  }
0x148: {  	v14 =	vadd.f32 v14, v7;
	[tilespmem:v15+s30+$0x0] =	vst.idx.msk $0xffff, v11;
	v11 =	vadd.s32 v2, v18  }
.Ltmp9:
0x149: {  	v8 =	vadd.s32 v3, v18;
	v15 =	vadd.f32 v16, v4;
	[tilespmem:v17+s30+$0x0] =	vst.idx.msk $0xffff, v12;
	(pc) =	sbr.rel @p2 .LBB2_15-.Ltmp9, $4  }
0x14a: {  	v12 =	vadd.f32 v19, v5;
	[tilespmem:v10+s30+$0x0] =	vst.idx.msk $0xffff, v14  }
0x14b: {  	v10 =	vadd.f32 v20, v6;
	[tilespmem:v21+s30+$0x0] =	vst.idx.msk $0xffff, v15  }
0x14c: {  	v9 =	vadd.f32 v9, v7;
	[tilespmem:v13+s30+$0x0] =	vst.idx.msk $0xffff, v12  }
0x14d: {  	[tilespmem:v11+s30+$0x0] =	vst.idx.msk $0xffff, v10  }
0x14e: {  	_ = 	snop  }
0x14f: {  	s11 =	sshll.u32 s19, $0x12  }
0x150: {  	s11 =	sor.u32 s14, s11  }
0x151: {  	s11 =	sshrl.u32 s11, $0x3  }
0x152: {  	[tilespmem:v8+s30+$0x0] =	vst.idx.msk $0xffff, v9;
	s12 =	simm.s32 $0xFA00;
	s22 =	sadd.s32 s2, s11  }
0x153: {  	[hbm4b:s22+s3] =	stream.linear.scatter [tilespmem:s12], [sflag:$0xF], $0x80, $0x38;
	[tilespmem:$0x13E00] =	vst v63  }
0x154: {  	s19 =	simm.s32 $0xFA88;
	s12 =	sadd.s32 $0x10, s22  }
0x155: {  	[hbm4b:s12+s3] =	stream.linear.scatter [tilespmem:s19], [sflag:$0xF], $0x80, $0x38;
	[tilespmem:$0x13E00] =	vst v63  }
0x156: {  	s25 =	simm.s32 $0xFB10;
	s28 =	simm.s32 $0xFDB8;
	s26 =	sadd.s32 $0x20, s22  }
0x157: {  	[hbm4b:s26+s3] =	stream.linear.scatter [tilespmem:s25], [sflag:$0xF], $0x80, $0x38;
	[tilespmem:$0x13E00] =	vst v63  }
0x158: {  	s11 =	sadd.s32 $0x70, s22;
	s12 =	simm.s32 $0xFB98;
	s19 =	sadd.s32 $0x30, s22  }
0x159: {  	[hbm4b:s19+s3] =	stream.linear.scatter [tilespmem:s12], [sflag:$0xF], $0x80, $0x38;
	[tilespmem:$0x13E00] =	vst v63  }
0x15a: {  	s25 =	simm.s32 $0xFC20;
	s26 =	sadd.s32 $0x40, s22;
	s12 =	simm.s32 $0xFCA8  }
0x15b: {  	[hbm4b:s26+s3] =	stream.linear.scatter [tilespmem:s25], [sflag:$0xF], $0x80, $0x38;
	[tilespmem:$0x13E00] =	vst v63  }
0x15c: {  	s19 =	sadd.s32 $0x50, s22;
	s25 =	simm.s32 $0xFD30;
	s26 =	sadd.s32 $0x60, s22  }
0x15d: {  	[hbm4b:s19+s3] =	stream.linear.scatter [tilespmem:s12], [sflag:$0xF], $0x80, $0x38;
	[tilespmem:$0x13E00] =	vst v63  }
0x15e: {  	s22 =	sadd.s32 $0x1000, s22;
	s19 =	simm.s32 $0x440;
	s12 =	simm.s32 $0x2200  }
0x15f: {  	[hbm4b:s26+s3] =	stream.linear.scatter [tilespmem:s25], [sflag:$0xF], $0x80, $0x38;
	[tilespmem:$0x13E00] =	vst v63  }
.LBB2_17:
0x160: {  	[hbm4b:s11+s3] =	stream.linear.scatter [tilespmem:s28], [sflag:$0xF], $0x80, $0x38;
	[tilespmem:$0x13E00] =	vst v63  }
0x161: {  	s11 =	smov.u32 s19;
	s19 =	smov.u32 s12  }
0x162: {  	s25 =	sadd.s32 $0x1100, s12;
	s19 =	sshra.s32 s19, $0x2;
	s28 =	sadd.s32 $0xFA00, s11  }
0x163: {  	[hbm4b:s22+s3] =	stream.linear.scatter [tilespmem:s28], [sflag:$0xF], $0x80, $0x38;
	[tilespmem:$0x13E00] =	vst v63  }
0x164: {  	p2 =	sne.s32 s12, $0x7700;
	s12 =	sadd.s32 $0xFA88, s11;
	s28 =	sadd.s32 $0x10, s22  }
0x165: {  	[hbm4b:s28+s3] =	stream.linear.scatter [tilespmem:s12], [sflag:$0xF], $0x80, $0x38;
	[tilespmem:$0x13E00] =	vst v63  }
0x166: {  	s12 =	sadd.s32 $0xFB10, s11;
	s28 =	sadd.s32 $0x20, s22  }
0x167: {  	[hbm4b:s28+s3] =	stream.linear.scatter [tilespmem:s12], [sflag:$0xF], $0x80, $0x38;
	[tilespmem:$0x13E00] =	vst v63  }
0x168: {  	s12 =	sadd.s32 $0xFB98, s11;
	s28 =	sadd.s32 $0x30, s22  }
0x169: {  	[hbm4b:s28+s3] =	stream.linear.scatter [tilespmem:s12], [sflag:$0xF], $0x80, $0x38;
	[tilespmem:$0x13E00] =	vst v63  }
0x16a: {  	s12 =	sadd.s32 $0xFC20, s11;
	s28 =	sadd.s32 $0x40, s22  }
0x16b: {  	[hbm4b:s28+s3] =	stream.linear.scatter [tilespmem:s12], [sflag:$0xF], $0x80, $0x38;
	[tilespmem:$0x13E00] =	vst v63  }
0x16c: {  	s12 =	sadd.s32 $0xFCA8, s11;
	s28 =	sadd.s32 $0x50, s22  }
0x16d: {  	[hbm4b:s28+s3] =	stream.linear.scatter [tilespmem:s12], [sflag:$0xF], $0x80, $0x38;
	[tilespmem:$0x13E00] =	vst v63  }
.Ltmp10:
0x16e: {  	_ = 	snop;
	(pc) =	sbr.rel @p2 .LBB2_17-.Ltmp10, $4  }
0x16f: {  	s12 =	sadd.s32 $0xFD30, s11;
	s28 =	sadd.s32 $0x60, s22  }
0x170: {  	[hbm4b:s28+s3] =	stream.linear.scatter [tilespmem:s12], [sflag:$0xF], $0x80, $0x38;
	[tilespmem:$0x13E00] =	vst v63  }
0x171: {  	s28 =	sadd.s32 $0xFDB8, s11  }
0x172: {  	s11 =	sadd.s32 $0x70, s22;
	s22 =	sadd.s32 $0x1000, s22;
	s12 =	smov.u32 s25  }
0x173: {  	[hbm4b:s11+s3] =	stream.linear.scatter [tilespmem:s28], [sflag:$0xF], $0x80, $0x38;
	[tilespmem:$0x13E00] =	vst v63  }
0x174: {  	s25 =	sadd.s32 $0xFA00, s19  }
0x175: {  	[hbm4b:s22+s3] =	stream.linear.scatter [tilespmem:s25], [sflag:$0xF], $0x80, $0x38;
	[tilespmem:$0x13E00] =	vst v63  }
0x176: {  	s26 =	sadd.s32 $0xFA88, s19;
	s12 =	sadd.s32 $0x10, s22  }
0x177: {  	[hbm4b:s12+s3] =	stream.linear.scatter [tilespmem:s26], [sflag:$0xF], $0x80, $0x38;
	[tilespmem:$0x13E00] =	vst v63  }
0x178: {  	s25 =	sadd.s32 $0xFB10, s19;
	s26 =	sadd.s32 $0x20, s22  }
0x179: {  	[hbm4b:s26+s3] =	stream.linear.scatter [tilespmem:s25], [sflag:$0xF], $0x80, $0x38;
	[tilespmem:$0x13E00] =	vst v63  }
0x17a: {  	s25 =	sadd.s32 $0xFB98, s19;
	s26 =	sadd.s32 $0x30, s22  }
0x17b: {  	[hbm4b:s26+s3] =	stream.linear.scatter [tilespmem:s25], [sflag:$0xF], $0x80, $0x38;
	[tilespmem:$0x13E00] =	vst v63  }
0x17c: {  	s25 =	sadd.s32 $0xFC20, s19;
	s26 =	sadd.s32 $0x40, s22  }
0x17d: {  	[hbm4b:s26+s3] =	stream.linear.scatter [tilespmem:s25], [sflag:$0xF], $0x80, $0x38;
	[tilespmem:$0x13E00] =	vst v63  }
0x17e: {  	s25 =	sadd.s32 $0xFCA8, s19;
	s26 =	sadd.s32 $0x50, s22  }
0x17f: {  	[hbm4b:s26+s3] =	stream.linear.scatter [tilespmem:s25], [sflag:$0xF], $0x80, $0x38;
	[tilespmem:$0x13E00] =	vst v63  }
0x180: {  	s25 =	sadd.s32 $0xFD30, s19;
	s26 =	sadd.s32 $0x60, s22  }
0x181: {  	[hbm4b:s26+s3] =	stream.linear.scatter [tilespmem:s25], [sflag:$0xF], $0x80, $0x38;
	[tilespmem:$0x13E00] =	vst v63  }
0x182: {  	s12 =	sadd.s32 $0xFDB8, s19;
	s19 =	sadd.s32 $0x70, s22  }
0x183: {  	[hbm4b:s19+s3] =	stream.linear.scatter [tilespmem:s12], [sflag:$0xF], $0x80, $0x38;
	[tilespmem:$0x13E00] =	vst v63  }
0x184: {  	_ =	swait.ge [sflag:s31], $0x80  }
0x185: {  	s22 =	simm.s32 $0x3500;
	[sflag:s31] =	ssyncset.done $0x0  }
0x186: {  	s25 =	simm.s32 $0x7600;
	s11 =	rddreg [dreg:$0xf];
	[sflag:s31] =	ssyncadd.s32 $0xFFFFFF80  }
0x187: {  	[tilespmem:s25], [sflag:$0xB] =	stream.indirect.gather [hbm4b:s4+s5], $0x40, s22, s5, $0xb8;
	[tilespmem:$0x13E00] =	vst v63  }
0x188: {  	s12 =	simm.s32 @!p0 $0x0;
	s19 =	simm.s32 @!p0 $0x3300;
	s11 =	sadd.s32 @!p0 s17, s11  }
0x189: {  	[tilespmem:s19], [sflag:$0x3] =	stream.linear.gather @!p0 [hbm4b:s11+s12], $0x80, $0x38;
	[tilespmem:$0x13E00] =	vst v63  }
0x18a: {  	_ =	swait.ge [sflag:s1], $0x2000  }
0x18b: {  	[sflag:s1] =	ssyncset.done $0x0  }
0x18c: {  	s11 =	simm.s32 @!p1 $0x10;
	[sflag:s1] =	ssyncadd.s32 $0xFFFFE000  }
0x18d: {  	s22 =	sor.u32 $0x3, s18;
	_ =	swait.ge @!p1 [sflag:s11], $0x2000  }
0x18e: {  	s26 =	sshll.u32 s22, $0x6;
	[sflag:s11] =	ssyncset.done @!p1 $0x0  }
0x18f: {  	s19 =	sand.u32 $0x3E80, s26;
	[sflag:s11] =	ssyncadd.s32 @!p1 $0xFFFFE000  }
0x190: {  	v4 =	vld [tilespmem:s19+$0x40]  }
0x191: {  	v5 =	vld [tilespmem:s19+$0x50]  }
0x192: {  	v6 =	vld [tilespmem:s19+$0x60]  }
0x193: {  	s28 =	simm.s32 $0x9640;
	s25 =	simm.s32 $0x0;
	v7 =	vld [tilespmem:s19+$0x70]  }
0x194: {  	v10 =	vmov s25;
	v8 =	vld [tilespmem:s28+$0xFFFFFFC0]  }
0x195: {  	v10 =	vand.u32 $0x7E, v10;
	v11 =	vld [tilespmem:s28+$0xFFFFFFD0]  }
0x196: {  	v13 =	vadd.s32 v0, v10;
	v12 =	vld [tilespmem:s28+$0xFFFFFFE0]  }
0x197: {  	s26 =	simm.s32 $0x1;
	v15 =	vadd.s32 v1, v10;
	v14 =	vld [tilespmem:s28+$0xFFFFFFF0]  }
0x198: {  	v17 =	vadd.s32 v2, v10;
	v18 =	vmov s26;
	v16 =	vld [tilespmem:s28+$0x0]  }
0x199: {  	v10 =	vadd.s32 v3, v10;
	v18 =	vand.u32 $0x7F, v18;
	v19 =	vld [tilespmem:s28+$0x10];
	v8 =	vadd.f32 v8, v4  }
0x19a: {  	v21 =	vadd.s32 v0, v18;
	v9 =	vld [tilespmem:s28+$0x30];
	v11 =	vadd.f32 v11, v5  }
0x19b: {  	v20 =	vld [tilespmem:s28+$0x20];
	v12 =	vadd.f32 v12, v6;
	[tilespmem:v13+s0+$0x0] =	vst.idx.msk $0xffff, v8;
	v8 =	vadd.s32 v1, v18  }
0x19c: {  	v61 =	vadd.f32 v14, v7;
	[tilespmem:v15+s0+$0x0] =	vst.idx.msk $0xffff, v11  }
0x19d: {  	v62 =	vadd.f32 v16, v4;
	[tilespmem:v17+s0+$0x0] =	vst.idx.msk $0xffff, v12  }
0x19e: {  	v63 =	vadd.f32 v19, v5;
	v11 =	vadd.s32 v2, v18;
	[tilespmem:v10+s0+$0x0] =	vst.idx.msk $0xffff, v61  }
0x19f: {  	[tilespmem:v21+s0+$0x0] =	vst.idx.msk $0xffff, v62  }
0x1a0: {  	[tilespmem:v8+s0+$0x0] =	vst.idx.msk $0xffff, v63;
	v8 =	vadd.s32 v3, v18  }
0x1a1: {  	v10 =	vadd.f32 v20, v6;
	_ =	sdelay $0x1  }
0x1a2: {  	s12 =	simm.s32 $0x2;
	s19 =	sor.u32 $0x6, s18;
	v9 =	vadd.f32 v9, v7;
	[tilespmem:v11+s0+$0x0] =	vst.idx.msk $0xffff, v10  }
.LBB2_19:
0x1a3: {  	p1 =	sne.s32 s12, $0x7E  }
0x1a4: {  	[tilespmem:v8+s0+$0x0] =	vst.idx.msk $0xffff, v9;
	s28 =	sadd.s32 $0x80, s28;
	s11 =	smov.u32 s12;
	s12 =	sadd.s32 $0x2, s12  }
0x1a5: {  	v9 =	vld [tilespmem:s28+$0x30]  }
0x1a6: {  	v10 =	vmov s11;
	v8 =	vld [tilespmem:s28+$0xFFFFFFC0]  }
0x1a7: {  	v10 =	vand.u32 $0x7E, v10;
	v11 =	vld [tilespmem:s28+$0xFFFFFFD0]  }
0x1a8: {  	v13 =	vadd.s32 v0, v10;
	v12 =	vld [tilespmem:s28+$0xFFFFFFE0]  }
0x1a9: {  	s11 =	sadd.s32 $0x1, s11;
	v15 =	vadd.s32 v1, v10;
	v14 =	vld [tilespmem:s28+$0xFFFFFFF0]  }
0x1aa: {  	v18 =	vmov s11;
	v17 =	vadd.s32 v2, v10;
	v16 =	vld [tilespmem:s28+$0x0]  }
0x1ab: {  	v10 =	vadd.s32 v3, v10;
	v18 =	vand.u32 $0x7F, v18;
	v8 =	vadd.f32 v8, v4;
	v19 =	vld [tilespmem:s28+$0x10]  }
0x1ac: {  	v21 =	vadd.s32 v0, v18;
	v11 =	vadd.f32 v11, v5;
	v20 =	vld [tilespmem:s28+$0x20]  }
0x1ad: {  	v12 =	vadd.f32 v12, v6;
	[tilespmem:v13+s0+$0x0] =	vst.idx.msk $0xffff, v8;
	v13 =	vadd.s32 v1, v18  }
0x1ae: {  	v14 =	vadd.f32 v14, v7;
	[tilespmem:v15+s0+$0x0] =	vst.idx.msk $0xffff, v11;
	v11 =	vadd.s32 v2, v18  }
.Ltmp11:
0x1af: {  	v8 =	vadd.s32 v3, v18;
	v15 =	vadd.f32 v16, v4;
	[tilespmem:v17+s0+$0x0] =	vst.idx.msk $0xffff, v12;
	(pc) =	sbr.rel @p1 .LBB2_19-.Ltmp11, $4  }
0x1b0: {  	v12 =	vadd.f32 v19, v5;
	[tilespmem:v10+s0+$0x0] =	vst.idx.msk $0xffff, v14  }
0x1b1: {  	v10 =	vadd.f32 v20, v6;
	[tilespmem:v21+s0+$0x0] =	vst.idx.msk $0xffff, v15  }
0x1b2: {  	v9 =	vadd.f32 v9, v7;
	[tilespmem:v13+s0+$0x0] =	vst.idx.msk $0xffff, v12  }
0x1b3: {  	[tilespmem:v11+s0+$0x0] =	vst.idx.msk $0xffff, v10  }
0x1b4: {  	_ = 	snop  }
0x1b5: {  	s11 =	sshll.u32 s22, $0x12  }
0x1b6: {  	s11 =	sor.u32 s14, s11  }
0x1b7: {  	s11 =	sshrl.u32 s11, $0x3  }
0x1b8: {  	[tilespmem:v8+s0+$0x0] =	vst.idx.msk $0xffff, v9;
	s12 =	simm.s32 $0x11C00;
	s28 =	sadd.s32 s2, s11  }
0x1b9: {  	[hbm4b:s28+s3] =	stream.linear.scatter [tilespmem:s12], [sflag:$0x10], $0x80, $0x38;
	[tilespmem:$0x13E00] =	vst v63  }
0x1ba: {  	s22 =	simm.s32 $0x11C88;
	s12 =	sadd.s32 $0x10, s28  }
0x1bb: {  	[hbm4b:s12+s3] =	stream.linear.scatter [tilespmem:s22], [sflag:$0x10], $0x80, $0x38;
	[tilespmem:$0x13E00] =	vst v63  }
0x1bc: {  	s25 =	simm.s32 $0x11D10;
	s26 =	sadd.s32 $0x20, s28  }
0x1bd: {  	[hbm4b:s26+s3] =	stream.linear.scatter [tilespmem:s25], [sflag:$0x10], $0x80, $0x38;
	[tilespmem:$0x13E00] =	vst v63  }
0x1be: {  	s12 =	simm.s32 $0x11D98;
	s22 =	sadd.s32 $0x30, s28  }
0x1bf: {  	[hbm4b:s22+s3] =	stream.linear.scatter [tilespmem:s12], [sflag:$0x10], $0x80, $0x38;
	[tilespmem:$0x13E00] =	vst v63  }
0x1c0: {  	s25 =	simm.s32 $0x11E20;
	s26 =	sadd.s32 $0x40, s28  }
0x1c1: {  	[hbm4b:s26+s3] =	stream.linear.scatter [tilespmem:s25], [sflag:$0x10], $0x80, $0x38;
	[tilespmem:$0x13E00] =	vst v63  }
0x1c2: {  	s11 =	simm.s32 $0x11FB8;
	s12 =	simm.s32 $0x11EA8;
	s22 =	sadd.s32 $0x50, s28  }
0x1c3: {  	[hbm4b:s22+s3] =	stream.linear.scatter [tilespmem:s12], [sflag:$0x10], $0x80, $0x38;
	[tilespmem:$0x13E00] =	vst v63  }
0x1c4: {  	s25 =	simm.s32 $0x11F30;
	s26 =	sadd.s32 $0x60, s28;
	s22 =	simm.s32 $0x440  }
0x1c5: {  	[hbm4b:s26+s3] =	stream.linear.scatter [tilespmem:s25], [sflag:$0x10], $0x80, $0x38;
	[tilespmem:$0x13E00] =	vst v63  }
0x1c6: {  	s12 =	simm.s32 $0x2200;
	s25 =	sadd.s32 $0x70, s28;
	s28 =	sadd.s32 $0x1000, s28  }
.LBB2_21:
0x1c7: {  	[hbm4b:s25+s3] =	stream.linear.scatter [tilespmem:s11], [sflag:$0x10], $0x80, $0x38;
	[tilespmem:$0x13E00] =	vst v63  }
0x1c8: {  	s11 =	smov.u32 s22;
	s22 =	smov.u32 s12  }
0x1c9: {  	s26 =	sadd.s32 $0x1100, s12;
	s22 =	sshra.s32 s22, $0x2;
	s25 =	sadd.s32 $0x11C00, s11  }
0x1ca: {  	[hbm4b:s28+s3] =	stream.linear.scatter [tilespmem:s25], [sflag:$0x10], $0x80, $0x38;
	[tilespmem:$0x13E00] =	vst v63  }
0x1cb: {  	p1 =	sne.s32 s12, $0x7700;
	s12 =	sadd.s32 $0x11C88, s11;
	s25 =	sadd.s32 $0x10, s28  }
0x1cc: {  	[hbm4b:s25+s3] =	stream.linear.scatter [tilespmem:s12], [sflag:$0x10], $0x80, $0x38;
	[tilespmem:$0x13E00] =	vst v63  }
0x1cd: {  	s12 =	sadd.s32 $0x11D10, s11;
	s25 =	sadd.s32 $0x20, s28  }
0x1ce: {  	[hbm4b:s25+s3] =	stream.linear.scatter [tilespmem:s12], [sflag:$0x10], $0x80, $0x38;
	[tilespmem:$0x13E00] =	vst v63  }
0x1cf: {  	s12 =	sadd.s32 $0x11D98, s11;
	s25 =	sadd.s32 $0x30, s28  }
0x1d0: {  	[hbm4b:s25+s3] =	stream.linear.scatter [tilespmem:s12], [sflag:$0x10], $0x80, $0x38;
	[tilespmem:$0x13E00] =	vst v63  }
0x1d1: {  	s12 =	sadd.s32 $0x11E20, s11;
	s25 =	sadd.s32 $0x40, s28  }
0x1d2: {  	[hbm4b:s25+s3] =	stream.linear.scatter [tilespmem:s12], [sflag:$0x10], $0x80, $0x38;
	[tilespmem:$0x13E00] =	vst v63  }
.Ltmp12:
0x1d3: {  	s12 =	sadd.s32 $0x11EA8, s11;
	s25 =	sadd.s32 $0x50, s28;
	(pc) =	sbr.rel @p1 .LBB2_21-.Ltmp12, $4  }
0x1d4: {  	[hbm4b:s25+s3] =	stream.linear.scatter [tilespmem:s12], [sflag:$0x10], $0x80, $0x38;
	[tilespmem:$0x13E00] =	vst v63  }
0x1d5: {  	s12 =	sadd.s32 $0x11F30, s11;
	s25 =	sadd.s32 $0x60, s28;
	s11 =	sadd.s32 $0x11FB8, s11  }
0x1d6: {  	[hbm4b:s25+s3] =	stream.linear.scatter [tilespmem:s12], [sflag:$0x10], $0x80, $0x38;
	[tilespmem:$0x13E00] =	vst v63  }
0x1d7: {  	s25 =	sadd.s32 $0x70, s28;
	s28 =	sadd.s32 $0x1000, s28;
	s12 =	smov.u32 s26  }
0x1d8: {  	[hbm4b:s25+s3] =	stream.linear.scatter [tilespmem:s11], [sflag:$0x10], $0x80, $0x38;
	[tilespmem:$0x13E00] =	vst v63  }
0x1d9: {  	s25 =	sadd.s32 $0x11C00, s22  }
0x1da: {  	[hbm4b:s28+s3] =	stream.linear.scatter [tilespmem:s25], [sflag:$0x10], $0x80, $0x38;
	[tilespmem:$0x13E00] =	vst v63  }
0x1db: {  	s26 =	sadd.s32 $0x11C88, s22;
	s12 =	sadd.s32 $0x10, s28  }
0x1dc: {  	[hbm4b:s12+s3] =	stream.linear.scatter [tilespmem:s26], [sflag:$0x10], $0x80, $0x38;
	[tilespmem:$0x13E00] =	vst v63  }
0x1dd: {  	s25 =	sadd.s32 $0x11D10, s22;
	s26 =	sadd.s32 $0x20, s28  }
0x1de: {  	[hbm4b:s26+s3] =	stream.linear.scatter [tilespmem:s25], [sflag:$0x10], $0x80, $0x38;
	[tilespmem:$0x13E00] =	vst v63  }
0x1df: {  	s25 =	sadd.s32 $0x11D98, s22;
	s26 =	sadd.s32 $0x30, s28  }
0x1e0: {  	[hbm4b:s26+s3] =	stream.linear.scatter [tilespmem:s25], [sflag:$0x10], $0x80, $0x38;
	[tilespmem:$0x13E00] =	vst v63  }
0x1e1: {  	s25 =	sadd.s32 $0x11E20, s22;
	s26 =	sadd.s32 $0x40, s28  }
0x1e2: {  	[hbm4b:s26+s3] =	stream.linear.scatter [tilespmem:s25], [sflag:$0x10], $0x80, $0x38;
	[tilespmem:$0x13E00] =	vst v63  }
0x1e3: {  	s25 =	sadd.s32 $0x11EA8, s22;
	s26 =	sadd.s32 $0x50, s28  }
0x1e4: {  	[hbm4b:s26+s3] =	stream.linear.scatter [tilespmem:s25], [sflag:$0x10], $0x80, $0x38;
	[tilespmem:$0x13E00] =	vst v63  }
0x1e5: {  	s25 =	sadd.s32 $0x11F30, s22;
	s26 =	sadd.s32 $0x60, s28  }
0x1e6: {  	[hbm4b:s26+s3] =	stream.linear.scatter [tilespmem:s25], [sflag:$0x10], $0x80, $0x38;
	[tilespmem:$0x13E00] =	vst v63  }
0x1e7: {  	s25 =	sadd.s32 $0x11FB8, s22;
	s26 =	sadd.s32 $0x70, s28  }
0x1e8: {  	[hbm4b:s26+s3] =	stream.linear.scatter [tilespmem:s25], [sflag:$0x10], $0x80, $0x38;
	[tilespmem:$0x13E00] =	vst v63  }
0x1e9: {  	_ =	swait.ge [sflag:s6], $0x80  }
0x1ea: {  	s12 =	simm.s32 $0x9600;
	[sflag:s6] =	ssyncset.done $0x0  }
0x1eb: {  	s28 =	simm.s32 $0x3580;
	s11 =	rddreg [dreg:$0x10];
	[sflag:s6] =	ssyncadd.s32 $0xFFFFFF80  }
0x1ec: {  	[tilespmem:s12], [sflag:$0xC] =	stream.indirect.gather [hbm4b:s4+s5], $0x40, s28, s5, $0xb8;
	[tilespmem:$0x13E00] =	vst v63  }
0x1ed: {  	s22 =	simm.s32 @!p0 $0x3380;
	s11 =	sadd.s32 @!p0 s17, s11;
	s12 =	simm.s32 @!p0 $0x0  }
0x1ee: {  	[tilespmem:s22], [sflag:$0x4] =	stream.linear.gather @!p0 [hbm4b:s11+s12], $0x80, $0x38;
	[tilespmem:$0x13E00] =	vst v63  }
0x1ef: {  	_ =	swait.ge [sflag:s13], $0x2000  }
0x1f0: {  	[sflag:s13] =	ssyncset.done $0x0  }
0x1f1: {  	[sflag:s13] =	ssyncadd.s32 $0xFFFFE000  }
0x1f2: {  	_ =	swait.ge [sflag:s8], $0x2000  }
0x1f3: {  	s22 =	sshll.u32 s21, $0x6;
	[sflag:s8] =	ssyncset.done $0x0  }
0x1f4: {  	s11 =	sand.u32 $0x3FFFFFC0, s22;
	[sflag:s8] =	ssyncadd.s32 $0xFFFFE000  }
0x1f5: {  	v4 =	vld [tilespmem:s11+$0x0]  }
0x1f6: {  	v5 =	vld [tilespmem:s11+$0x10]  }
0x1f7: {  	v6 =	vld [tilespmem:s11+$0x20]  }
0x1f8: {  	s25 =	simm.s32 $0x0;
	s22 =	simm.s32 $0x3640;
	v7 =	vld [tilespmem:s11+$0x30]  }
0x1f9: {  	v10 =	vmov s25;
	v8 =	vld [tilespmem:s22+$0xFFFFFFC0]  }
0x1fa: {  	v10 =	vand.u32 $0x7E, v10;
	v11 =	vld [tilespmem:s22+$0xFFFFFFD0]  }
0x1fb: {  	v13 =	vadd.s32 v0, v10;
	v12 =	vld [tilespmem:s22+$0xFFFFFFE0]  }
0x1fc: {  	s26 =	simm.s32 $0x1;
	v15 =	vadd.s32 v1, v10;
	v14 =	vld [tilespmem:s22+$0xFFFFFFF0]  }
0x1fd: {  	v18 =	vmov s26;
	v17 =	vadd.s32 v2, v10;
	v16 =	vld [tilespmem:s22+$0x0]  }
0x1fe: {  	v18 =	vand.u32 $0x7F, v18;
	v10 =	vadd.s32 v3, v10;
	v19 =	vld [tilespmem:s22+$0x10];
	v8 =	vadd.f32 v8, v4  }
0x1ff: {  	v21 =	vadd.s32 v0, v18;
	v9 =	vld [tilespmem:s22+$0x30];
	v11 =	vadd.f32 v11, v5  }
0x200: {  	v20 =	vld [tilespmem:s22+$0x20];
	v12 =	vadd.f32 v12, v6;
	[tilespmem:v13+s24+$0x0] =	vst.idx.msk $0xffff, v8;
	v8 =	vadd.s32 v1, v18  }
0x201: {  	v61 =	vadd.f32 v14, v7;
	[tilespmem:v15+s24+$0x0] =	vst.idx.msk $0xffff, v11  }
0x202: {  	v62 =	vadd.f32 v16, v4;
	[tilespmem:v17+s24+$0x0] =	vst.idx.msk $0xffff, v12  }
0x203: {  	v63 =	vadd.f32 v19, v5;
	v11 =	vadd.s32 v2, v18;
	[tilespmem:v10+s24+$0x0] =	vst.idx.msk $0xffff, v61  }
0x204: {  	[tilespmem:v21+s24+$0x0] =	vst.idx.msk $0xffff, v62  }
0x205: {  	[tilespmem:v8+s24+$0x0] =	vst.idx.msk $0xffff, v63;
	v8 =	vadd.s32 v3, v18  }
0x206: {  	v10 =	vadd.f32 v20, v6;
	_ =	sdelay $0x1  }
0x207: {  	s18 =	sor.u32 $0x7, s18;
	s12 =	simm.s32 $0x2;
	v9 =	vadd.f32 v9, v7;
	[tilespmem:v11+s24+$0x0] =	vst.idx.msk $0xffff, v10  }
.LBB2_23:
0x208: {  	p1 =	sne.s32 s12, $0x7E  }
0x209: {  	[tilespmem:v8+s24+$0x0] =	vst.idx.msk $0xffff, v9;
	s22 =	sadd.s32 $0x80, s22;
	s11 =	smov.u32 s12;
	s12 =	sadd.s32 $0x2, s12  }
0x20a: {  	v9 =	vld [tilespmem:s22+$0x30]  }
0x20b: {  	v10 =	vmov s11;
	v8 =	vld [tilespmem:s22+$0xFFFFFFC0]  }
0x20c: {  	v10 =	vand.u32 $0x7E, v10;
	v11 =	vld [tilespmem:s22+$0xFFFFFFD0]  }
0x20d: {  	v13 =	vadd.s32 v0, v10;
	v12 =	vld [tilespmem:s22+$0xFFFFFFE0]  }
0x20e: {  	s11 =	sadd.s32 $0x1, s11;
	v15 =	vadd.s32 v1, v10;
	v14 =	vld [tilespmem:s22+$0xFFFFFFF0]  }
0x20f: {  	v18 =	vmov s11;
	v17 =	vadd.s32 v2, v10;
	v16 =	vld [tilespmem:s22+$0x0]  }
0x210: {  	v10 =	vadd.s32 v3, v10;
	v18 =	vand.u32 $0x7F, v18;
	v8 =	vadd.f32 v8, v4;
	v19 =	vld [tilespmem:s22+$0x10]  }
0x211: {  	v21 =	vadd.s32 v0, v18;
	v11 =	vadd.f32 v11, v5;
	v20 =	vld [tilespmem:s22+$0x20]  }
0x212: {  	v12 =	vadd.f32 v12, v6;
	[tilespmem:v13+s24+$0x0] =	vst.idx.msk $0xffff, v8;
	v13 =	vadd.s32 v1, v18  }
0x213: {  	v14 =	vadd.f32 v14, v7;
	[tilespmem:v15+s24+$0x0] =	vst.idx.msk $0xffff, v11;
	v11 =	vadd.s32 v2, v18  }
.Ltmp13:
0x214: {  	v8 =	vadd.s32 v3, v18;
	v15 =	vadd.f32 v16, v4;
	[tilespmem:v17+s24+$0x0] =	vst.idx.msk $0xffff, v12;
	(pc) =	sbr.rel @p1 .LBB2_23-.Ltmp13, $4  }
0x215: {  	v12 =	vadd.f32 v19, v5;
	[tilespmem:v10+s24+$0x0] =	vst.idx.msk $0xffff, v14  }
0x216: {  	v10 =	vadd.f32 v20, v6;
	[tilespmem:v21+s24+$0x0] =	vst.idx.msk $0xffff, v15  }
0x217: {  	v9 =	vadd.f32 v9, v7;
	[tilespmem:v13+s24+$0x0] =	vst.idx.msk $0xffff, v12  }
0x218: {  	[tilespmem:v11+s24+$0x0] =	vst.idx.msk $0xffff, v10  }
0x219: {  	_ = 	snop  }
0x21a: {  	s11 =	sshll.u32 s21, $0x12  }
0x21b: {  	s11 =	sor.u32 s14, s11  }
0x21c: {  	s11 =	sshrl.u32 s11, $0x3  }
0x21d: {  	[tilespmem:v8+s24+$0x0] =	vst.idx.msk $0xffff, v9;
	s12 =	simm.s32 $0xB600;
	s22 =	sadd.s32 s2, s11  }
0x21e: {  	[hbm4b:s22+s3] =	stream.linear.scatter [tilespmem:s12], [sflag:$0xD], $0x80, $0x38;
	[tilespmem:$0x13E00] =	vst v63  }
0x21f: {  	s21 =	simm.s32 $0xB688;
	s12 =	sadd.s32 $0x10, s22  }
0x220: {  	[hbm4b:s12+s3] =	stream.linear.scatter [tilespmem:s21], [sflag:$0xD], $0x80, $0x38;
	[tilespmem:$0x13E00] =	vst v63  }
0x221: {  	s25 =	simm.s32 $0xB710;
	s26 =	sadd.s32 $0x20, s22  }
0x222: {  	[hbm4b:s26+s3] =	stream.linear.scatter [tilespmem:s25], [sflag:$0xD], $0x80, $0x38;
	[tilespmem:$0x13E00] =	vst v63  }
0x223: {  	s12 =	simm.s32 $0xB798;
	s21 =	sadd.s32 $0x30, s22  }
0x224: {  	[hbm4b:s21+s3] =	stream.linear.scatter [tilespmem:s12], [sflag:$0xD], $0x80, $0x38;
	[tilespmem:$0x13E00] =	vst v63  }
0x225: {  	s25 =	simm.s32 $0xB820;
	s26 =	sadd.s32 $0x40, s22  }
0x226: {  	[hbm4b:s26+s3] =	stream.linear.scatter [tilespmem:s25], [sflag:$0xD], $0x80, $0x38;
	[tilespmem:$0x13E00] =	vst v63  }
0x227: {  	s11 =	simm.s32 $0xB9B8;
	s12 =	simm.s32 $0xB8A8;
	s21 =	sadd.s32 $0x50, s22  }
0x228: {  	[hbm4b:s21+s3] =	stream.linear.scatter [tilespmem:s12], [sflag:$0xD], $0x80, $0x38;
	[tilespmem:$0x13E00] =	vst v63  }
0x229: {  	s25 =	simm.s32 $0xB930;
	s26 =	sadd.s32 $0x60, s22;
	s21 =	simm.s32 $0x440  }
0x22a: {  	[hbm4b:s26+s3] =	stream.linear.scatter [tilespmem:s25], [sflag:$0xD], $0x80, $0x38;
	[tilespmem:$0x13E00] =	vst v63  }
0x22b: {  	s12 =	simm.s32 $0x2200;
	s25 =	sadd.s32 $0x70, s22;
	s22 =	sadd.s32 $0x1000, s22  }
.LBB2_25:
0x22c: {  	[hbm4b:s25+s3] =	stream.linear.scatter [tilespmem:s11], [sflag:$0xD], $0x80, $0x38;
	[tilespmem:$0x13E00] =	vst v63  }
0x22d: {  	s11 =	smov.u32 s21;
	s21 =	smov.u32 s12  }
0x22e: {  	s26 =	sadd.s32 $0x1100, s12;
	s21 =	sshra.s32 s21, $0x2;
	s25 =	sadd.s32 $0xB600, s11  }
0x22f: {  	[hbm4b:s22+s3] =	stream.linear.scatter [tilespmem:s25], [sflag:$0xD], $0x80, $0x38;
	[tilespmem:$0x13E00] =	vst v63  }
0x230: {  	p1 =	sne.s32 s12, $0x7700;
	s12 =	sadd.s32 $0xB688, s11;
	s25 =	sadd.s32 $0x10, s22  }
0x231: {  	[hbm4b:s25+s3] =	stream.linear.scatter [tilespmem:s12], [sflag:$0xD], $0x80, $0x38;
	[tilespmem:$0x13E00] =	vst v63  }
0x232: {  	s12 =	sadd.s32 $0xB710, s11;
	s25 =	sadd.s32 $0x20, s22  }
0x233: {  	[hbm4b:s25+s3] =	stream.linear.scatter [tilespmem:s12], [sflag:$0xD], $0x80, $0x38;
	[tilespmem:$0x13E00] =	vst v63  }
0x234: {  	s12 =	sadd.s32 $0xB798, s11;
	s25 =	sadd.s32 $0x30, s22  }
0x235: {  	[hbm4b:s25+s3] =	stream.linear.scatter [tilespmem:s12], [sflag:$0xD], $0x80, $0x38;
	[tilespmem:$0x13E00] =	vst v63  }
0x236: {  	s12 =	sadd.s32 $0xB820, s11;
	s25 =	sadd.s32 $0x40, s22  }
0x237: {  	[hbm4b:s25+s3] =	stream.linear.scatter [tilespmem:s12], [sflag:$0xD], $0x80, $0x38;
	[tilespmem:$0x13E00] =	vst v63  }
.Ltmp14:
0x238: {  	s12 =	sadd.s32 $0xB8A8, s11;
	s25 =	sadd.s32 $0x50, s22;
	(pc) =	sbr.rel @p1 .LBB2_25-.Ltmp14, $4  }
0x239: {  	[hbm4b:s25+s3] =	stream.linear.scatter [tilespmem:s12], [sflag:$0xD], $0x80, $0x38;
	[tilespmem:$0x13E00] =	vst v63  }
0x23a: {  	s12 =	sadd.s32 $0xB930, s11;
	s25 =	sadd.s32 $0x60, s22;
	s11 =	sadd.s32 $0xB9B8, s11  }
0x23b: {  	[hbm4b:s25+s3] =	stream.linear.scatter [tilespmem:s12], [sflag:$0xD], $0x80, $0x38;
	[tilespmem:$0x13E00] =	vst v63  }
0x23c: {  	s25 =	sadd.s32 $0x70, s22;
	s22 =	sadd.s32 $0x1000, s22;
	s12 =	smov.u32 s26  }
0x23d: {  	[hbm4b:s25+s3] =	stream.linear.scatter [tilespmem:s11], [sflag:$0xD], $0x80, $0x38;
	[tilespmem:$0x13E00] =	vst v63  }
0x23e: {  	s25 =	sadd.s32 $0xB600, s21  }
0x23f: {  	[hbm4b:s22+s3] =	stream.linear.scatter [tilespmem:s25], [sflag:$0xD], $0x80, $0x38;
	[tilespmem:$0x13E00] =	vst v63  }
0x240: {  	s26 =	sadd.s32 $0xB688, s21;
	s12 =	sadd.s32 $0x10, s22  }
0x241: {  	[hbm4b:s12+s3] =	stream.linear.scatter [tilespmem:s26], [sflag:$0xD], $0x80, $0x38;
	[tilespmem:$0x13E00] =	vst v63  }
0x242: {  	s25 =	sadd.s32 $0xB710, s21;
	s26 =	sadd.s32 $0x20, s22  }
0x243: {  	[hbm4b:s26+s3] =	stream.linear.scatter [tilespmem:s25], [sflag:$0xD], $0x80, $0x38;
	[tilespmem:$0x13E00] =	vst v63  }
0x244: {  	s25 =	sadd.s32 $0xB798, s21;
	s26 =	sadd.s32 $0x30, s22  }
0x245: {  	[hbm4b:s26+s3] =	stream.linear.scatter [tilespmem:s25], [sflag:$0xD], $0x80, $0x38;
	[tilespmem:$0x13E00] =	vst v63  }
0x246: {  	s25 =	sadd.s32 $0xB820, s21;
	s26 =	sadd.s32 $0x40, s22  }
0x247: {  	[hbm4b:s26+s3] =	stream.linear.scatter [tilespmem:s25], [sflag:$0xD], $0x80, $0x38;
	[tilespmem:$0x13E00] =	vst v63  }
0x248: {  	s25 =	sadd.s32 $0xB8A8, s21;
	s26 =	sadd.s32 $0x50, s22  }
0x249: {  	[hbm4b:s26+s3] =	stream.linear.scatter [tilespmem:s25], [sflag:$0xD], $0x80, $0x38;
	[tilespmem:$0x13E00] =	vst v63  }
0x24a: {  	s25 =	sadd.s32 $0xB930, s21;
	s26 =	sadd.s32 $0x60, s22  }
0x24b: {  	[hbm4b:s26+s3] =	stream.linear.scatter [tilespmem:s25], [sflag:$0xD], $0x80, $0x38;
	[tilespmem:$0x13E00] =	vst v63  }
0x24c: {  	s11 =	simm.s32 @!p0 $0x1;
	s12 =	sadd.s32 $0xB9B8, s21;
	s21 =	sadd.s32 $0x70, s22  }
0x24d: {  	[hbm4b:s21+s3] =	stream.linear.scatter [tilespmem:s12], [sflag:$0xD], $0x80, $0x38;
	[tilespmem:$0x13E00] =	vst v63  }
0x24e: {  	_ =	swait.ge @!p0 [sflag:s11], $0x80  }
0x24f: {  	s12 =	simm.s32 @!p0 $0x3200;
	[sflag:s11] =	ssyncset.done @!p0 $0x0  }
0x250: {  	s21 =	simm.s32 @!p0 $0x3600;
	[sflag:s11] =	ssyncadd.s32 @!p0 $0xFFFFFF80;
	s11 =	simm.s32 @!p0 $0x80  }
0x251: {  	[tilespmem:s21], [sflag:$0x9] =	stream.indirect.gather @!p0 [hbm4b:s4+s11], $0x40, s12, s11, $0xb8;
	[tilespmem:$0x13E00] =	vst v63  }
0x252: {  	s11 =	rddreg [dreg:$0x11]  }
0x253: {  	s12 =	simm.s32 @!p0 $0x0;
	s21 =	simm.s32 @!p0 $0x3400;
	s11 =	sadd.s32 @!p0 s17, s11  }
0x254: {  	[tilespmem:s21], [sflag:$0x5] =	stream.linear.gather @!p0 [hbm4b:s11+s12], $0x80, $0x38;
	[tilespmem:$0x13E00] =	vst v63  }
0x255: {  	_ =	swait.ge [sflag:s29], $0x2000  }
0x256: {  	[sflag:s29] =	ssyncset.done $0x0  }
0x257: {  	[sflag:s29] =	ssyncadd.s32 $0xFFFFE000  }
0x258: {  	_ =	swait.ge [sflag:s7], $0x2000  }
0x259: {  	s22 =	sshll.u32 s20, $0x6;
	[sflag:s7] =	ssyncset.done $0x0  }
0x25a: {  	s11 =	sand.u32 $0x3F00, s22;
	[sflag:s7] =	ssyncadd.s32 $0xFFFFE000  }
0x25b: {  	v4 =	vld [tilespmem:s11+$0x40]  }
0x25c: {  	v5 =	vld [tilespmem:s11+$0x50]  }
0x25d: {  	v6 =	vld [tilespmem:s11+$0x60]  }
0x25e: {  	s25 =	simm.s32 $0x0;
	s21 =	simm.s32 $0x5640;
	v7 =	vld [tilespmem:s11+$0x70]  }
0x25f: {  	v10 =	vmov s25;
	v8 =	vld [tilespmem:s21+$0xFFFFFFC0]  }
0x260: {  	v10 =	vand.u32 $0x7E, v10;
	v11 =	vld [tilespmem:s21+$0xFFFFFFD0]  }
0x261: {  	v13 =	vadd.s32 v0, v10;
	v12 =	vld [tilespmem:s21+$0xFFFFFFE0]  }
0x262: {  	s26 =	simm.s32 $0x1;
	v15 =	vadd.s32 v1, v10;
	v14 =	vld [tilespmem:s21+$0xFFFFFFF0]  }
0x263: {  	v18 =	vmov s26;
	v17 =	vadd.s32 v2, v10;
	v16 =	vld [tilespmem:s21+$0x0]  }
0x264: {  	v18 =	vand.u32 $0x7F, v18;
	v10 =	vadd.s32 v3, v10;
	v19 =	vld [tilespmem:s21+$0x10];
	v8 =	vadd.f32 v8, v4  }
0x265: {  	v21 =	vadd.s32 v0, v18;
	v9 =	vld [tilespmem:s21+$0x30];
	v11 =	vadd.f32 v11, v5  }
0x266: {  	v20 =	vld [tilespmem:s21+$0x20];
	v12 =	vadd.f32 v12, v6;
	[tilespmem:v13+s9+$0x0] =	vst.idx.msk $0xffff, v8;
	v8 =	vadd.s32 v1, v18  }
0x267: {  	v61 =	vadd.f32 v14, v7;
	[tilespmem:v15+s9+$0x0] =	vst.idx.msk $0xffff, v11  }
0x268: {  	v62 =	vadd.f32 v16, v4;
	[tilespmem:v17+s9+$0x0] =	vst.idx.msk $0xffff, v12  }
0x269: {  	v63 =	vadd.f32 v19, v5;
	v11 =	vadd.s32 v2, v18;
	[tilespmem:v10+s9+$0x0] =	vst.idx.msk $0xffff, v61  }
0x26a: {  	[tilespmem:v21+s9+$0x0] =	vst.idx.msk $0xffff, v62  }
0x26b: {  	[tilespmem:v8+s9+$0x0] =	vst.idx.msk $0xffff, v63;
	v8 =	vadd.s32 v3, v18  }
0x26c: {  	v10 =	vadd.f32 v20, v6;
	_ =	sdelay $0x1  }
0x26d: {  	s12 =	simm.s32 $0x2;
	v9 =	vadd.f32 v9, v7;
	[tilespmem:v11+s9+$0x0] =	vst.idx.msk $0xffff, v10  }
.LBB2_27:
0x26e: {  	p1 =	sne.s32 s12, $0x7E  }
0x26f: {  	[tilespmem:v8+s9+$0x0] =	vst.idx.msk $0xffff, v9;
	s21 =	sadd.s32 $0x80, s21;
	s11 =	smov.u32 s12;
	s12 =	sadd.s32 $0x2, s12  }
0x270: {  	v9 =	vld [tilespmem:s21+$0x30]  }
0x271: {  	v10 =	vmov s11;
	v8 =	vld [tilespmem:s21+$0xFFFFFFC0]  }
0x272: {  	v10 =	vand.u32 $0x7E, v10;
	v11 =	vld [tilespmem:s21+$0xFFFFFFD0]  }
0x273: {  	v13 =	vadd.s32 v0, v10;
	v12 =	vld [tilespmem:s21+$0xFFFFFFE0]  }
0x274: {  	s11 =	sadd.s32 $0x1, s11;
	v15 =	vadd.s32 v1, v10;
	v14 =	vld [tilespmem:s21+$0xFFFFFFF0]  }
0x275: {  	v18 =	vmov s11;
	v17 =	vadd.s32 v2, v10;
	v16 =	vld [tilespmem:s21+$0x0]  }
0x276: {  	v10 =	vadd.s32 v3, v10;
	v18 =	vand.u32 $0x7F, v18;
	v8 =	vadd.f32 v8, v4;
	v19 =	vld [tilespmem:s21+$0x10]  }
0x277: {  	v21 =	vadd.s32 v0, v18;
	v11 =	vadd.f32 v11, v5;
	v20 =	vld [tilespmem:s21+$0x20]  }
0x278: {  	v12 =	vadd.f32 v12, v6;
	[tilespmem:v13+s9+$0x0] =	vst.idx.msk $0xffff, v8;
	v13 =	vadd.s32 v1, v18  }
0x279: {  	v14 =	vadd.f32 v14, v7;
	[tilespmem:v15+s9+$0x0] =	vst.idx.msk $0xffff, v11;
	v11 =	vadd.s32 v2, v18  }
.Ltmp15:
0x27a: {  	v8 =	vadd.s32 v3, v18;
	v15 =	vadd.f32 v16, v4;
	[tilespmem:v17+s9+$0x0] =	vst.idx.msk $0xffff, v12;
	(pc) =	sbr.rel @p1 .LBB2_27-.Ltmp15, $4  }
0x27b: {  	v12 =	vadd.f32 v19, v5;
	[tilespmem:v10+s9+$0x0] =	vst.idx.msk $0xffff, v14  }
0x27c: {  	v10 =	vadd.f32 v20, v6;
	[tilespmem:v21+s9+$0x0] =	vst.idx.msk $0xffff, v15  }
0x27d: {  	v9 =	vadd.f32 v9, v7;
	[tilespmem:v13+s9+$0x0] =	vst.idx.msk $0xffff, v12  }
0x27e: {  	[tilespmem:v11+s9+$0x0] =	vst.idx.msk $0xffff, v10  }
0x27f: {  	_ = 	snop  }
0x280: {  	s11 =	sshll.u32 s20, $0x12  }
0x281: {  	s11 =	sor.u32 s14, s11  }
0x282: {  	s11 =	sshrl.u32 s11, $0x3  }
0x283: {  	[tilespmem:v8+s9+$0x0] =	vst.idx.msk $0xffff, v9;
	s20 =	simm.s32 $0xD800;
	s21 =	sadd.s32 s2, s11  }
0x284: {  	[hbm4b:s21+s3] =	stream.linear.scatter [tilespmem:s20], [sflag:$0xE], $0x80, $0x38;
	[tilespmem:$0x13E00] =	vst v63  }
0x285: {  	s22 =	simm.s32 $0xD888;
	s12 =	sadd.s32 $0x10, s21  }
0x286: {  	[hbm4b:s12+s3] =	stream.linear.scatter [tilespmem:s22], [sflag:$0xE], $0x80, $0x38;
	[tilespmem:$0x13E00] =	vst v63  }
0x287: {  	s25 =	simm.s32 $0xD910;
	s11 =	simm.s32 $0xDBB8;
	s26 =	sadd.s32 $0x20, s21  }
0x288: {  	[hbm4b:s26+s3] =	stream.linear.scatter [tilespmem:s25], [sflag:$0xE], $0x80, $0x38;
	[tilespmem:$0x13E00] =	vst v63  }
0x289: {  	s20 =	simm.s32 $0xD998;
	s22 =	sadd.s32 $0x30, s21;
	s12 =	simm.s32 $0x2200  }
0x28a: {  	[hbm4b:s22+s3] =	stream.linear.scatter [tilespmem:s20], [sflag:$0xE], $0x80, $0x38;
	[tilespmem:$0x13E00] =	vst v63  }
0x28b: {  	s25 =	simm.s32 $0xDA20;
	s26 =	sadd.s32 $0x40, s21;
	s20 =	simm.s32 $0xDAA8  }
0x28c: {  	[hbm4b:s26+s3] =	stream.linear.scatter [tilespmem:s25], [sflag:$0xE], $0x80, $0x38;
	[tilespmem:$0x13E00] =	vst v63  }
0x28d: {  	s22 =	sadd.s32 $0x50, s21;
	s25 =	simm.s32 $0xDB30;
	s26 =	sadd.s32 $0x60, s21  }
0x28e: {  	[hbm4b:s22+s3] =	stream.linear.scatter [tilespmem:s20], [sflag:$0xE], $0x80, $0x38;
	[tilespmem:$0x13E00] =	vst v63  }
0x28f: {  	s20 =	simm.s32 $0x440;
	s22 =	sadd.s32 $0x70, s21;
	s21 =	sadd.s32 $0x1000, s21  }
0x290: {  	[hbm4b:s26+s3] =	stream.linear.scatter [tilespmem:s25], [sflag:$0xE], $0x80, $0x38;
	[tilespmem:$0x13E00] =	vst v63  }
.LBB2_29:
0x291: {  	[hbm4b:s22+s3] =	stream.linear.scatter [tilespmem:s11], [sflag:$0xE], $0x80, $0x38;
	[tilespmem:$0x13E00] =	vst v63  }
0x292: {  	s11 =	smov.u32 s20;
	s20 =	smov.u32 s12  }
0x293: {  	s25 =	sadd.s32 $0x1100, s12;
	s20 =	sshra.s32 s20, $0x2;
	s22 =	sadd.s32 $0xD800, s11  }
0x294: {  	[hbm4b:s21+s3] =	stream.linear.scatter [tilespmem:s22], [sflag:$0xE], $0x80, $0x38;
	[tilespmem:$0x13E00] =	vst v63  }
0x295: {  	p1 =	sne.s32 s12, $0x7700;
	s12 =	sadd.s32 $0xD888, s11;
	s22 =	sadd.s32 $0x10, s21  }
0x296: {  	[hbm4b:s22+s3] =	stream.linear.scatter [tilespmem:s12], [sflag:$0xE], $0x80, $0x38;
	[tilespmem:$0x13E00] =	vst v63  }
0x297: {  	s12 =	sadd.s32 $0xD910, s11;
	s22 =	sadd.s32 $0x20, s21  }
0x298: {  	[hbm4b:s22+s3] =	stream.linear.scatter [tilespmem:s12], [sflag:$0xE], $0x80, $0x38;
	[tilespmem:$0x13E00] =	vst v63  }
0x299: {  	s12 =	sadd.s32 $0xD998, s11;
	s22 =	sadd.s32 $0x30, s21  }
0x29a: {  	[hbm4b:s22+s3] =	stream.linear.scatter [tilespmem:s12], [sflag:$0xE], $0x80, $0x38;
	[tilespmem:$0x13E00] =	vst v63  }
0x29b: {  	s12 =	sadd.s32 $0xDA20, s11;
	s22 =	sadd.s32 $0x40, s21  }
0x29c: {  	[hbm4b:s22+s3] =	stream.linear.scatter [tilespmem:s12], [sflag:$0xE], $0x80, $0x38;
	[tilespmem:$0x13E00] =	vst v63  }
.Ltmp16:
0x29d: {  	s12 =	sadd.s32 $0xDAA8, s11;
	s22 =	sadd.s32 $0x50, s21;
	(pc) =	sbr.rel @p1 .LBB2_29-.Ltmp16, $4  }
0x29e: {  	[hbm4b:s22+s3] =	stream.linear.scatter [tilespmem:s12], [sflag:$0xE], $0x80, $0x38;
	[tilespmem:$0x13E00] =	vst v63  }
0x29f: {  	s12 =	sadd.s32 $0xDB30, s11;
	s22 =	sadd.s32 $0x60, s21;
	s11 =	sadd.s32 $0xDBB8, s11  }
0x2a0: {  	[hbm4b:s22+s3] =	stream.linear.scatter [tilespmem:s12], [sflag:$0xE], $0x80, $0x38;
	[tilespmem:$0x13E00] =	vst v63  }
0x2a1: {  	s22 =	sadd.s32 $0x70, s21;
	s21 =	sadd.s32 $0x1000, s21;
	s12 =	smov.u32 s25  }
0x2a2: {  	[hbm4b:s22+s3] =	stream.linear.scatter [tilespmem:s11], [sflag:$0xE], $0x80, $0x38;
	[tilespmem:$0x13E00] =	vst v63  }
0x2a3: {  	s12 =	sadd.s32 $0xD800, s20  }
0x2a4: {  	[hbm4b:s21+s3] =	stream.linear.scatter [tilespmem:s12], [sflag:$0xE], $0x80, $0x38;
	[tilespmem:$0x13E00] =	vst v63  }
0x2a5: {  	s22 =	sadd.s32 $0xD888, s20;
	s12 =	sadd.s32 $0x10, s21  }
0x2a6: {  	[hbm4b:s12+s3] =	stream.linear.scatter [tilespmem:s22], [sflag:$0xE], $0x80, $0x38;
	[tilespmem:$0x13E00] =	vst v63  }
0x2a7: {  	s25 =	sadd.s32 $0xD910, s20;
	s26 =	sadd.s32 $0x20, s21  }
0x2a8: {  	[hbm4b:s26+s3] =	stream.linear.scatter [tilespmem:s25], [sflag:$0xE], $0x80, $0x38;
	[tilespmem:$0x13E00] =	vst v63  }
0x2a9: {  	s12 =	sadd.s32 $0xD998, s20;
	s22 =	sadd.s32 $0x30, s21  }
0x2aa: {  	[hbm4b:s22+s3] =	stream.linear.scatter [tilespmem:s12], [sflag:$0xE], $0x80, $0x38;
	[tilespmem:$0x13E00] =	vst v63  }
0x2ab: {  	s25 =	sadd.s32 $0xDA20, s20;
	s26 =	sadd.s32 $0x40, s21  }
0x2ac: {  	[hbm4b:s26+s3] =	stream.linear.scatter [tilespmem:s25], [sflag:$0xE], $0x80, $0x38;
	[tilespmem:$0x13E00] =	vst v63  }
0x2ad: {  	s12 =	sadd.s32 $0xDAA8, s20;
	s22 =	sadd.s32 $0x50, s21  }
0x2ae: {  	[hbm4b:s22+s3] =	stream.linear.scatter [tilespmem:s12], [sflag:$0xE], $0x80, $0x38;
	[tilespmem:$0x13E00] =	vst v63  }
0x2af: {  	s25 =	sadd.s32 $0xDB30, s20;
	s26 =	sadd.s32 $0x60, s21  }
0x2b0: {  	[hbm4b:s26+s3] =	stream.linear.scatter [tilespmem:s25], [sflag:$0xE], $0x80, $0x38;
	[tilespmem:$0x13E00] =	vst v63  }
0x2b1: {  	s11 =	simm.s32 @!p0 $0x2;
	s20 =	sadd.s32 $0xDBB8, s20;
	s21 =	sadd.s32 $0x70, s21  }
0x2b2: {  	[hbm4b:s21+s3] =	stream.linear.scatter [tilespmem:s20], [sflag:$0xE], $0x80, $0x38;
	[tilespmem:$0x13E00] =	vst v63  }
0x2b3: {  	_ =	swait.ge @!p0 [sflag:s11], $0x80  }
0x2b4: {  	s12 =	simm.s32 @!p0 $0x3280;
	[sflag:s11] =	ssyncset.done @!p0 $0x0  }
0x2b5: {  	s20 =	simm.s32 @!p0 $0x5600;
	[sflag:s11] =	ssyncadd.s32 @!p0 $0xFFFFFF80;
	s11 =	simm.s32 @!p0 $0x80  }
0x2b6: {  	[tilespmem:s20], [sflag:$0xA] =	stream.indirect.gather @!p0 [hbm4b:s4+s11], $0x40, s12, s11, $0xb8;
	[tilespmem:$0x13E00] =	vst v63  }
0x2b7: {  	s11 =	rddreg [dreg:$0x12]  }
0x2b8: {  	s12 =	simm.s32 @!p0 $0x0;
	s20 =	simm.s32 @!p0 $0x3480;
	s11 =	sadd.s32 @!p0 s17, s11  }
0x2b9: {  	[tilespmem:s20], [sflag:$0x6] =	stream.linear.gather @!p0 [hbm4b:s11+s12], $0x80, $0x38;
	[tilespmem:$0x13E00] =	vst v63  }
0x2ba: {  	_ =	swait.ge [sflag:s15], $0x2000  }
0x2bb: {  	[sflag:s15] =	ssyncset.done $0x0  }
0x2bc: {  	[sflag:s15] =	ssyncadd.s32 $0xFFFFE000  }
0x2bd: {  	_ =	swait.ge [sflag:s10], $0x2000  }
0x2be: {  	s22 =	sshll.u32 s19, $0x6;
	[sflag:s10] =	ssyncset.done $0x0  }
0x2bf: {  	s11 =	sand.u32 $0x3FFFFFC0, s22;
	[sflag:s10] =	ssyncadd.s32 $0xFFFFE000  }
0x2c0: {  	v4 =	vld [tilespmem:s11+$0x0]  }
0x2c1: {  	v5 =	vld [tilespmem:s11+$0x10]  }
0x2c2: {  	v6 =	vld [tilespmem:s11+$0x20]  }
0x2c3: {  	s25 =	simm.s32 $0x0;
	s20 =	simm.s32 $0x7640;
	v7 =	vld [tilespmem:s11+$0x30]  }
0x2c4: {  	v10 =	vmov s25;
	v8 =	vld [tilespmem:s20+$0xFFFFFFC0]  }
0x2c5: {  	v10 =	vand.u32 $0x7E, v10;
	v11 =	vld [tilespmem:s20+$0xFFFFFFD0]  }
0x2c6: {  	v13 =	vadd.s32 v0, v10;
	v12 =	vld [tilespmem:s20+$0xFFFFFFE0]  }
0x2c7: {  	s26 =	simm.s32 $0x1;
	v15 =	vadd.s32 v1, v10;
	v14 =	vld [tilespmem:s20+$0xFFFFFFF0]  }
0x2c8: {  	v18 =	vmov s26;
	v17 =	vadd.s32 v2, v10;
	v16 =	vld [tilespmem:s20+$0x0]  }
0x2c9: {  	v18 =	vand.u32 $0x7F, v18;
	v10 =	vadd.s32 v3, v10;
	v19 =	vld [tilespmem:s20+$0x10];
	v8 =	vadd.f32 v8, v4  }
0x2ca: {  	v21 =	vadd.s32 v0, v18;
	v9 =	vld [tilespmem:s20+$0x30];
	v11 =	vadd.f32 v11, v5  }
0x2cb: {  	v20 =	vld [tilespmem:s20+$0x20];
	v12 =	vadd.f32 v12, v6;
	[tilespmem:v13+s30+$0x0] =	vst.idx.msk $0xffff, v8;
	v8 =	vadd.s32 v1, v18  }
0x2cc: {  	v61 =	vadd.f32 v14, v7;
	[tilespmem:v15+s30+$0x0] =	vst.idx.msk $0xffff, v11  }
0x2cd: {  	v62 =	vadd.f32 v16, v4;
	[tilespmem:v17+s30+$0x0] =	vst.idx.msk $0xffff, v12  }
0x2ce: {  	v63 =	vadd.f32 v19, v5;
	v11 =	vadd.s32 v2, v18;
	[tilespmem:v10+s30+$0x0] =	vst.idx.msk $0xffff, v61  }
0x2cf: {  	[tilespmem:v21+s30+$0x0] =	vst.idx.msk $0xffff, v62  }
0x2d0: {  	[tilespmem:v8+s30+$0x0] =	vst.idx.msk $0xffff, v63;
	v8 =	vadd.s32 v3, v18  }
0x2d1: {  	v10 =	vadd.f32 v20, v6;
	_ =	sdelay $0x1  }
0x2d2: {  	s12 =	simm.s32 $0x2;
	v9 =	vadd.f32 v9, v7;
	[tilespmem:v11+s30+$0x0] =	vst.idx.msk $0xffff, v10  }
.LBB2_31:
0x2d3: {  	p1 =	sne.s32 s12, $0x7E  }
0x2d4: {  	[tilespmem:v8+s30+$0x0] =	vst.idx.msk $0xffff, v9;
	s20 =	sadd.s32 $0x80, s20;
	s11 =	smov.u32 s12;
	s12 =	sadd.s32 $0x2, s12  }
0x2d5: {  	v9 =	vld [tilespmem:s20+$0x30]  }
0x2d6: {  	v10 =	vmov s11;
	v8 =	vld [tilespmem:s20+$0xFFFFFFC0]  }
0x2d7: {  	v10 =	vand.u32 $0x7E, v10;
	v11 =	vld [tilespmem:s20+$0xFFFFFFD0]  }
0x2d8: {  	v13 =	vadd.s32 v0, v10;
	v12 =	vld [tilespmem:s20+$0xFFFFFFE0]  }
0x2d9: {  	s11 =	sadd.s32 $0x1, s11;
	v15 =	vadd.s32 v1, v10;
	v14 =	vld [tilespmem:s20+$0xFFFFFFF0]  }
0x2da: {  	v18 =	vmov s11;
	v17 =	vadd.s32 v2, v10;
	v16 =	vld [tilespmem:s20+$0x0]  }
0x2db: {  	v10 =	vadd.s32 v3, v10;
	v18 =	vand.u32 $0x7F, v18;
	v8 =	vadd.f32 v8, v4;
	v19 =	vld [tilespmem:s20+$0x10]  }
0x2dc: {  	v21 =	vadd.s32 v0, v18;
	v11 =	vadd.f32 v11, v5;
	v20 =	vld [tilespmem:s20+$0x20]  }
0x2dd: {  	v12 =	vadd.f32 v12, v6;
	[tilespmem:v13+s30+$0x0] =	vst.idx.msk $0xffff, v8;
	v13 =	vadd.s32 v1, v18  }
0x2de: {  	v14 =	vadd.f32 v14, v7;
	[tilespmem:v15+s30+$0x0] =	vst.idx.msk $0xffff, v11;
	v11 =	vadd.s32 v2, v18  }
.Ltmp17:
0x2df: {  	v8 =	vadd.s32 v3, v18;
	v15 =	vadd.f32 v16, v4;
	[tilespmem:v17+s30+$0x0] =	vst.idx.msk $0xffff, v12;
	(pc) =	sbr.rel @p1 .LBB2_31-.Ltmp17, $4  }
0x2e0: {  	v12 =	vadd.f32 v19, v5;
	[tilespmem:v10+s30+$0x0] =	vst.idx.msk $0xffff, v14  }
0x2e1: {  	v10 =	vadd.f32 v20, v6;
	[tilespmem:v21+s30+$0x0] =	vst.idx.msk $0xffff, v15  }
0x2e2: {  	v9 =	vadd.f32 v9, v7;
	[tilespmem:v13+s30+$0x0] =	vst.idx.msk $0xffff, v12  }
0x2e3: {  	[tilespmem:v11+s30+$0x0] =	vst.idx.msk $0xffff, v10  }
0x2e4: {  	_ = 	snop  }
0x2e5: {  	s11 =	sshll.u32 s19, $0x12  }
0x2e6: {  	s11 =	sor.u32 s14, s11  }
0x2e7: {  	s11 =	sshrl.u32 s11, $0x3  }
0x2e8: {  	[tilespmem:v8+s30+$0x0] =	vst.idx.msk $0xffff, v9;
	s12 =	simm.s32 $0xFA00;
	s20 =	sadd.s32 s2, s11  }
0x2e9: {  	[hbm4b:s20+s3] =	stream.linear.scatter [tilespmem:s12], [sflag:$0xF], $0x80, $0x38;
	[tilespmem:$0x13E00] =	vst v63  }
0x2ea: {  	s19 =	simm.s32 $0xFA88;
	s12 =	sadd.s32 $0x10, s20  }
0x2eb: {  	[hbm4b:s12+s3] =	stream.linear.scatter [tilespmem:s19], [sflag:$0xF], $0x80, $0x38;
	[tilespmem:$0x13E00] =	vst v63  }
0x2ec: {  	s21 =	simm.s32 $0xFB10;
	s25 =	simm.s32 $0xFB98;
	s22 =	sadd.s32 $0x20, s20  }
0x2ed: {  	[hbm4b:s22+s3] =	stream.linear.scatter [tilespmem:s21], [sflag:$0xF], $0x80, $0x38;
	[tilespmem:$0x13E00] =	vst v63  }
0x2ee: {  	s11 =	simm.s32 $0xFDB8;
	s26 =	sadd.s32 $0x30, s20;
	s12 =	simm.s32 $0xFC20  }
0x2ef: {  	[hbm4b:s26+s3] =	stream.linear.scatter [tilespmem:s25], [sflag:$0xF], $0x80, $0x38;
	[tilespmem:$0x13E00] =	vst v63  }
0x2f0: {  	s19 =	sadd.s32 $0x40, s20;
	s21 =	simm.s32 $0xFCA8;
	s22 =	sadd.s32 $0x50, s20  }
0x2f1: {  	[hbm4b:s19+s3] =	stream.linear.scatter [tilespmem:s12], [sflag:$0xF], $0x80, $0x38;
	[tilespmem:$0x13E00] =	vst v63  }
0x2f2: {  	s25 =	simm.s32 $0xFD30;
	s26 =	sadd.s32 $0x60, s20;
	s19 =	simm.s32 $0x440  }
0x2f3: {  	[hbm4b:s22+s3] =	stream.linear.scatter [tilespmem:s21], [sflag:$0xF], $0x80, $0x38;
	[tilespmem:$0x13E00] =	vst v63  }
0x2f4: {  	s12 =	simm.s32 $0x2200;
	s21 =	sadd.s32 $0x70, s20;
	s20 =	sadd.s32 $0x1000, s20  }
0x2f5: {  	[hbm4b:s26+s3] =	stream.linear.scatter [tilespmem:s25], [sflag:$0xF], $0x80, $0x38;
	[tilespmem:$0x13E00] =	vst v63  }
.LBB2_33:
0x2f6: {  	[hbm4b:s21+s3] =	stream.linear.scatter [tilespmem:s11], [sflag:$0xF], $0x80, $0x38;
	[tilespmem:$0x13E00] =	vst v63  }
0x2f7: {  	s11 =	smov.u32 s19;
	s19 =	smov.u32 s12  }
0x2f8: {  	s22 =	sadd.s32 $0x1100, s12;
	s19 =	sshra.s32 s19, $0x2;
	s21 =	sadd.s32 $0xFA00, s11  }
0x2f9: {  	[hbm4b:s20+s3] =	stream.linear.scatter [tilespmem:s21], [sflag:$0xF], $0x80, $0x38;
	[tilespmem:$0x13E00] =	vst v63  }
0x2fa: {  	p1 =	sne.s32 s12, $0x7700;
	s12 =	sadd.s32 $0xFA88, s11;
	s21 =	sadd.s32 $0x10, s20  }
0x2fb: {  	[hbm4b:s21+s3] =	stream.linear.scatter [tilespmem:s12], [sflag:$0xF], $0x80, $0x38;
	[tilespmem:$0x13E00] =	vst v63  }
0x2fc: {  	s12 =	sadd.s32 $0xFB10, s11;
	s21 =	sadd.s32 $0x20, s20  }
0x2fd: {  	[hbm4b:s21+s3] =	stream.linear.scatter [tilespmem:s12], [sflag:$0xF], $0x80, $0x38;
	[tilespmem:$0x13E00] =	vst v63  }
0x2fe: {  	s12 =	sadd.s32 $0xFB98, s11;
	s21 =	sadd.s32 $0x30, s20  }
0x2ff: {  	[hbm4b:s21+s3] =	stream.linear.scatter [tilespmem:s12], [sflag:$0xF], $0x80, $0x38;
	[tilespmem:$0x13E00] =	vst v63  }
0x300: {  	s12 =	sadd.s32 $0xFC20, s11;
	s21 =	sadd.s32 $0x40, s20  }
0x301: {  	[hbm4b:s21+s3] =	stream.linear.scatter [tilespmem:s12], [sflag:$0xF], $0x80, $0x38;
	[tilespmem:$0x13E00] =	vst v63  }
.Ltmp18:
0x302: {  	s12 =	sadd.s32 $0xFCA8, s11;
	s21 =	sadd.s32 $0x50, s20;
	(pc) =	sbr.rel @p1 .LBB2_33-.Ltmp18, $4  }
0x303: {  	[hbm4b:s21+s3] =	stream.linear.scatter [tilespmem:s12], [sflag:$0xF], $0x80, $0x38;
	[tilespmem:$0x13E00] =	vst v63  }
0x304: {  	s12 =	sadd.s32 $0xFD30, s11;
	s21 =	sadd.s32 $0x60, s20;
	s11 =	sadd.s32 $0xFDB8, s11  }
0x305: {  	[hbm4b:s21+s3] =	stream.linear.scatter [tilespmem:s12], [sflag:$0xF], $0x80, $0x38;
	[tilespmem:$0x13E00] =	vst v63  }
0x306: {  	s21 =	sadd.s32 $0x70, s20;
	s20 =	sadd.s32 $0x1000, s20;
	s12 =	smov.u32 s22  }
0x307: {  	[hbm4b:s21+s3] =	stream.linear.scatter [tilespmem:s11], [sflag:$0xF], $0x80, $0x38;
	[tilespmem:$0x13E00] =	vst v63  }
0x308: {  	s21 =	sadd.s32 $0xFA00, s19  }
0x309: {  	[hbm4b:s20+s3] =	stream.linear.scatter [tilespmem:s21], [sflag:$0xF], $0x80, $0x38;
	[tilespmem:$0x13E00] =	vst v63  }
0x30a: {  	s22 =	sadd.s32 $0xFA88, s19;
	s12 =	sadd.s32 $0x10, s20  }
0x30b: {  	[hbm4b:s12+s3] =	stream.linear.scatter [tilespmem:s22], [sflag:$0xF], $0x80, $0x38;
	[tilespmem:$0x13E00] =	vst v63  }
0x30c: {  	s25 =	sadd.s32 $0xFB10, s19;
	s26 =	sadd.s32 $0x20, s20  }
0x30d: {  	[hbm4b:s26+s3] =	stream.linear.scatter [tilespmem:s25], [sflag:$0xF], $0x80, $0x38;
	[tilespmem:$0x13E00] =	vst v63  }
0x30e: {  	s21 =	sadd.s32 $0xFB98, s19;
	s22 =	sadd.s32 $0x30, s20  }
0x30f: {  	[hbm4b:s22+s3] =	stream.linear.scatter [tilespmem:s21], [sflag:$0xF], $0x80, $0x38;
	[tilespmem:$0x13E00] =	vst v63  }
0x310: {  	s25 =	sadd.s32 $0xFC20, s19;
	s26 =	sadd.s32 $0x40, s20  }
0x311: {  	[hbm4b:s26+s3] =	stream.linear.scatter [tilespmem:s25], [sflag:$0xF], $0x80, $0x38;
	[tilespmem:$0x13E00] =	vst v63  }
0x312: {  	s21 =	sadd.s32 $0xFCA8, s19;
	s22 =	sadd.s32 $0x50, s20  }
0x313: {  	[hbm4b:s22+s3] =	stream.linear.scatter [tilespmem:s21], [sflag:$0xF], $0x80, $0x38;
	[tilespmem:$0x13E00] =	vst v63  }
0x314: {  	s25 =	sadd.s32 $0xFD30, s19;
	s26 =	sadd.s32 $0x60, s20  }
0x315: {  	[hbm4b:s26+s3] =	stream.linear.scatter [tilespmem:s25], [sflag:$0xF], $0x80, $0x38;
	[tilespmem:$0x13E00] =	vst v63  }
0x316: {  	s11 =	simm.s32 @!p0 $0x3;
	s19 =	sadd.s32 $0xFDB8, s19;
	s21 =	sadd.s32 $0x70, s20  }
0x317: {  	[hbm4b:s21+s3] =	stream.linear.scatter [tilespmem:s19], [sflag:$0xF], $0x80, $0x38;
	[tilespmem:$0x13E00] =	vst v63  }
0x318: {  	_ =	swait.ge @!p0 [sflag:s11], $0x80  }
0x319: {  	s12 =	simm.s32 @!p0 $0x3300;
	[sflag:s11] =	ssyncset.done @!p0 $0x0  }
0x31a: {  	s19 =	simm.s32 @!p0 $0x7600;
	[sflag:s11] =	ssyncadd.s32 @!p0 $0xFFFFFF80;
	s11 =	simm.s32 @!p0 $0x80  }
0x31b: {  	[tilespmem:s19], [sflag:$0xB] =	stream.indirect.gather @!p0 [hbm4b:s4+s11], $0x40, s12, s11, $0xb8;
	[tilespmem:$0x13E00] =	vst v63  }
0x31c: {  	s11 =	rddreg [dreg:$0x13]  }
0x31d: {  	s12 =	simm.s32 @!p0 $0x0;
	s11 =	sadd.s32 @!p0 s17, s11;
	s17 =	simm.s32 @!p0 $0x3500  }
0x31e: {  	[tilespmem:s17], [sflag:$0x7] =	stream.linear.gather @!p0 [hbm4b:s11+s12], $0x80, $0x38;
	[tilespmem:$0x13E00] =	vst v63  }
0x31f: {  	_ =	swait.ge [sflag:s1], $0x2000  }
0x320: {  	[sflag:s1] =	ssyncset.done $0x0  }
0x321: {  	[sflag:s1] =	ssyncadd.s32 $0xFFFFE000  }
0x322: {  	_ =	swait.ge [sflag:s23], $0x2000  }
0x323: {  	s22 =	sshll.u32 s18, $0x6;
	[sflag:s23] =	ssyncset.done $0x0  }
0x324: {  	s11 =	sand.u32 $0x3F80, s22;
	[sflag:s23] =	ssyncadd.s32 $0xFFFFE000  }
0x325: {  	v4 =	vld [tilespmem:s11+$0x40]  }
0x326: {  	v5 =	vld [tilespmem:s11+$0x50]  }
0x327: {  	v6 =	vld [tilespmem:s11+$0x60]  }
0x328: {  	s25 =	simm.s32 $0x0;
	s17 =	simm.s32 $0x9640;
	v7 =	vld [tilespmem:s11+$0x70]  }
0x329: {  	v10 =	vmov s25;
	v8 =	vld [tilespmem:s17+$0xFFFFFFC0]  }
0x32a: {  	v10 =	vand.u32 $0x7E, v10;
	v11 =	vld [tilespmem:s17+$0xFFFFFFD0]  }
0x32b: {  	v13 =	vadd.s32 v0, v10;
	v12 =	vld [tilespmem:s17+$0xFFFFFFE0]  }
0x32c: {  	s26 =	simm.s32 $0x1;
	v15 =	vadd.s32 v1, v10;
	v14 =	vld [tilespmem:s17+$0xFFFFFFF0]  }
0x32d: {  	v18 =	vmov s26;
	v17 =	vadd.s32 v2, v10;
	v16 =	vld [tilespmem:s17+$0x0]  }
0x32e: {  	v18 =	vand.u32 $0x7F, v18;
	v10 =	vadd.s32 v3, v10;
	v19 =	vld [tilespmem:s17+$0x10];
	v8 =	vadd.f32 v8, v4  }
0x32f: {  	v21 =	vadd.s32 v0, v18;
	v9 =	vld [tilespmem:s17+$0x30];
	v11 =	vadd.f32 v11, v5  }
0x330: {  	v20 =	vld [tilespmem:s17+$0x20];
	v12 =	vadd.f32 v12, v6;
	[tilespmem:v13+s0+$0x0] =	vst.idx.msk $0xffff, v8;
	v8 =	vadd.s32 v1, v18  }
0x331: {  	v61 =	vadd.f32 v14, v7;
	[tilespmem:v15+s0+$0x0] =	vst.idx.msk $0xffff, v11  }
0x332: {  	v62 =	vadd.f32 v16, v4;
	[tilespmem:v17+s0+$0x0] =	vst.idx.msk $0xffff, v12  }
0x333: {  	v63 =	vadd.f32 v19, v5;
	v11 =	vadd.s32 v2, v18;
	[tilespmem:v10+s0+$0x0] =	vst.idx.msk $0xffff, v61  }
0x334: {  	[tilespmem:v21+s0+$0x0] =	vst.idx.msk $0xffff, v62  }
0x335: {  	[tilespmem:v8+s0+$0x0] =	vst.idx.msk $0xffff, v63;
	v8 =	vadd.s32 v3, v18  }
0x336: {  	v10 =	vadd.f32 v20, v6;
	_ =	sdelay $0x1  }
0x337: {  	s12 =	simm.s32 $0x2;
	v9 =	vadd.f32 v9, v7;
	[tilespmem:v11+s0+$0x0] =	vst.idx.msk $0xffff, v10  }
.LBB2_35:
0x338: {  	p1 =	sne.s32 s12, $0x7E  }
0x339: {  	[tilespmem:v8+s0+$0x0] =	vst.idx.msk $0xffff, v9;
	s17 =	sadd.s32 $0x80, s17;
	s11 =	smov.u32 s12;
	s12 =	sadd.s32 $0x2, s12  }
0x33a: {  	v9 =	vld [tilespmem:s17+$0x30]  }
0x33b: {  	v10 =	vmov s11;
	v8 =	vld [tilespmem:s17+$0xFFFFFFC0]  }
0x33c: {  	v10 =	vand.u32 $0x7E, v10;
	v11 =	vld [tilespmem:s17+$0xFFFFFFD0]  }
0x33d: {  	v13 =	vadd.s32 v0, v10;
	v12 =	vld [tilespmem:s17+$0xFFFFFFE0]  }
0x33e: {  	s11 =	sadd.s32 $0x1, s11;
	v15 =	vadd.s32 v1, v10;
	v14 =	vld [tilespmem:s17+$0xFFFFFFF0]  }
0x33f: {  	v18 =	vmov s11;
	v17 =	vadd.s32 v2, v10;
	v16 =	vld [tilespmem:s17+$0x0]  }
0x340: {  	v10 =	vadd.s32 v3, v10;
	v18 =	vand.u32 $0x7F, v18;
	v8 =	vadd.f32 v8, v4;
	v19 =	vld [tilespmem:s17+$0x10]  }
0x341: {  	v21 =	vadd.s32 v0, v18;
	v11 =	vadd.f32 v11, v5;
	v20 =	vld [tilespmem:s17+$0x20]  }
0x342: {  	v12 =	vadd.f32 v12, v6;
	[tilespmem:v13+s0+$0x0] =	vst.idx.msk $0xffff, v8;
	v13 =	vadd.s32 v1, v18  }
0x343: {  	v14 =	vadd.f32 v14, v7;
	[tilespmem:v15+s0+$0x0] =	vst.idx.msk $0xffff, v11;
	v11 =	vadd.s32 v2, v18  }
.Ltmp19:
0x344: {  	v8 =	vadd.s32 v3, v18;
	v15 =	vadd.f32 v16, v4;
	[tilespmem:v17+s0+$0x0] =	vst.idx.msk $0xffff, v12;
	(pc) =	sbr.rel @p1 .LBB2_35-.Ltmp19, $4  }
0x345: {  	v12 =	vadd.f32 v19, v5;
	[tilespmem:v10+s0+$0x0] =	vst.idx.msk $0xffff, v14  }
0x346: {  	v10 =	vadd.f32 v20, v6;
	[tilespmem:v21+s0+$0x0] =	vst.idx.msk $0xffff, v15  }
0x347: {  	v9 =	vadd.f32 v9, v7;
	[tilespmem:v13+s0+$0x0] =	vst.idx.msk $0xffff, v12  }
0x348: {  	[tilespmem:v11+s0+$0x0] =	vst.idx.msk $0xffff, v10  }
0x349: {  	_ = 	snop  }
0x34a: {  	s11 =	sshll.u32 s18, $0x12  }
0x34b: {  	s11 =	sor.u32 s14, s11  }
0x34c: {  	s11 =	sshrl.u32 s11, $0x3  }
0x34d: {  	[tilespmem:v8+s0+$0x0] =	vst.idx.msk $0xffff, v9;
	s21 =	simm.s32 $0x11C00;
	s18 =	sadd.s32 s2, s11  }
0x34e: {  	[hbm4b:s18+s3] =	stream.linear.scatter [tilespmem:s21], [sflag:$0x10], $0x80, $0x38;
	[tilespmem:$0x13E00] =	vst v63  }
0x34f: {  	s22 =	simm.s32 $0x11C88;
	s12 =	sadd.s32 $0x10, s18  }
0x350: {  	[hbm4b:s12+s3] =	stream.linear.scatter [tilespmem:s22], [sflag:$0x10], $0x80, $0x38;
	[tilespmem:$0x13E00] =	vst v63  }
0x351: {  	s25 =	simm.s32 $0x11D10;
	s19 =	simm.s32 $0x11E20;
	s26 =	sadd.s32 $0x20, s18  }
0x352: {  	[hbm4b:s26+s3] =	stream.linear.scatter [tilespmem:s25], [sflag:$0x10], $0x80, $0x38;
	[tilespmem:$0x13E00] =	vst v63  }
0x353: {  	s11 =	simm.s32 $0x11FB8;
	s17 =	sadd.s32 $0x30, s18;
	s12 =	simm.s32 $0x11D98  }
0x354: {  	[hbm4b:s17+s3] =	stream.linear.scatter [tilespmem:s12], [sflag:$0x10], $0x80, $0x38;
	[tilespmem:$0x13E00] =	vst v63  }
0x355: {  	s20 =	sadd.s32 $0x40, s18;
	s21 =	simm.s32 $0x11EA8;
	s22 =	sadd.s32 $0x50, s18  }
0x356: {  	[hbm4b:s20+s3] =	stream.linear.scatter [tilespmem:s19], [sflag:$0x10], $0x80, $0x38;
	[tilespmem:$0x13E00] =	vst v63  }
0x357: {  	s25 =	simm.s32 $0x11F30;
	s26 =	sadd.s32 $0x60, s18;
	s17 =	simm.s32 $0x440  }
0x358: {  	[hbm4b:s22+s3] =	stream.linear.scatter [tilespmem:s21], [sflag:$0x10], $0x80, $0x38;
	[tilespmem:$0x13E00] =	vst v63  }
0x359: {  	s12 =	simm.s32 $0x2200;
	s19 =	sadd.s32 $0x70, s18;
	s18 =	sadd.s32 $0x1000, s18  }
0x35a: {  	[hbm4b:s26+s3] =	stream.linear.scatter [tilespmem:s25], [sflag:$0x10], $0x80, $0x38;
	[tilespmem:$0x13E00] =	vst v63  }
.LBB2_37:
0x35b: {  	[hbm4b:s19+s3] =	stream.linear.scatter [tilespmem:s11], [sflag:$0x10], $0x80, $0x38;
	[tilespmem:$0x13E00] =	vst v63  }
0x35c: {  	s11 =	smov.u32 s17;
	s17 =	smov.u32 s12  }
0x35d: {  	s20 =	sadd.s32 $0x1100, s12;
	s17 =	sshra.s32 s17, $0x2;
	s19 =	sadd.s32 $0x11C00, s11  }
0x35e: {  	[hbm4b:s18+s3] =	stream.linear.scatter [tilespmem:s19], [sflag:$0x10], $0x80, $0x38;
	[tilespmem:$0x13E00] =	vst v63  }
0x35f: {  	p1 =	sne.s32 s12, $0x7700;
	s12 =	sadd.s32 $0x11C88, s11;
	s19 =	sadd.s32 $0x10, s18  }
0x360: {  	[hbm4b:s19+s3] =	stream.linear.scatter [tilespmem:s12], [sflag:$0x10], $0x80, $0x38;
	[tilespmem:$0x13E00] =	vst v63  }
0x361: {  	s12 =	sadd.s32 $0x11D10, s11;
	s19 =	sadd.s32 $0x20, s18  }
0x362: {  	[hbm4b:s19+s3] =	stream.linear.scatter [tilespmem:s12], [sflag:$0x10], $0x80, $0x38;
	[tilespmem:$0x13E00] =	vst v63  }
0x363: {  	s12 =	sadd.s32 $0x11D98, s11;
	s19 =	sadd.s32 $0x30, s18  }
0x364: {  	[hbm4b:s19+s3] =	stream.linear.scatter [tilespmem:s12], [sflag:$0x10], $0x80, $0x38;
	[tilespmem:$0x13E00] =	vst v63  }
0x365: {  	s12 =	sadd.s32 $0x11E20, s11;
	s19 =	sadd.s32 $0x40, s18  }
0x366: {  	[hbm4b:s19+s3] =	stream.linear.scatter [tilespmem:s12], [sflag:$0x10], $0x80, $0x38;
	[tilespmem:$0x13E00] =	vst v63  }
.Ltmp20:
0x367: {  	s12 =	sadd.s32 $0x11EA8, s11;
	s19 =	sadd.s32 $0x50, s18;
	(pc) =	sbr.rel @p1 .LBB2_37-.Ltmp20, $4  }
0x368: {  	[hbm4b:s19+s3] =	stream.linear.scatter [tilespmem:s12], [sflag:$0x10], $0x80, $0x38;
	[tilespmem:$0x13E00] =	vst v63  }
0x369: {  	s12 =	sadd.s32 $0x11F30, s11;
	s19 =	sadd.s32 $0x60, s18;
	s11 =	sadd.s32 $0x11FB8, s11  }
0x36a: {  	[hbm4b:s19+s3] =	stream.linear.scatter [tilespmem:s12], [sflag:$0x10], $0x80, $0x38;
	[tilespmem:$0x13E00] =	vst v63  }
0x36b: {  	s19 =	sadd.s32 $0x70, s18;
	s18 =	sadd.s32 $0x1000, s18;
	s12 =	smov.u32 s20  }
0x36c: {  	[hbm4b:s19+s3] =	stream.linear.scatter [tilespmem:s11], [sflag:$0x10], $0x80, $0x38;
	[tilespmem:$0x13E00] =	vst v63  }
0x36d: {  	s25 =	sadd.s32 $0x11C00, s17  }
0x36e: {  	[hbm4b:s18+s3] =	stream.linear.scatter [tilespmem:s25], [sflag:$0x10], $0x80, $0x38;
	[tilespmem:$0x13E00] =	vst v63  }
0x36f: {  	s26 =	sadd.s32 $0x11C88, s17;
	s12 =	sadd.s32 $0x10, s18  }
0x370: {  	[hbm4b:s12+s3] =	stream.linear.scatter [tilespmem:s26], [sflag:$0x10], $0x80, $0x38;
	[tilespmem:$0x13E00] =	vst v63  }
0x371: {  	s19 =	sadd.s32 $0x11D10, s17;
	s20 =	sadd.s32 $0x20, s18  }
0x372: {  	[hbm4b:s20+s3] =	stream.linear.scatter [tilespmem:s19], [sflag:$0x10], $0x80, $0x38;
	[tilespmem:$0x13E00] =	vst v63  }
0x373: {  	s21 =	sadd.s32 $0x11D98, s17;
	s22 =	sadd.s32 $0x30, s18  }
0x374: {  	[hbm4b:s22+s3] =	stream.linear.scatter [tilespmem:s21], [sflag:$0x10], $0x80, $0x38;
	[tilespmem:$0x13E00] =	vst v63  }
0x375: {  	s25 =	sadd.s32 $0x11E20, s17;
	s26 =	sadd.s32 $0x40, s18  }
0x376: {  	[hbm4b:s26+s3] =	stream.linear.scatter [tilespmem:s25], [sflag:$0x10], $0x80, $0x38;
	[tilespmem:$0x13E00] =	vst v63  }
0x377: {  	s19 =	sadd.s32 $0x11EA8, s17;
	s20 =	sadd.s32 $0x50, s18  }
0x378: {  	[hbm4b:s20+s3] =	stream.linear.scatter [tilespmem:s19], [sflag:$0x10], $0x80, $0x38;
	[tilespmem:$0x13E00] =	vst v63  }
.Ltmp21:
0x379: {  	_ = 	snop;
	(pc) =	sbr.rel @p0 .LBB2_40-.Ltmp21, $4  }
0x37a: {  	s21 =	sadd.s32 $0x11F30, s17;
	s22 =	sadd.s32 $0x60, s18  }
0x37b: {  	[hbm4b:s22+s3] =	stream.linear.scatter [tilespmem:s21], [sflag:$0x10], $0x80, $0x38;
	[tilespmem:$0x13E00] =	vst v63  }
0x37c: {  	s25 =	sadd.s32 $0x11FB8, s17;
	s26 =	sadd.s32 $0x70, s18  }
0x37d: {  	[hbm4b:s26+s3] =	stream.linear.scatter [tilespmem:s25], [sflag:$0x10], $0x80, $0x38;
	[tilespmem:$0x13E00] =	vst v63  }
0x37e: {  	s11 =	simm.s32 $0x4  }
0x37f: {  	s22 =	simm.s32 $0x3380;
	_ =	swait.ge [sflag:s11], $0x80  }
.Ltmp22:
0x380: {  	s12 =	simm.s32 $0x9600;
	[sflag:s11] =	ssyncset.done $0x0;
	(pc) =	sbr.rel .LBB2_2-.Ltmp22, $4  }
0x381: {  	s25 =	sshll.u32 s16, $0xC;
	s26 =	rddreg [dreg:$0x14];
	[sflag:s11] =	ssyncadd.s32 $0xFFFFFF80  }
0x382: {  	[tilespmem:s12], [sflag:$0xC] =	stream.indirect.gather [hbm4b:s4+s5], $0x40, s22, s5, $0xb8;
	[tilespmem:$0x13E00] =	vst v63  }
0x383: {  	s16 =	sadd.s32 $0x1, s16;
	s11 =	sadd.s32 s25, s26  }
0x384: {  	[tilespmem:s28], [sflag:$0x8] =	stream.linear.gather [hbm4b:s11+s3], $0x80, $0x38;
	[tilespmem:$0x13E00] =	vst v63  }
.LBB2_41:
0x385: {  	_ =	sfence.sel $0x180000  }
0x386: {  	[bflag:$0x0] =	sbarrier.arrive $0xFFFF  }
0x387: {  	_ =	strace $0x90000047  }
0x388: {  	s0 =	stileid.u32;
	[bflag:$0x2] =	sbarrier.arrive $0xFFFF  }
0x389: {  	p0 =	sne.s32 s0, $0x0;
	s0 =	rddreg [dreg:$0x2]  }
0x38a: {  	s0 =	sadd.s32 @!p0 $0x100000, s0  }
0x38b: {  	[sflag:s0] =	ssyncadd.tile.s32 @!p0 $0x1;
	_ =	shalt  }
.Lfunc_end2:
_tile_overlayer_lowered:
.L_overlay_start_2:
0x38c: {  	(tag) =	ssettag $0x2  }
0x38d: {  	s0 =	rddreg [dreg:$0x0];
	s2 =	stileid.u32  }
0x38e: {  	s1 =	rddreg [dreg:$0x1];
	p0 =	sne.s32 s2, $0x0  }
0x38f: {  	s3 =	rddreg [dreg:$0x2];
	[bflag:$0x3] =	sbarrier.arrive $0xFFFF;
	s2 =	simm.s32 @!p0 $0x1C11  }
0x390: {  	[timem:s3], [sflag:s2] =	dma.local @!p0 [hbm:s0], s1  }
0x391: {  	s0 =	simm.s32 @!p0 $0x11  }
0x392: {  	_ =	swait.ge @!p0 [sflag:s0], s1  }
0x393: {  	s1 =	ssub.s32 @!p0 $0x0, s1;
	[sflag:s0] =	ssyncset.done @!p0 $0x0  }
0x394: {  	[sflag:s0] =	ssyncadd.s32 @!p0 s1  }
0x395: {  	[bflag:$0x3] =	sbarrier.arrive $0xFFFF  }
0x396: {  	_ =	shalt  }

</sc_bundles>
